<compile_context>
chip_gen: v7x
topology: tpu7x:2x2x1
jax: 0.10.2.dev20260603
libtpu: 0.0.44.dev20260713+nightly
codegen_flags: <defaults>
</compile_context>

<pallas_src>
import functools

import jax
import jax.numpy as jnp
from jax import lax
from jax.experimental import pallas as pl
from jax.experimental.pallas import tpu as pltpu
from jax.experimental.pallas import tpu_sc as plsc

_BN_SCALE = float(1.0 / (1.0 + 1e-5) ** 0.5)


def _lane_perm(x, idx):
  return lax.gather(
      x, idx[:, None],
      dimension_numbers=lax.GatherDimensionNumbers(
          offset_dims=(), collapsed_slice_dims=(0,), start_index_map=(0,)),
      slice_sizes=(1,),
      mode=lax.GatherScatterMode.PROMISE_IN_BOUNDS)


_NC = 2
_NS = 16
_NW = _NC * _NS
_L = 16
_CH = 128
_NBUF = 3


@functools.lru_cache(maxsize=None)
def _build(B, D):
  b_per_w = B // _NW
  nch = b_per_w // _CH
  nk = D // _L
  mesh = plsc.VectorSubcoreMesh(
      core_axis_name="c", subcore_axis_name="s",
      num_cores=_NC, num_subcores=_NS)

  @functools.partial(
      pl.kernel,
      out_type=jax.ShapeDtypeStruct((B,), jnp.float32),
      mesh=mesh,
      compiler_params=pltpu.CompilerParams(needs_layout_passes=False,
                                           skip_device_barrier=True),
      scratch_types=[
          pltpu.VMEM((nch, _CH), jnp.int32),
          pltpu.VMEM((nch, _CH), jnp.int32),
          pltpu.VMEM((_NBUF, _CH, D), jnp.float32),
          pltpu.VMEM((_NBUF, _CH, D), jnp.float32),
          pltpu.VMEM((b_per_w,), jnp.float32),
          pltpu.VMEM((b_per_w,), jnp.float32),
          pltpu.VMEM((b_per_w,), jnp.float32),
          pltpu.VMEM((_L,), jnp.float32),
          pltpu.VMEM((D,), jnp.float32),
          pltpu.VMEM((D,), jnp.float32),
          pltpu.VMEM((D,), jnp.float32),
          pltpu.VMEM((D,), jnp.float32),
          pltpu.SemaphoreType.DMA,
          pltpu.SemaphoreType.DMA,
          pltpu.SemaphoreType.DMA,
          pltpu.SemaphoreType.DMA,
          pltpu.SemaphoreType.DMA,
          pltpu.SemaphoreType.DMA,
          pltpu.SemaphoreType.DMA,
          pltpu.SemaphoreType.DMA,
          pltpu.SemaphoreType.DMA,
      ],
  )
  def sc_kernel(idx_u_hbm, idx_i_hbm, ut_hbm, it_hbm,
                gu_hbm, bu_hbm, gi_hbm, bi_hbm, gb_hbm, ub_hbm, ib_hbm,
                out_hbm,
                idx_uv, idx_iv, ubuf, ibuf, outv, ubv, ibv, gbv,
                guv, buv, giv, biv,
                sem_u0, sem_u1, sem_u2, sem_u3,
                sem_i0, sem_i1, sem_i2, sem_i3, sem_x):
    wid = lax.axis_index("s") * _NC + lax.axis_index("c")
    base_row = wid * b_per_w

    idx_cps = []
    for c in range(nch):
      src = idx_u_hbm.at[pl.ds(base_row + c * _CH, _CH)]
      idx_cps.append(pltpu.async_copy(src, idx_uv.at[c], sem_x))
      src = idx_i_hbm.at[pl.ds(base_row + c * _CH, _CH)]
      idx_cps.append(pltpu.async_copy(src, idx_iv.at[c], sem_x))
    for cp in idx_cps:
      cp.wait()

    sems_u = [sem_u0, sem_u1, sem_u2, sem_u3]
    sems_i = [sem_i0, sem_i1, sem_i2, sem_i3]

    def start(c):
      slot = c % _NBUF
      hu = pltpu.async_copy(ut_hbm.at[idx_uv.at[c]], ubuf.at[slot],
                            sems_u[slot])
      hi = pltpu.async_copy(it_hbm.at[idx_iv.at[c]], ibuf.at[slot],
                            sems_i[slot])
      return hu, hi

    for c in range(min(_NBUF, nch)):
      start(c)

    pltpu.sync_copy(gu_hbm, guv)
    pltpu.sync_copy(bu_hbm, buv)
    pltpu.sync_copy(gi_hbm, giv)
    pltpu.sync_copy(bi_hbm, biv)
    pltpu.sync_copy(ub_hbm.at[pl.ds(base_row, b_per_w)], ubv)
    pltpu.sync_copy(ib_hbm.at[pl.ds(base_row, b_per_w)], ibv)
    pltpu.sync_copy(gb_hbm, gbv)

    gus = [guv[pl.ds(k * _L, _L)] * _BN_SCALE for k in range(nk)]
    bus = [buv[pl.ds(k * _L, _L)] for k in range(nk)]
    gis = [giv[pl.ds(k * _L, _L)] * _BN_SCALE for k in range(nk)]
    bis = [biv[pl.ds(k * _L, _L)] for k in range(nk)]

    lanes = lax.iota(jnp.int32, _L)
    idx_hi = [(lanes + (1 << l)) & (_L - 1) for l in range(4)]
    idx_lo = [(lanes - (1 << l)) & (_L - 1) for l in range(4)]
    sel_lo = [(lanes & ((2 << l) - 1)) < (1 << l) for l in range(4)]

    gb = gbv[pl.ds(0, _L)]
    gpc = _CH // _L

    def _group(g, carry):
      for c in range(nch):
        @pl.when(g == c * gpc)
        def _(c=c):
          slot = c % _NBUF
          pltpu.make_async_copy(ut_hbm.at[idx_uv.at[c]], ubuf.at[slot],
                                sems_u[slot]).wait()
          pltpu.make_async_copy(it_hbm.at[idx_iv.at[c]], ibuf.at[slot],
                                sems_i[slot]).wait()

      slot = (g // gpc) % _NBUF

      pending = []

      def merge(x, y, lvl):
        zx = x + _lane_perm(x, idx_hi[lvl])
        zy = y + _lane_perm(y, idx_lo[lvl])
        return jnp.where(sel_lo[lvl], zx, zy)

      rbase = (g % gpc) * _L
      for j in range(_L):
        r = rbase + j
        ps = []
        for k in range(nk):
          sl = pl.ds(k * _L, _L)
          u = ubuf[slot, r, sl]
          i = ibuf[slot, r, sl]
          ue = u * gus[k] + bus[k]
          ie = i * gis[k] + bis[k]
          ps.append(ue * ie)
        while len(ps) > 1:
          ps = [ps[a] + ps[a + 1] for a in range(0, len(ps), 2)]
        node = (0, ps[0])
        while pending and pending[-1][0] == node[0]:
          prev = pending.pop()
          node = (node[0] + 1, merge(prev[1], node[1], node[0]))
        pending.append(node)

      osl = pl.ds(g * _L, _L)
      outv[osl] = pending[0][1] + ubv[osl] + ibv[osl] + gb

      for c in range(nch - _NBUF):
        @pl.when(g == (c + 1) * gpc - 1)
        def _(c=c):
          start(c + _NBUF)
      return carry

    lax.fori_loop(0, nch * gpc, _group, 0)
    pltpu.sync_copy(outv, out_hbm.at[pl.ds(base_row, b_per_w)])

  return sc_kernel


def kernel(users_ids, items_ids, user_table, item_table,
           user_bn_gamma, user_bn_beta, item_bn_gamma, item_bn_beta,
           global_bias, user_bias, item_bias):
  B = users_ids.shape[0]
  D = user_table.shape[1]
  idx_u = users_ids.astype(jnp.int32)
  idx_i = items_ids.astype(jnp.int32)
  gb = jnp.broadcast_to(global_bias.astype(jnp.float32).reshape(1), (_L,))
  return _build(B, D)(idx_u, idx_i, user_table, item_table,
                      user_bn_gamma, user_bn_beta, item_bn_gamma,
                      item_bn_beta, gb, user_bias, item_bias)

# --- scband reference (transcript-rebuilt; emitter-appended) ---
"""Pipeline reference for scband-matrix-factorization-85985245266051 (READ-ONLY COPY).

The authoritative reference and input builder live on the scoring server;
editing this copy changes nothing except your own understanding.
"""

import jax, jax.numpy as jnp
import numpy as np

NUM_USERS = 16384
N_ITEMS = 16384
BATCH = 16384
DIM = 128
EPS = 1e-5


def setup_inputs(seed: int = 0) -> dict:
    key = jax.random.key(seed)
    ks = jax.random.split(key, 6)
    return {
        "users_ids": jax.random.randint(ks[0], (BATCH,), 0, NUM_USERS, dtype=jnp.int32).astype(jnp.int64) if False else jax.random.randint(ks[0], (BATCH,), 0, NUM_USERS),
        "items_ids": jax.random.randint(ks[1], (BATCH,), 0, N_ITEMS),
        "user_table": jax.random.normal(ks[2], (NUM_USERS, DIM), dtype=jnp.float32) * 0.001,
        "item_table": jax.random.normal(ks[3], (N_ITEMS, DIM), dtype=jnp.float32) * 0.001,
        "user_bn_gamma": jnp.ones((DIM,), dtype=jnp.float32),
        "user_bn_beta": jnp.zeros((DIM,), dtype=jnp.float32),
        "item_bn_gamma": jnp.ones((DIM,), dtype=jnp.float32),
        "item_bn_beta": jnp.zeros((DIM,), dtype=jnp.float32),
        "global_bias": jnp.zeros((1,), dtype=jnp.float32),
        "user_bias": jax.random.normal(ks[4], (NUM_USERS,), dtype=jnp.float32) * 0.001,
        "item_bias": jax.random.normal(ks[5], (N_ITEMS,), dtype=jnp.float32) * 0.001,
    }


def _bn_eval(x, gamma, beta):
    # BatchNorm1d in eval mode with default running stats: mean=0, var=1
    return (x - 0.0) / jnp.sqrt(1.0 + EPS) * gamma + beta


def reference(users_ids, items_ids, user_table, item_table,
              user_bn_gamma, user_bn_beta, item_bn_gamma, item_bn_beta,
              global_bias, user_bias, item_bias):
    # embedding lookups (gather)
    user_embeds = jnp.take(user_table, users_ids, axis=0)
    item_embeds = jnp.take(item_table, items_ids, axis=0)
    # dropout is identity in eval mode
    user_embeds = _bn_eval(user_embeds, user_bn_gamma, user_bn_beta)
    item_embeds = _bn_eval(item_embeds, item_bn_gamma, item_bn_beta)
    # per-example indexed biases are computed in the original forward but never used
    _ub = user_bias[users_ids]
    _ib = item_bias[items_ids]
    prediction = jnp.sum(user_embeds * item_embeds, axis=1)
    # faithful to original (buggy) forward: adds FULL bias vectors, not the gathered ones
    prediction = prediction + jnp.squeeze(global_bias)
    prediction = prediction + user_bias
    prediction = prediction + item_bias
    return prediction


if False:  # reference __main__ guard neutralized (emitter)
    out = reference(**setup_inputs())
    print(out.shape, out.dtype)

if __name__ == "__main__":
    import jax
    _d = setup_inputs()
    print(jax.jit(kernel)(*tuple(_d.values())))

</pallas_src>

<mosaic_0001>
#map = affine_map<(d0, d1) -> (0)>
#map1 = affine_map<(d0, d1) -> (0, 0)>
module attributes {stable_mosaic.version = 14 : i64} {
  func.func @sc_kernel(%arg0: i32, %arg1: i32, %arg2: memref<16384xi32, #tpu.memory_space<hbm>>, %arg3: memref<16384xi32, #tpu.memory_space<hbm>>, %arg4: memref<16384x128xf32, #tpu.memory_space<hbm>>, %arg5: memref<16384x128xf32, #tpu.memory_space<hbm>>, %arg6: memref<128xf32, #tpu.memory_space<hbm>>, %arg7: memref<128xf32, #tpu.memory_space<hbm>>, %arg8: memref<128xf32, #tpu.memory_space<hbm>>, %arg9: memref<128xf32, #tpu.memory_space<hbm>>, %arg10: memref<16xf32, #tpu.memory_space<hbm>>, %arg11: memref<16384xf32, #tpu.memory_space<hbm>>, %arg12: memref<16384xf32, #tpu.memory_space<hbm>>, %arg13: memref<16384xf32, #tpu.memory_space<hbm>>, %arg14: memref<4x128xi32, #tpu.memory_space<vmem>>, %arg15: memref<4x128xi32, #tpu.memory_space<vmem>>, %arg16: memref<3x128x128xf32, #tpu.memory_space<vmem>>, %arg17: memref<3x128x128xf32, #tpu.memory_space<vmem>>, %arg18: memref<512xf32, #tpu.memory_space<vmem>>, %arg19: memref<512xf32, #tpu.memory_space<vmem>>, %arg20: memref<512xf32, #tpu.memory_space<vmem>>, %arg21: memref<16xf32, #tpu.memory_space<vmem>>, %arg22: memref<128xf32, #tpu.memory_space<vmem>>, %arg23: memref<128xf32, #tpu.memory_space<vmem>>, %arg24: memref<128xf32, #tpu.memory_space<vmem>>, %arg25: memref<128xf32, #tpu.memory_space<vmem>>, %arg26: memref<!tpu.dma_semaphore, #tpu.memory_space<semaphore_mem>>, %arg27: memref<!tpu.dma_semaphore, #tpu.memory_space<semaphore_mem>>, %arg28: memref<!tpu.dma_semaphore, #tpu.memory_space<semaphore_mem>>, %arg29: memref<!tpu.dma_semaphore, #tpu.memory_space<semaphore_mem>>, %arg30: memref<!tpu.dma_semaphore, #tpu.memory_space<semaphore_mem>>, %arg31: memref<!tpu.dma_semaphore, #tpu.memory_space<semaphore_mem>>, %arg32: memref<!tpu.dma_semaphore, #tpu.memory_space<semaphore_mem>>, %arg33: memref<!tpu.dma_semaphore, #tpu.memory_space<semaphore_mem>>, %arg34: memref<!tpu.dma_semaphore, #tpu.memory_space<semaphore_mem>>) attributes {dimension_semantics = [#tpu.dimension_semantics<core_parallel>, #tpu.dimension_semantics<subcore_parallel>], iteration_bounds = array<i64: 2, 16>, scalar_prefetch = 0 : i64, scratch_operands = 21 : i64, tpu.core_type = #tpu.core_type<sc_vector_subcore>, window_params = [{transform_indices = #map}, {transform_indices = #map}, {transform_indices = #map1}, {transform_indices = #map1}, {transform_indices = #map}, {transform_indices = #map}, {transform_indices = #map}, {transform_indices = #map}, {transform_indices = #map}, {transform_indices = #map}, {transform_indices = #map}, {transform_indices = #map}]} {
    %mul3A = arith.constant 2 : i32
    %mul3A_0 = arith.muli %arg1, %mul3A : i32
    %add3A = arith.addi %mul3A_0, %arg0 : i32
    %mul3A_1 = arith.constant 512 : i32
    %mul3A_2 = arith.muli %add3A, %mul3A_1 : i32
    %add3A_3 = arith.constant 0 : i32
    %add3A_4 = arith.addi %mul3A_2, %add3A_3 : i32
    %dma_start3A = arith.constant 0 : i32
    %dma_start3A_5 = arith.constant 0 : i32
    %dma_start3A_6 = tpu.memref_slice %arg14[%dma_start3A, %dma_start3A_5] : memref<4x128xi32, #tpu.memory_space<vmem>> -> memref<1x128xi32, #tpu.memory_space<vmem>>
    %dma_start3A_7 = tpu.memref_squeeze %dma_start3A_6 : memref<1x128xi32, #tpu.memory_space<vmem>> -> memref<128xi32, #tpu.memory_space<vmem>>
    %dma_start3A_8 = tpu.memref_slice %arg2[%add3A_4] : memref<16384xi32, #tpu.memory_space<hbm>> -> memref<128xi32, #tpu.memory_space<hbm>>
    %dma_start3A_9 = arith.constant 0 : i32
    %dma_start3A_10 = tpu.memref_slice %arg14[%dma_start3A, %dma_start3A_9] : memref<4x128xi32, #tpu.memory_space<vmem>> -> memref<1x128xi32, #tpu.memory_space<vmem>>
    %dma_start3A_11 = tpu.memref_squeeze %dma_start3A_10 : memref<1x128xi32, #tpu.memory_space<vmem>> -> memref<128xi32, #tpu.memory_space<vmem>>
    %dma_start3A_12 = tpu.memref_slice %arg2[%add3A_4] : memref<16384xi32, #tpu.memory_space<hbm>> -> memref<128xi32, #tpu.memory_space<hbm>>
    tpu.enqueue_dma source(%dma_start3A_12 : memref<128xi32, #tpu.memory_space<hbm>>) target(%dma_start3A_11 : memref<128xi32, #tpu.memory_space<vmem>>) target_semaphore(%arg34 : memref<!tpu.dma_semaphore, #tpu.memory_space<semaphore_mem>>)
    %add3A_13 = arith.constant 0 : i32
    %add3A_14 = arith.addi %mul3A_2, %add3A_13 : i32
    %dma_start3A_15 = arith.constant 0 : i32
    %dma_start3A_16 = arith.constant 0 : i32
    %dma_start3A_17 = tpu.memref_slice %arg15[%dma_start3A_15, %dma_start3A_16] : memref<4x128xi32, #tpu.memory_space<vmem>> -> memref<1x128xi32, #tpu.memory_space<vmem>>
    %dma_start3A_18 = tpu.memref_squeeze %dma_start3A_17 : memref<1x128xi32, #tpu.memory_space<vmem>> -> memref<128xi32, #tpu.memory_space<vmem>>
    %dma_start3A_19 = tpu.memref_slice %arg3[%add3A_14] : memref<16384xi32, #tpu.memory_space<hbm>> -> memref<128xi32, #tpu.memory_space<hbm>>
    %dma_start3A_20 = arith.constant 0 : i32
    %dma_start3A_21 = tpu.memref_slice %arg15[%dma_start3A_15, %dma_start3A_20] : memref<4x128xi32, #tpu.memory_space<vmem>> -> memref<1x128xi32, #tpu.memory_space<vmem>>
    %dma_start3A_22 = tpu.memref_squeeze %dma_start3A_21 : memref<1x128xi32, #tpu.memory_space<vmem>> -> memref<128xi32, #tpu.memory_space<vmem>>
    %dma_start3A_23 = tpu.memref_slice %arg3[%add3A_14] : memref<16384xi32, #tpu.memory_space<hbm>> -> memref<128xi32, #tpu.memory_space<hbm>>
    tpu.enqueue_dma source(%dma_start3A_23 : memref<128xi32, #tpu.memory_space<hbm>>) target(%dma_start3A_22 : memref<128xi32, #tpu.memory_space<vmem>>) target_semaphore(%arg34 : memref<!tpu.dma_semaphore, #tpu.memory_space<semaphore_mem>>)
    %add3A_24 = arith.constant 128 : i32
    %add3A_25 = arith.addi %mul3A_2, %add3A_24 : i32
    %dma_start3A_26 = arith.constant 1 : i32
    %dma_start3A_27 = arith.constant 0 : i32
    %dma_start3A_28 = tpu.memref_slice %arg14[%dma_start3A_26, %dma_start3A_27] : memref<4x128xi32, #tpu.memory_space<vmem>> -> memref<1x128xi32, #tpu.memory_space<vmem>>
    %dma_start3A_29 = tpu.memref_squeeze %dma_start3A_28 : memref<1x128xi32, #tpu.memory_space<vmem>> -> memref<128xi32, #tpu.memory_space<vmem>>
    %dma_start3A_30 = tpu.memref_slice %arg2[%add3A_25] : memref<16384xi32, #tpu.memory_space<hbm>> -> memref<128xi32, #tpu.memory_space<hbm>>
    %dma_start3A_31 = arith.constant 0 : i32
    %dma_start3A_32 = tpu.memref_slice %arg14[%dma_start3A_26, %dma_start3A_31] : memref<4x128xi32, #tpu.memory_space<vmem>> -> memref<1x128xi32, #tpu.memory_space<vmem>>
    %dma_start3A_33 = tpu.memref_squeeze %dma_start3A_32 : memref<1x128xi32, #tpu.memory_space<vmem>> -> memref<128xi32, #tpu.memory_space<vmem>>
    %dma_start3A_34 = tpu.memref_slice %arg2[%add3A_25] : memref<16384xi32, #tpu.memory_space<hbm>> -> memref<128xi32, #tpu.memory_space<hbm>>
    tpu.enqueue_dma source(%dma_start3A_34 : memref<128xi32, #tpu.memory_space<hbm>>) target(%dma_start3A_33 : memref<128xi32, #tpu.memory_space<vmem>>) target_semaphore(%arg34 : memref<!tpu.dma_semaphore, #tpu.memory_space<semaphore_mem>>)
    %add3A_35 = arith.constant 128 : i32
    %add3A_36 = arith.addi %mul3A_2, %add3A_35 : i32
    %dma_start3A_37 = arith.constant 1 : i32
    %dma_start3A_38 = arith.constant 0 : i32
    %dma_start3A_39 = tpu.memref_slice %arg15[%dma_start3A_37, %dma_start3A_38] : memref<4x128xi32, #tpu.memory_space<vmem>> -> memref<1x128xi32, #tpu.memory_space<vmem>>
    %dma_start3A_40 = tpu.memref_squeeze %dma_start3A_39 : memref<1x128xi32, #tpu.memory_space<vmem>> -> memref<128xi32, #tpu.memory_space<vmem>>
    %dma_start3A_41 = tpu.memref_slice %arg3[%add3A_36] : memref<16384xi32, #tpu.memory_space<hbm>> -> memref<128xi32, #tpu.memory_space<hbm>>
    %dma_start3A_42 = arith.constant 0 : i32
    %dma_start3A_43 = tpu.memref_slice %arg15[%dma_start3A_37, %dma_start3A_42] : memref<4x128xi32, #tpu.memory_space<vmem>> -> memref<1x128xi32, #tpu.memory_space<vmem>>
    %dma_start3A_44 = tpu.memref_squeeze %dma_start3A_43 : memref<1x128xi32, #tpu.memory_space<vmem>> -> memref<128xi32, #tpu.memory_space<vmem>>
    %dma_start3A_45 = tpu.memref_slice %arg3[%add3A_36] : memref<16384xi32, #tpu.memory_space<hbm>> -> memref<128xi32, #tpu.memory_space<hbm>>
    tpu.enqueue_dma source(%dma_start3A_45 : memref<128xi32, #tpu.memory_space<hbm>>) target(%dma_start3A_44 : memref<128xi32, #tpu.memory_space<vmem>>) target_semaphore(%arg34 : memref<!tpu.dma_semaphore, #tpu.memory_space<semaphore_mem>>)
    %add3A_46 = arith.constant 256 : i32
    %add3A_47 = arith.addi %mul3A_2, %add3A_46 : i32
    %dma_start3A_48 = arith.constant 2 : i32
    %dma_start3A_49 = arith.constant 0 : i32
    %dma_start3A_50 = tpu.memref_slice %arg14[%dma_start3A_48, %dma_start3A_49] : memref<4x128xi32, #tpu.memory_space<vmem>> -> memref<1x128xi32, #tpu.memory_space<vmem>>
    %dma_start3A_51 = tpu.memref_squeeze %dma_start3A_50 : memref<1x128xi32, #tpu.memory_space<vmem>> -> memref<128xi32, #tpu.memory_space<vmem>>
    %dma_start3A_52 = tpu.memref_slice %arg2[%add3A_47] : memref<16384xi32, #tpu.memory_space<hbm>> -> memref<128xi32, #tpu.memory_space<hbm>>
    %dma_start3A_53 = arith.constant 0 : i32
    %dma_start3A_54 = tpu.memref_slice %arg14[%dma_start3A_48, %dma_start3A_53] : memref<4x128xi32, #tpu.memory_space<vmem>> -> memref<1x128xi32, #tpu.memory_space<vmem>>
    %dma_start3A_55 = tpu.memref_squeeze %dma_start3A_54 : memref<1x128xi32, #tpu.memory_space<vmem>> -> memref<128xi32, #tpu.memory_space<vmem>>
    %dma_start3A_56 = tpu.memref_slice %arg2[%add3A_47] : memref<16384xi32, #tpu.memory_space<hbm>> -> memref<128xi32, #tpu.memory_space<hbm>>
    tpu.enqueue_dma source(%dma_start3A_56 : memref<128xi32, #tpu.memory_space<hbm>>) target(%dma_start3A_55 : memref<128xi32, #tpu.memory_space<vmem>>) target_semaphore(%arg34 : memref<!tpu.dma_semaphore, #tpu.memory_space<semaphore_mem>>)
    %add3A_57 = arith.constant 256 : i32
    %add3A_58 = arith.addi %mul3A_2, %add3A_57 : i32
    %dma_start3A_59 = arith.constant 2 : i32
    %dma_start3A_60 = arith.constant 0 : i32
    %dma_start3A_61 = tpu.memref_slice %arg15[%dma_start3A_59, %dma_start3A_60] : memref<4x128xi32, #tpu.memory_space<vmem>> -> memref<1x128xi32, #tpu.memory_space<vmem>>
    %dma_start3A_62 = tpu.memref_squeeze %dma_start3A_61 : memref<1x128xi32, #tpu.memory_space<vmem>> -> memref<128xi32, #tpu.memory_space<vmem>>
    %dma_start3A_63 = tpu.memref_slice %arg3[%add3A_58] : memref<16384xi32, #tpu.memory_space<hbm>> -> memref<128xi32, #tpu.memory_space<hbm>>
    %dma_start3A_64 = arith.constant 0 : i32
    %dma_start3A_65 = tpu.memref_slice %arg15[%dma_start3A_59, %dma_start3A_64] : memref<4x128xi32, #tpu.memory_space<vmem>> -> memref<1x128xi32, #tpu.memory_space<vmem>>
    %dma_start3A_66 = tpu.memref_squeeze %dma_start3A_65 : memref<1x128xi32, #tpu.memory_space<vmem>> -> memref<128xi32, #tpu.memory_space<vmem>>
    %dma_start3A_67 = tpu.memref_slice %arg3[%add3A_58] : memref<16384xi32, #tpu.memory_space<hbm>> -> memref<128xi32, #tpu.memory_space<hbm>>
    tpu.enqueue_dma source(%dma_start3A_67 : memref<128xi32, #tpu.memory_space<hbm>>) target(%dma_start3A_66 : memref<128xi32, #tpu.memory_space<vmem>>) target_semaphore(%arg34 : memref<!tpu.dma_semaphore, #tpu.memory_space<semaphore_mem>>)
    %add3A_68 = arith.constant 384 : i32
    %add3A_69 = arith.addi %mul3A_2, %add3A_68 : i32
    %dma_start3A_70 = arith.constant 3 : i32
    %dma_start3A_71 = arith.constant 0 : i32
    %dma_start3A_72 = tpu.memref_slice %arg14[%dma_start3A_70, %dma_start3A_71] : memref<4x128xi32, #tpu.memory_space<vmem>> -> memref<1x128xi32, #tpu.memory_space<vmem>>
    %dma_start3A_73 = tpu.memref_squeeze %dma_start3A_72 : memref<1x128xi32, #tpu.memory_space<vmem>> -> memref<128xi32, #tpu.memory_space<vmem>>
    %dma_start3A_74 = tpu.memref_slice %arg2[%add3A_69] : memref<16384xi32, #tpu.memory_space<hbm>> -> memref<128xi32, #tpu.memory_space<hbm>>
    %dma_start3A_75 = arith.constant 0 : i32
    %dma_start3A_76 = tpu.memref_slice %arg14[%dma_start3A_70, %dma_start3A_75] : memref<4x128xi32, #tpu.memory_space<vmem>> -> memref<1x128xi32, #tpu.memory_space<vmem>>
    %dma_start3A_77 = tpu.memref_squeeze %dma_start3A_76 : memref<1x128xi32, #tpu.memory_space<vmem>> -> memref<128xi32, #tpu.memory_space<vmem>>
    %dma_start3A_78 = tpu.memref_slice %arg2[%add3A_69] : memref<16384xi32, #tpu.memory_space<hbm>> -> memref<128xi32, #tpu.memory_space<hbm>>
    tpu.enqueue_dma source(%dma_start3A_78 : memref<128xi32, #tpu.memory_space<hbm>>) target(%dma_start3A_77 : memref<128xi32, #tpu.memory_space<vmem>>) target_semaphore(%arg34 : memref<!tpu.dma_semaphore, #tpu.memory_space<semaphore_mem>>)
    %add3A_79 = arith.constant 384 : i32
    %add3A_80 = arith.addi %mul3A_2, %add3A_79 : i32
    %dma_start3A_81 = arith.constant 3 : i32
    %dma_start3A_82 = arith.constant 0 : i32
    %dma_start3A_83 = tpu.memref_slice %arg15[%dma_start3A_81, %dma_start3A_82] : memref<4x128xi32, #tpu.memory_space<vmem>> -> memref<1x128xi32, #tpu.memory_space<vmem>>
    %dma_start3A_84 = tpu.memref_squeeze %dma_start3A_83 : memref<1x128xi32, #tpu.memory_space<vmem>> -> memref<128xi32, #tpu.memory_space<vmem>>
    %dma_start3A_85 = tpu.memref_slice %arg3[%add3A_80] : memref<16384xi32, #tpu.memory_space<hbm>> -> memref<128xi32, #tpu.memory_space<hbm>>
    %dma_start3A_86 = arith.constant 0 : i32
    %dma_start3A_87 = tpu.memref_slice %arg15[%dma_start3A_81, %dma_start3A_86] : memref<4x128xi32, #tpu.memory_space<vmem>> -> memref<1x128xi32, #tpu.memory_space<vmem>>
    %dma_start3A_88 = tpu.memref_squeeze %dma_start3A_87 : memref<1x128xi32, #tpu.memory_space<vmem>> -> memref<128xi32, #tpu.memory_space<vmem>>
    %dma_start3A_89 = tpu.memref_slice %arg3[%add3A_80] : memref<16384xi32, #tpu.memory_space<hbm>> -> memref<128xi32, #tpu.memory_space<hbm>>
    tpu.enqueue_dma source(%dma_start3A_89 : memref<128xi32, #tpu.memory_space<hbm>>) target(%dma_start3A_88 : memref<128xi32, #tpu.memory_space<vmem>>) target_semaphore(%arg34 : memref<!tpu.dma_semaphore, #tpu.memory_space<semaphore_mem>>)
    %dma_wait3A = arith.constant 0 : i32
    %dma_wait3A_90 = arith.constant 0 : i32
    %dma_wait3A_91 = tpu.memref_slice %arg14[%dma_wait3A, %dma_wait3A_90] : memref<4x128xi32, #tpu.memory_space<vmem>> -> memref<1x128xi32, #tpu.memory_space<vmem>>
    %dma_wait3A_92 = tpu.memref_squeeze %dma_wait3A_91 : memref<1x128xi32, #tpu.memory_space<vmem>> -> memref<128xi32, #tpu.memory_space<vmem>>
    %dma_wait3A_93 = tpu.memref_slice %arg2[%add3A_4] : memref<16384xi32, #tpu.memory_space<hbm>> -> memref<128xi32, #tpu.memory_space<hbm>>
    %dma_wait3A_94 = arith.constant 0 : i32
    %dma_wait3A_95 = tpu.memref_slice %arg14[%dma_wait3A, %dma_wait3A_94] : memref<4x128xi32, #tpu.memory_space<vmem>> -> memref<1x128xi32, #tpu.memory_space<vmem>>
    %dma_wait3A_96 = tpu.memref_squeeze %dma_wait3A_95 : memref<1x128xi32, #tpu.memory_space<vmem>> -> memref<128xi32, #tpu.memory_space<vmem>>
    %dma_wait3A_97 = tpu.memref_slice %arg2[%add3A_4] : memref<16384xi32, #tpu.memory_space<hbm>> -> memref<128xi32, #tpu.memory_space<hbm>>
    tpu.wait_dma2 semaphore(%arg34 : memref<!tpu.dma_semaphore, #tpu.memory_space<semaphore_mem>>) src(%dma_wait3A_97 : memref<128xi32, #tpu.memory_space<hbm>>) dst(%dma_wait3A_96 : memref<128xi32, #tpu.memory_space<vmem>>)
    %dma_wait3A_98 = arith.constant 0 : i32
    %dma_wait3A_99 = arith.constant 0 : i32
    %dma_wait3A_100 = tpu.memref_slice %arg15[%dma_wait3A_98, %dma_wait3A_99] : memref<4x128xi32, #tpu.memory_space<vmem>> -> memref<1x128xi32, #tpu.memory_space<vmem>>
    %dma_wait3A_101 = tpu.memref_squeeze %dma_wait3A_100 : memref<1x128xi32, #tpu.memory_space<vmem>> -> memref<128xi32, #tpu.memory_space<vmem>>
    %dma_wait3A_102 = tpu.memref_slice %arg3[%add3A_14] : memref<16384xi32, #tpu.memory_space<hbm>> -> memref<128xi32, #tpu.memory_space<hbm>>
    %dma_wait3A_103 = arith.constant 0 : i32
    %dma_wait3A_104 = tpu.memref_slice %arg15[%dma_wait3A_98, %dma_wait3A_103] : memref<4x128xi32, #tpu.memory_space<vmem>> -> memref<1x128xi32, #tpu.memory_space<vmem>>
    %dma_wait3A_105 = tpu.memref_squeeze %dma_wait3A_104 : memref<1x128xi32, #tpu.memory_space<vmem>> -> memref<128xi32, #tpu.memory_space<vmem>>
    %dma_wait3A_106 = tpu.memref_slice %arg3[%add3A_14] : memref<16384xi32, #tpu.memory_space<hbm>> -> memref<128xi32, #tpu.memory_space<hbm>>
    tpu.wait_dma2 semaphore(%arg34 : memref<!tpu.dma_semaphore, #tpu.memory_space<semaphore_mem>>) src(%dma_wait3A_106 : memref<128xi32, #tpu.memory_space<hbm>>) dst(%dma_wait3A_105 : memref<128xi32, #tpu.memory_space<vmem>>)
    %dma_wait3A_107 = arith.constant 1 : i32
    %dma_wait3A_108 = arith.constant 0 : i32
    %dma_wait3A_109 = tpu.memref_slice %arg14[%dma_wait3A_107, %dma_wait3A_108] : memref<4x128xi32, #tpu.memory_space<vmem>> -> memref<1x128xi32, #tpu.memory_space<vmem>>
    %dma_wait3A_110 = tpu.memref_squeeze %dma_wait3A_109 : memref<1x128xi32, #tpu.memory_space<vmem>> -> memref<128xi32, #tpu.memory_space<vmem>>
    %dma_wait3A_111 = tpu.memref_slice %arg2[%add3A_25] : memref<16384xi32, #tpu.memory_space<hbm>> -> memref<128xi32, #tpu.memory_space<hbm>>
    %dma_wait3A_112 = arith.constant 0 : i32
    %dma_wait3A_113 = tpu.memref_slice %arg14[%dma_wait3A_107, %dma_wait3A_112] : memref<4x128xi32, #tpu.memory_space<vmem>> -> memref<1x128xi32, #tpu.memory_space<vmem>>
    %dma_wait3A_114 = tpu.memref_squeeze %dma_wait3A_113 : memref<1x128xi32, #tpu.memory_space<vmem>> -> memref<128xi32, #tpu.memory_space<vmem>>
    %dma_wait3A_115 = tpu.memref_slice %arg2[%add3A_25] : memref<16384xi32, #tpu.memory_space<hbm>> -> memref<128xi32, #tpu.memory_space<hbm>>
    tpu.wait_dma2 semaphore(%arg34 : memref<!tpu.dma_semaphore, #tpu.memory_space<semaphore_mem>>) src(%dma_wait3A_115 : memref<128xi32, #tpu.memory_space<hbm>>) dst(%dma_wait3A_114 : memref<128xi32, #tpu.memory_space<vmem>>)
    %dma_wait3A_116 = arith.constant 1 : i32
    %dma_wait3A_117 = arith.constant 0 : i32
    %dma_wait3A_118 = tpu.memref_slice %arg15[%dma_wait3A_116, %dma_wait3A_117] : memref<4x128xi32, #tpu.memory_space<vmem>> -> memref<1x128xi32, #tpu.memory_space<vmem>>
    %dma_wait3A_119 = tpu.memref_squeeze %dma_wait3A_118 : memref<1x128xi32, #tpu.memory_space<vmem>> -> memref<128xi32, #tpu.memory_space<vmem>>
    %dma_wait3A_120 = tpu.memref_slice %arg3[%add3A_36] : memref<16384xi32, #tpu.memory_space<hbm>> -> memref<128xi32, #tpu.memory_space<hbm>>
    %dma_wait3A_121 = arith.constant 0 : i32
    %dma_wait3A_122 = tpu.memref_slice %arg15[%dma_wait3A_116, %dma_wait3A_121] : memref<4x128xi32, #tpu.memory_space<vmem>> -> memref<1x128xi32, #tpu.memory_space<vmem>>
    %dma_wait3A_123 = tpu.memref_squeeze %dma_wait3A_122 : memref<1x128xi32, #tpu.memory_space<vmem>> -> memref<128xi32, #tpu.memory_space<vmem>>
    %dma_wait3A_124 = tpu.memref_slice %arg3[%add3A_36] : memref<16384xi32, #tpu.memory_space<hbm>> -> memref<128xi32, #tpu.memory_space<hbm>>
    tpu.wait_dma2 semaphore(%arg34 : memref<!tpu.dma_semaphore, #tpu.memory_space<semaphore_mem>>) src(%dma_wait3A_124 : memref<128xi32, #tpu.memory_space<hbm>>) dst(%dma_wait3A_123 : memref<128xi32, #tpu.memory_space<vmem>>)
    %dma_wait3A_125 = arith.constant 2 : i32
    %dma_wait3A_126 = arith.constant 0 : i32
    %dma_wait3A_127 = tpu.memref_slice %arg14[%dma_wait3A_125, %dma_wait3A_126] : memref<4x128xi32, #tpu.memory_space<vmem>> -> memref<1x128xi32, #tpu.memory_space<vmem>>
    %dma_wait3A_128 = tpu.memref_squeeze %dma_wait3A_127 : memref<1x128xi32, #tpu.memory_space<vmem>> -> memref<128xi32, #tpu.memory_space<vmem>>
    %dma_wait3A_129 = tpu.memref_slice %arg2[%add3A_47] : memref<16384xi32, #tpu.memory_space<hbm>> -> memref<128xi32, #tpu.memory_space<hbm>>
    %dma_wait3A_130 = arith.constant 0 : i32
    %dma_wait3A_131 = tpu.memref_slice %arg14[%dma_wait3A_125, %dma_wait3A_130] : memref<4x128xi32, #tpu.memory_space<vmem>> -> memref<1x128xi32, #tpu.memory_space<vmem>>
    %dma_wait3A_132 = tpu.memref_squeeze %dma_wait3A_131 : memref<1x128xi32, #tpu.memory_space<vmem>> -> memref<128xi32, #tpu.memory_space<vmem>>
    %dma_wait3A_133 = tpu.memref_slice %arg2[%add3A_47] : memref<16384xi32, #tpu.memory_space<hbm>> -> memref<128xi32, #tpu.memory_space<hbm>>
    tpu.wait_dma2 semaphore(%arg34 : memref<!tpu.dma_semaphore, #tpu.memory_space<semaphore_mem>>) src(%dma_wait3A_133 : memref<128xi32, #tpu.memory_space<hbm>>) dst(%dma_wait3A_132 : memref<128xi32, #tpu.memory_space<vmem>>)
    %dma_wait3A_134 = arith.constant 2 : i32
    %dma_wait3A_135 = arith.constant 0 : i32
    %dma_wait3A_136 = tpu.memref_slice %arg15[%dma_wait3A_134, %dma_wait3A_135] : memref<4x128xi32, #tpu.memory_space<vmem>> -> memref<1x128xi32, #tpu.memory_space<vmem>>
    %dma_wait3A_137 = tpu.memref_squeeze %dma_wait3A_136 : memref<1x128xi32, #tpu.memory_space<vmem>> -> memref<128xi32, #tpu.memory_space<vmem>>
    %dma_wait3A_138 = tpu.memref_slice %arg3[%add3A_58] : memref<16384xi32, #tpu.memory_space<hbm>> -> memref<128xi32, #tpu.memory_space<hbm>>
    %dma_wait3A_139 = arith.constant 0 : i32
    %dma_wait3A_140 = tpu.memref_slice %arg15[%dma_wait3A_134, %dma_wait3A_139] : memref<4x128xi32, #tpu.memory_space<vmem>> -> memref<1x128xi32, #tpu.memory_space<vmem>>
    %dma_wait3A_141 = tpu.memref_squeeze %dma_wait3A_140 : memref<1x128xi32, #tpu.memory_space<vmem>> -> memref<128xi32, #tpu.memory_space<vmem>>
    %dma_wait3A_142 = tpu.memref_slice %arg3[%add3A_58] : memref<16384xi32, #tpu.memory_space<hbm>> -> memref<128xi32, #tpu.memory_space<hbm>>
    tpu.wait_dma2 semaphore(%arg34 : memref<!tpu.dma_semaphore, #tpu.memory_space<semaphore_mem>>) src(%dma_wait3A_142 : memref<128xi32, #tpu.memory_space<hbm>>) dst(%dma_wait3A_141 : memref<128xi32, #tpu.memory_space<vmem>>)
    %dma_wait3A_143 = arith.constant 3 : i32
    %dma_wait3A_144 = arith.constant 0 : i32
    %dma_wait3A_145 = tpu.memref_slice %arg14[%dma_wait3A_143, %dma_wait3A_144] : memref<4x128xi32, #tpu.memory_space<vmem>> -> memref<1x128xi32, #tpu.memory_space<vmem>>
    %dma_wait3A_146 = tpu.memref_squeeze %dma_wait3A_145 : memref<1x128xi32, #tpu.memory_space<vmem>> -> memref<128xi32, #tpu.memory_space<vmem>>
    %dma_wait3A_147 = tpu.memref_slice %arg2[%add3A_69] : memref<16384xi32, #tpu.memory_space<hbm>> -> memref<128xi32, #tpu.memory_space<hbm>>
    %dma_wait3A_148 = arith.constant 0 : i32
    %dma_wait3A_149 = tpu.memref_slice %arg14[%dma_wait3A_143, %dma_wait3A_148] : memref<4x128xi32, #tpu.memory_space<vmem>> -> memref<1x128xi32, #tpu.memory_space<vmem>>
    %dma_wait3A_150 = tpu.memref_squeeze %dma_wait3A_149 : memref<1x128xi32, #tpu.memory_space<vmem>> -> memref<128xi32, #tpu.memory_space<vmem>>
    %dma_wait3A_151 = tpu.memref_slice %arg2[%add3A_69] : memref<16384xi32, #tpu.memory_space<hbm>> -> memref<128xi32, #tpu.memory_space<hbm>>
    tpu.wait_dma2 semaphore(%arg34 : memref<!tpu.dma_semaphore, #tpu.memory_space<semaphore_mem>>) src(%dma_wait3A_151 : memref<128xi32, #tpu.memory_space<hbm>>) dst(%dma_wait3A_150 : memref<128xi32, #tpu.memory_space<vmem>>)
    %dma_wait3A_152 = arith.constant 3 : i32
    %dma_wait3A_153 = arith.constant 0 : i32
    %dma_wait3A_154 = tpu.memref_slice %arg15[%dma_wait3A_152, %dma_wait3A_153] : memref<4x128xi32, #tpu.memory_space<vmem>> -> memref<1x128xi32, #tpu.memory_space<vmem>>
    %dma_wait3A_155 = tpu.memref_squeeze %dma_wait3A_154 : memref<1x128xi32, #tpu.memory_space<vmem>> -> memref<128xi32, #tpu.memory_space<vmem>>
    %dma_wait3A_156 = tpu.memref_slice %arg3[%add3A_80] : memref<16384xi32, #tpu.memory_space<hbm>> -> memref<128xi32, #tpu.memory_space<hbm>>
    %dma_wait3A_157 = arith.constant 0 : i32
    %dma_wait3A_158 = tpu.memref_slice %arg15[%dma_wait3A_152, %dma_wait3A_157] : memref<4x128xi32, #tpu.memory_space<vmem>> -> memref<1x128xi32, #tpu.memory_space<vmem>>
    %dma_wait3A_159 = tpu.memref_squeeze %dma_wait3A_158 : memref<1x128xi32, #tpu.memory_space<vmem>> -> memref<128xi32, #tpu.memory_space<vmem>>
    %dma_wait3A_160 = tpu.memref_slice %arg3[%add3A_80] : memref<16384xi32, #tpu.memory_space<hbm>> -> memref<128xi32, #tpu.memory_space<hbm>>
    tpu.wait_dma2 semaphore(%arg34 : memref<!tpu.dma_semaphore, #tpu.memory_space<semaphore_mem>>) src(%dma_wait3A_160 : memref<128xi32, #tpu.memory_space<hbm>>) dst(%dma_wait3A_159 : memref<128xi32, #tpu.memory_space<vmem>>)
    %dma_start3A_161 = arith.constant 0 : i32
    %dma_start3A_162 = arith.constant 0 : i32
    %dma_start3A_163 = arith.constant 0 : i32
    %dma_start3A_164 = arith.constant 0 : i32
    %dma_start3A_165 = tpu.memref_slice %arg16[%dma_start3A_162, %dma_start3A_163, %dma_start3A_164] : memref<3x128x128xf32, #tpu.memory_space<vmem>> -> memref<1x128x128xf32, #tpu.memory_space<vmem>>
    %dma_start3A_166 = tpu.memref_squeeze %dma_start3A_165 : memref<1x128x128xf32, #tpu.memory_space<vmem>> -> memref<128x128xf32, #tpu.memory_space<vmem>>
    %dma_start3A_167 = arith.constant 0 : i32
    %dma_start3A_168 = tpu.memref_slice %arg14[%dma_start3A_161, %dma_start3A_167] : memref<4x128xi32, #tpu.memory_space<vmem>> -> memref<1x128xi32, #tpu.memory_space<vmem>>
    %dma_start3A_169 = tpu.memref_squeeze %dma_start3A_168 : memref<1x128xi32, #tpu.memory_space<vmem>> -> memref<128xi32, #tpu.memory_space<vmem>>
    %dma_start3A_170 = arith.constant 0 : i32
    %dma_start3A_171 = arith.constant 0 : i32
    %dma_start3A_172 = tpu.memref_slice %arg4[%dma_start3A_170, %dma_start3A_171] : memref<16384x128xf32, #tpu.memory_space<hbm>> -> memref<16384x128xf32, #tpu.memory_space<hbm>>
    tpu.enqueue_indirect_dma source(%dma_start3A_172 : memref<16384x128xf32, #tpu.memory_space<hbm>>) target(%dma_start3A_166 : memref<128x128xf32, #tpu.memory_space<vmem>>) offsets(%dma_start3A_169 : memref<128xi32, #tpu.memory_space<vmem>>) semaphore(%arg26 : memref<!tpu.dma_semaphore, #tpu.memory_space<semaphore_mem>>)
    %dma_start3A_173 = arith.constant 0 : i32
    %dma_start3A_174 = arith.constant 0 : i32
    %dma_start3A_175 = arith.constant 0 : i32
    %dma_start3A_176 = arith.constant 0 : i32
    %dma_start3A_177 = tpu.memref_slice %arg17[%dma_start3A_174, %dma_start3A_175, %dma_start3A_176] : memref<3x128x128xf32, #tpu.memory_space<vmem>> -> memref<1x128x128xf32, #tpu.memory_space<vmem>>
    %dma_start3A_178 = tpu.memref_squeeze %dma_start3A_177 : memref<1x128x128xf32, #tpu.memory_space<vmem>> -> memref<128x128xf32, #tpu.memory_space<vmem>>
    %dma_start3A_179 = arith.constant 0 : i32
    %dma_start3A_180 = tpu.memref_slice %arg15[%dma_start3A_173, %dma_start3A_179] : memref<4x128xi32, #tpu.memory_space<vmem>> -> memref<1x128xi32, #tpu.memory_space<vmem>>
    %dma_start3A_181 = tpu.memref_squeeze %dma_start3A_180 : memref<1x128xi32, #tpu.memory_space<vmem>> -> memref<128xi32, #tpu.memory_space<vmem>>
    %dma_start3A_182 = arith.constant 0 : i32
    %dma_start3A_183 = arith.constant 0 : i32
    %dma_start3A_184 = tpu.memref_slice %arg5[%dma_start3A_182, %dma_start3A_183] : memref<16384x128xf32, #tpu.memory_space<hbm>> -> memref<16384x128xf32, #tpu.memory_space<hbm>>
    tpu.enqueue_indirect_dma source(%dma_start3A_184 : memref<16384x128xf32, #tpu.memory_space<hbm>>) target(%dma_start3A_178 : memref<128x128xf32, #tpu.memory_space<vmem>>) offsets(%dma_start3A_181 : memref<128xi32, #tpu.memory_space<vmem>>) semaphore(%arg30 : memref<!tpu.dma_semaphore, #tpu.memory_space<semaphore_mem>>)
    %dma_start3A_185 = arith.constant 1 : i32
    %dma_start3A_186 = arith.constant 1 : i32
    %dma_start3A_187 = arith.constant 0 : i32
    %dma_start3A_188 = arith.constant 0 : i32
    %dma_start3A_189 = tpu.memref_slice %arg16[%dma_start3A_186, %dma_start3A_187, %dma_start3A_188] : memref<3x128x128xf32, #tpu.memory_space<vmem>> -> memref<1x128x128xf32, #tpu.memory_space<vmem>>
    %dma_start3A_190 = tpu.memref_squeeze %dma_start3A_189 : memref<1x128x128xf32, #tpu.memory_space<vmem>> -> memref<128x128xf32, #tpu.memory_space<vmem>>
    %dma_start3A_191 = arith.constant 0 : i32
    %dma_start3A_192 = tpu.memref_slice %arg14[%dma_start3A_185, %dma_start3A_191] : memref<4x128xi32, #tpu.memory_space<vmem>> -> memref<1x128xi32, #tpu.memory_space<vmem>>
    %dma_start3A_193 = tpu.memref_squeeze %dma_start3A_192 : memref<1x128xi32, #tpu.memory_space<vmem>> -> memref<128xi32, #tpu.memory_space<vmem>>
    %dma_start3A_194 = arith.constant 0 : i32
    %dma_start3A_195 = arith.constant 0 : i32
    %dma_start3A_196 = tpu.memref_slice %arg4[%dma_start3A_194, %dma_start3A_195] : memref<16384x128xf32, #tpu.memory_space<hbm>> -> memref<16384x128xf32, #tpu.memory_space<hbm>>
    tpu.enqueue_indirect_dma source(%dma_start3A_196 : memref<16384x128xf32, #tpu.memory_space<hbm>>) target(%dma_start3A_190 : memref<128x128xf32, #tpu.memory_space<vmem>>) offsets(%dma_start3A_193 : memref<128xi32, #tpu.memory_space<vmem>>) semaphore(%arg27 : memref<!tpu.dma_semaphore, #tpu.memory_space<semaphore_mem>>)
    %dma_start3A_197 = arith.constant 1 : i32
    %dma_start3A_198 = arith.constant 1 : i32
    %dma_start3A_199 = arith.constant 0 : i32
    %dma_start3A_200 = arith.constant 0 : i32
    %dma_start3A_201 = tpu.memref_slice %arg17[%dma_start3A_198, %dma_start3A_199, %dma_start3A_200] : memref<3x128x128xf32, #tpu.memory_space<vmem>> -> memref<1x128x128xf32, #tpu.memory_space<vmem>>
    %dma_start3A_202 = tpu.memref_squeeze %dma_start3A_201 : memref<1x128x128xf32, #tpu.memory_space<vmem>> -> memref<128x128xf32, #tpu.memory_space<vmem>>
    %dma_start3A_203 = arith.constant 0 : i32
    %dma_start3A_204 = tpu.memref_slice %arg15[%dma_start3A_197, %dma_start3A_203] : memref<4x128xi32, #tpu.memory_space<vmem>> -> memref<1x128xi32, #tpu.memory_space<vmem>>
    %dma_start3A_205 = tpu.memref_squeeze %dma_start3A_204 : memref<1x128xi32, #tpu.memory_space<vmem>> -> memref<128xi32, #tpu.memory_space<vmem>>
    %dma_start3A_206 = arith.constant 0 : i32
    %dma_start3A_207 = arith.constant 0 : i32
    %dma_start3A_208 = tpu.memref_slice %arg5[%dma_start3A_206, %dma_start3A_207] : memref<16384x128xf32, #tpu.memory_space<hbm>> -> memref<16384x128xf32, #tpu.memory_space<hbm>>
    tpu.enqueue_indirect_dma source(%dma_start3A_208 : memref<16384x128xf32, #tpu.memory_space<hbm>>) target(%dma_start3A_202 : memref<128x128xf32, #tpu.memory_space<vmem>>) offsets(%dma_start3A_205 : memref<128xi32, #tpu.memory_space<vmem>>) semaphore(%arg31 : memref<!tpu.dma_semaphore, #tpu.memory_space<semaphore_mem>>)
    %dma_start3A_209 = arith.constant 2 : i32
    %dma_start3A_210 = arith.constant 2 : i32
    %dma_start3A_211 = arith.constant 0 : i32
    %dma_start3A_212 = arith.constant 0 : i32
    %dma_start3A_213 = tpu.memref_slice %arg16[%dma_start3A_210, %dma_start3A_211, %dma_start3A_212] : memref<3x128x128xf32, #tpu.memory_space<vmem>> -> memref<1x128x128xf32, #tpu.memory_space<vmem>>
    %dma_start3A_214 = tpu.memref_squeeze %dma_start3A_213 : memref<1x128x128xf32, #tpu.memory_space<vmem>> -> memref<128x128xf32, #tpu.memory_space<vmem>>
    %dma_start3A_215 = arith.constant 0 : i32
    %dma_start3A_216 = tpu.memref_slice %arg14[%dma_start3A_209, %dma_start3A_215] : memref<4x128xi32, #tpu.memory_space<vmem>> -> memref<1x128xi32, #tpu.memory_space<vmem>>
    %dma_start3A_217 = tpu.memref_squeeze %dma_start3A_216 : memref<1x128xi32, #tpu.memory_space<vmem>> -> memref<128xi32, #tpu.memory_space<vmem>>
    %dma_start3A_218 = arith.constant 0 : i32
    %dma_start3A_219 = arith.constant 0 : i32
    %dma_start3A_220 = tpu.memref_slice %arg4[%dma_start3A_218, %dma_start3A_219] : memref<16384x128xf32, #tpu.memory_space<hbm>> -> memref<16384x128xf32, #tpu.memory_space<hbm>>
    tpu.enqueue_indirect_dma source(%dma_start3A_220 : memref<16384x128xf32, #tpu.memory_space<hbm>>) target(%dma_start3A_214 : memref<128x128xf32, #tpu.memory_space<vmem>>) offsets(%dma_start3A_217 : memref<128xi32, #tpu.memory_space<vmem>>) semaphore(%arg28 : memref<!tpu.dma_semaphore, #tpu.memory_space<semaphore_mem>>)
    %dma_start3A_221 = arith.constant 2 : i32
    %dma_start3A_222 = arith.constant 2 : i32
    %dma_start3A_223 = arith.constant 0 : i32
    %dma_start3A_224 = arith.constant 0 : i32
    %dma_start3A_225 = tpu.memref_slice %arg17[%dma_start3A_222, %dma_start3A_223, %dma_start3A_224] : memref<3x128x128xf32, #tpu.memory_space<vmem>> -> memref<1x128x128xf32, #tpu.memory_space<vmem>>
    %dma_start3A_226 = tpu.memref_squeeze %dma_start3A_225 : memref<1x128x128xf32, #tpu.memory_space<vmem>> -> memref<128x128xf32, #tpu.memory_space<vmem>>
    %dma_start3A_227 = arith.constant 0 : i32
    %dma_start3A_228 = tpu.memref_slice %arg15[%dma_start3A_221, %dma_start3A_227] : memref<4x128xi32, #tpu.memory_space<vmem>> -> memref<1x128xi32, #tpu.memory_space<vmem>>
    %dma_start3A_229 = tpu.memref_squeeze %dma_start3A_228 : memref<1x128xi32, #tpu.memory_space<vmem>> -> memref<128xi32, #tpu.memory_space<vmem>>
    %dma_start3A_230 = arith.constant 0 : i32
    %dma_start3A_231 = arith.constant 0 : i32
    %dma_start3A_232 = tpu.memref_slice %arg5[%dma_start3A_230, %dma_start3A_231] : memref<16384x128xf32, #tpu.memory_space<hbm>> -> memref<16384x128xf32, #tpu.memory_space<hbm>>
    tpu.enqueue_indirect_dma source(%dma_start3A_232 : memref<16384x128xf32, #tpu.memory_space<hbm>>) target(%dma_start3A_226 : memref<128x128xf32, #tpu.memory_space<vmem>>) offsets(%dma_start3A_229 : memref<128xi32, #tpu.memory_space<vmem>>) semaphore(%arg32 : memref<!tpu.dma_semaphore, #tpu.memory_space<semaphore_mem>>)
    "tpu.region"() ({
      %run_scoped3A = tpu.sem_alloc : memref<!tpu.dma_semaphore, #tpu.memory_space<semaphore_mem>>
      tpu.enqueue_dma source(%arg6 : memref<128xf32, #tpu.memory_space<hbm>>) target(%arg22 : memref<128xf32, #tpu.memory_space<vmem>>) target_semaphore(%run_scoped3A : memref<!tpu.dma_semaphore, #tpu.memory_space<semaphore_mem>>)
      tpu.wait_dma2 semaphore(%run_scoped3A : memref<!tpu.dma_semaphore, #tpu.memory_space<semaphore_mem>>) src(%arg6 : memref<128xf32, #tpu.memory_space<hbm>>) dst(%arg22 : memref<128xf32, #tpu.memory_space<vmem>>)
      tpu.yield
    }) : () -> ()
    "tpu.region"() ({
      %run_scoped3A = tpu.sem_alloc : memref<!tpu.dma_semaphore, #tpu.memory_space<semaphore_mem>>
      tpu.enqueue_dma source(%arg7 : memref<128xf32, #tpu.memory_space<hbm>>) target(%arg23 : memref<128xf32, #tpu.memory_space<vmem>>) target_semaphore(%run_scoped3A : memref<!tpu.dma_semaphore, #tpu.memory_space<semaphore_mem>>)
      tpu.wait_dma2 semaphore(%run_scoped3A : memref<!tpu.dma_semaphore, #tpu.memory_space<semaphore_mem>>) src(%arg7 : memref<128xf32, #tpu.memory_space<hbm>>) dst(%arg23 : memref<128xf32, #tpu.memory_space<vmem>>)
      tpu.yield
    }) : () -> ()
    "tpu.region"() ({
      %run_scoped3A = tpu.sem_alloc : memref<!tpu.dma_semaphore, #tpu.memory_space<semaphore_mem>>
      tpu.enqueue_dma source(%arg8 : memref<128xf32, #tpu.memory_space<hbm>>) target(%arg24 : memref<128xf32, #tpu.memory_space<vmem>>) target_semaphore(%run_scoped3A : memref<!tpu.dma_semaphore, #tpu.memory_space<semaphore_mem>>)
      tpu.wait_dma2 semaphore(%run_scoped3A : memref<!tpu.dma_semaphore, #tpu.memory_space<semaphore_mem>>) src(%arg8 : memref<128xf32, #tpu.memory_space<hbm>>) dst(%arg24 : memref<128xf32, #tpu.memory_space<vmem>>)
      tpu.yield
    }) : () -> ()
    "tpu.region"() ({
      %run_scoped3A = tpu.sem_alloc : memref<!tpu.dma_semaphore, #tpu.memory_space<semaphore_mem>>
      tpu.enqueue_dma source(%arg9 : memref<128xf32, #tpu.memory_space<hbm>>) target(%arg25 : memref<128xf32, #tpu.memory_space<vmem>>) target_semaphore(%run_scoped3A : memref<!tpu.dma_semaphore, #tpu.memory_space<semaphore_mem>>)
      tpu.wait_dma2 semaphore(%run_scoped3A : memref<!tpu.dma_semaphore, #tpu.memory_space<semaphore_mem>>) src(%arg9 : memref<128xf32, #tpu.memory_space<hbm>>) dst(%arg25 : memref<128xf32, #tpu.memory_space<vmem>>)
      tpu.yield
    }) : () -> ()
    "tpu.region"() ({
      %run_scoped3A = tpu.sem_alloc : memref<!tpu.dma_semaphore, #tpu.memory_space<semaphore_mem>>
      %dma_start3A_420 = tpu.memref_slice %arg11[%mul3A_2] : memref<16384xf32, #tpu.memory_space<hbm>> -> memref<512xf32, #tpu.memory_space<hbm>>
      %dma_start3A_421 = tpu.memref_slice %arg11[%mul3A_2] : memref<16384xf32, #tpu.memory_space<hbm>> -> memref<512xf32, #tpu.memory_space<hbm>>
      tpu.enqueue_dma source(%dma_start3A_421 : memref<512xf32, #tpu.memory_space<hbm>>) target(%arg19 : memref<512xf32, #tpu.memory_space<vmem>>) target_semaphore(%run_scoped3A : memref<!tpu.dma_semaphore, #tpu.memory_space<semaphore_mem>>)
      %dma_wait3A_422 = tpu.memref_slice %arg11[%mul3A_2] : memref<16384xf32, #tpu.memory_space<hbm>> -> memref<512xf32, #tpu.memory_space<hbm>>
      %dma_wait3A_423 = tpu.memref_slice %arg11[%mul3A_2] : memref<16384xf32, #tpu.memory_space<hbm>> -> memref<512xf32, #tpu.memory_space<hbm>>
      tpu.wait_dma2 semaphore(%run_scoped3A : memref<!tpu.dma_semaphore, #tpu.memory_space<semaphore_mem>>) src(%dma_wait3A_423 : memref<512xf32, #tpu.memory_space<hbm>>) dst(%arg19 : memref<512xf32, #tpu.memory_space<vmem>>)
      tpu.yield
    }) : () -> ()
    "tpu.region"() ({
      %run_scoped3A = tpu.sem_alloc : memref<!tpu.dma_semaphore, #tpu.memory_space<semaphore_mem>>
      %dma_start3A_420 = tpu.memref_slice %arg12[%mul3A_2] : memref<16384xf32, #tpu.memory_space<hbm>> -> memref<512xf32, #tpu.memory_space<hbm>>
      %dma_start3A_421 = tpu.memref_slice %arg12[%mul3A_2] : memref<16384xf32, #tpu.memory_space<hbm>> -> memref<512xf32, #tpu.memory_space<hbm>>
      tpu.enqueue_dma source(%dma_start3A_421 : memref<512xf32, #tpu.memory_space<hbm>>) target(%arg20 : memref<512xf32, #tpu.memory_space<vmem>>) target_semaphore(%run_scoped3A : memref<!tpu.dma_semaphore, #tpu.memory_space<semaphore_mem>>)
      %dma_wait3A_422 = tpu.memref_slice %arg12[%mul3A_2] : memref<16384xf32, #tpu.memory_space<hbm>> -> memref<512xf32, #tpu.memory_space<hbm>>
      %dma_wait3A_423 = tpu.memref_slice %arg12[%mul3A_2] : memref<16384xf32, #tpu.memory_space<hbm>> -> memref<512xf32, #tpu.memory_space<hbm>>
      tpu.wait_dma2 semaphore(%run_scoped3A : memref<!tpu.dma_semaphore, #tpu.memory_space<semaphore_mem>>) src(%dma_wait3A_423 : memref<512xf32, #tpu.memory_space<hbm>>) dst(%arg20 : memref<512xf32, #tpu.memory_space<vmem>>)
      tpu.yield
    }) : () -> ()
    "tpu.region"() ({
      %run_scoped3A = tpu.sem_alloc : memref<!tpu.dma_semaphore, #tpu.memory_space<semaphore_mem>>
      tpu.enqueue_dma source(%arg10 : memref<16xf32, #tpu.memory_space<hbm>>) target(%arg21 : memref<16xf32, #tpu.memory_space<vmem>>) target_semaphore(%run_scoped3A : memref<!tpu.dma_semaphore, #tpu.memory_space<semaphore_mem>>)
      tpu.wait_dma2 semaphore(%run_scoped3A : memref<!tpu.dma_semaphore, #tpu.memory_space<semaphore_mem>>) src(%arg10 : memref<16xf32, #tpu.memory_space<hbm>>) dst(%arg21 : memref<16xf32, #tpu.memory_space<vmem>>)
      tpu.yield
    }) : () -> ()
    %get3A = arith.constant 0 : index
    %get3A_233 = tpu.vector_load %arg22[%get3A] {strides = array<i32>} : memref<128xf32, #tpu.memory_space<vmem>>, vector<16xf32>,
    %mul3A_234 = arith.constant 0.999994993 : f32
    %mul3A_235 = vector.broadcast %mul3A_234 : f32 to vector<16xf32>
    %mul3A_236 = arith.mulf %get3A_233, %mul3A_235 : vector<16xf32>
    %get3A_237 = arith.constant 16 : index
    %get3A_238 = tpu.vector_load %arg22[%get3A_237] {strides = array<i32>} : memref<128xf32, #tpu.memory_space<vmem>>, vector<16xf32>,
    %mul3A_239 = arith.constant 0.999994993 : f32
    %mul3A_240 = vector.broadcast %mul3A_239 : f32 to vector<16xf32>
    %mul3A_241 = arith.mulf %get3A_238, %mul3A_240 : vector<16xf32>
    %get3A_242 = arith.constant 32 : index
    %get3A_243 = tpu.vector_load %arg22[%get3A_242] {strides = array<i32>} : memref<128xf32, #tpu.memory_space<vmem>>, vector<16xf32>,
    %mul3A_244 = arith.constant 0.999994993 : f32
    %mul3A_245 = vector.broadcast %mul3A_244 : f32 to vector<16xf32>
    %mul3A_246 = arith.mulf %get3A_243, %mul3A_245 : vector<16xf32>
    %get3A_247 = arith.constant 48 : index
    %get3A_248 = tpu.vector_load %arg22[%get3A_247] {strides = array<i32>} : memref<128xf32, #tpu.memory_space<vmem>>, vector<16xf32>,
    %mul3A_249 = arith.constant 0.999994993 : f32
    %mul3A_250 = vector.broadcast %mul3A_249 : f32 to vector<16xf32>
    %mul3A_251 = arith.mulf %get3A_248, %mul3A_250 : vector<16xf32>
    %get3A_252 = arith.constant 64 : index
    %get3A_253 = tpu.vector_load %arg22[%get3A_252] {strides = array<i32>} : memref<128xf32, #tpu.memory_space<vmem>>, vector<16xf32>,
    %mul3A_254 = arith.constant 0.999994993 : f32
    %mul3A_255 = vector.broadcast %mul3A_254 : f32 to vector<16xf32>
    %mul3A_256 = arith.mulf %get3A_253, %mul3A_255 : vector<16xf32>
    %get3A_257 = arith.constant 80 : index
    %get3A_258 = tpu.vector_load %arg22[%get3A_257] {strides = array<i32>} : memref<128xf32, #tpu.memory_space<vmem>>, vector<16xf32>,
    %mul3A_259 = arith.constant 0.999994993 : f32
    %mul3A_260 = vector.broadcast %mul3A_259 : f32 to vector<16xf32>
    %mul3A_261 = arith.mulf %get3A_258, %mul3A_260 : vector<16xf32>
    %get3A_262 = arith.constant 96 : index
    %get3A_263 = tpu.vector_load %arg22[%get3A_262] {strides = array<i32>} : memref<128xf32, #tpu.memory_space<vmem>>, vector<16xf32>,
    %mul3A_264 = arith.constant 0.999994993 : f32
    %mul3A_265 = vector.broadcast %mul3A_264 : f32 to vector<16xf32>
    %mul3A_266 = arith.mulf %get3A_263, %mul3A_265 : vector<16xf32>
    %get3A_267 = arith.constant 112 : index
    %get3A_268 = tpu.vector_load %arg22[%get3A_267] {strides = array<i32>} : memref<128xf32, #tpu.memory_space<vmem>>, vector<16xf32>,
    %mul3A_269 = arith.constant 0.999994993 : f32
    %mul3A_270 = vector.broadcast %mul3A_269 : f32 to vector<16xf32>
    %mul3A_271 = arith.mulf %get3A_268, %mul3A_270 : vector<16xf32>
    %get3A_272 = arith.constant 0 : index
    %get3A_273 = tpu.vector_load %arg23[%get3A_272] {strides = array<i32>} : memref<128xf32, #tpu.memory_space<vmem>>, vector<16xf32>,
    %get3A_274 = arith.constant 16 : index
    %get3A_275 = tpu.vector_load %arg23[%get3A_274] {strides = array<i32>} : memref<128xf32, #tpu.memory_space<vmem>>, vector<16xf32>,
    %get3A_276 = arith.constant 32 : index
    %get3A_277 = tpu.vector_load %arg23[%get3A_276] {strides = array<i32>} : memref<128xf32, #tpu.memory_space<vmem>>, vector<16xf32>,
    %get3A_278 = arith.constant 48 : index
    %get3A_279 = tpu.vector_load %arg23[%get3A_278] {strides = array<i32>} : memref<128xf32, #tpu.memory_space<vmem>>, vector<16xf32>,
    %get3A_280 = arith.constant 64 : index
    %get3A_281 = tpu.vector_load %arg23[%get3A_280] {strides = array<i32>} : memref<128xf32, #tpu.memory_space<vmem>>, vector<16xf32>,
    %get3A_282 = arith.constant 80 : index
    %get3A_283 = tpu.vector_load %arg23[%get3A_282] {strides = array<i32>} : memref<128xf32, #tpu.memory_space<vmem>>, vector<16xf32>,
    %get3A_284 = arith.constant 96 : index
    %get3A_285 = tpu.vector_load %arg23[%get3A_284] {strides = array<i32>} : memref<128xf32, #tpu.memory_space<vmem>>, vector<16xf32>,
    %get3A_286 = arith.constant 112 : index
    %get3A_287 = tpu.vector_load %arg23[%get3A_286] {strides = array<i32>} : memref<128xf32, #tpu.memory_space<vmem>>, vector<16xf32>,
    %get3A_288 = arith.constant 0 : index
    %get3A_289 = tpu.vector_load %arg24[%get3A_288] {strides = array<i32>} : memref<128xf32, #tpu.memory_space<vmem>>, vector<16xf32>,
    %mul3A_290 = arith.constant 0.999994993 : f32
    %mul3A_291 = vector.broadcast %mul3A_290 : f32 to vector<16xf32>
    %mul3A_292 = arith.mulf %get3A_289, %mul3A_291 : vector<16xf32>
    %get3A_293 = arith.constant 16 : index
    %get3A_294 = tpu.vector_load %arg24[%get3A_293] {strides = array<i32>} : memref<128xf32, #tpu.memory_space<vmem>>, vector<16xf32>,
    %mul3A_295 = arith.constant 0.999994993 : f32
    %mul3A_296 = vector.broadcast %mul3A_295 : f32 to vector<16xf32>
    %mul3A_297 = arith.mulf %get3A_294, %mul3A_296 : vector<16xf32>
    %get3A_298 = arith.constant 32 : index
    %get3A_299 = tpu.vector_load %arg24[%get3A_298] {strides = array<i32>} : memref<128xf32, #tpu.memory_space<vmem>>, vector<16xf32>,
    %mul3A_300 = arith.constant 0.999994993 : f32
    %mul3A_301 = vector.broadcast %mul3A_300 : f32 to vector<16xf32>
    %mul3A_302 = arith.mulf %get3A_299, %mul3A_301 : vector<16xf32>
    %get3A_303 = arith.constant 48 : index
    %get3A_304 = tpu.vector_load %arg24[%get3A_303] {strides = array<i32>} : memref<128xf32, #tpu.memory_space<vmem>>, vector<16xf32>,
    %mul3A_305 = arith.constant 0.999994993 : f32
    %mul3A_306 = vector.broadcast %mul3A_305 : f32 to vector<16xf32>
    %mul3A_307 = arith.mulf %get3A_304, %mul3A_306 : vector<16xf32>
    %get3A_308 = arith.constant 64 : index
    %get3A_309 = tpu.vector_load %arg24[%get3A_308] {strides = array<i32>} : memref<128xf32, #tpu.memory_space<vmem>>, vector<16xf32>,
    %mul3A_310 = arith.constant 0.999994993 : f32
    %mul3A_311 = vector.broadcast %mul3A_310 : f32 to vector<16xf32>
    %mul3A_312 = arith.mulf %get3A_309, %mul3A_311 : vector<16xf32>
    %get3A_313 = arith.constant 80 : index
    %get3A_314 = tpu.vector_load %arg24[%get3A_313] {strides = array<i32>} : memref<128xf32, #tpu.memory_space<vmem>>, vector<16xf32>,
    %mul3A_315 = arith.constant 0.999994993 : f32
    %mul3A_316 = vector.broadcast %mul3A_315 : f32 to vector<16xf32>
    %mul3A_317 = arith.mulf %get3A_314, %mul3A_316 : vector<16xf32>
    %get3A_318 = arith.constant 96 : index
    %get3A_319 = tpu.vector_load %arg24[%get3A_318] {strides = array<i32>} : memref<128xf32, #tpu.memory_space<vmem>>, vector<16xf32>,
    %mul3A_320 = arith.constant 0.999994993 : f32
    %mul3A_321 = vector.broadcast %mul3A_320 : f32 to vector<16xf32>
    %mul3A_322 = arith.mulf %get3A_319, %mul3A_321 : vector<16xf32>
    %get3A_323 = arith.constant 112 : index
    %get3A_324 = tpu.vector_load %arg24[%get3A_323] {strides = array<i32>} : memref<128xf32, #tpu.memory_space<vmem>>, vector<16xf32>,
    %mul3A_325 = arith.constant 0.999994993 : f32
    %mul3A_326 = vector.broadcast %mul3A_325 : f32 to vector<16xf32>
    %mul3A_327 = arith.mulf %get3A_324, %mul3A_326 : vector<16xf32>
    %get3A_328 = arith.constant 0 : index
    %get3A_329 = tpu.vector_load %arg25[%get3A_328] {strides = array<i32>} : memref<128xf32, #tpu.memory_space<vmem>>, vector<16xf32>,
    %get3A_330 = arith.constant 16 : index
    %get3A_331 = tpu.vector_load %arg25[%get3A_330] {strides = array<i32>} : memref<128xf32, #tpu.memory_space<vmem>>, vector<16xf32>,
    %get3A_332 = arith.constant 32 : index
    %get3A_333 = tpu.vector_load %arg25[%get3A_332] {strides = array<i32>} : memref<128xf32, #tpu.memory_space<vmem>>, vector<16xf32>,
    %get3A_334 = arith.constant 48 : index
    %get3A_335 = tpu.vector_load %arg25[%get3A_334] {strides = array<i32>} : memref<128xf32, #tpu.memory_space<vmem>>, vector<16xf32>,
    %get3A_336 = arith.constant 64 : index
    %get3A_337 = tpu.vector_load %arg25[%get3A_336] {strides = array<i32>} : memref<128xf32, #tpu.memory_space<vmem>>, vector<16xf32>,
    %get3A_338 = arith.constant 80 : index
    %get3A_339 = tpu.vector_load %arg25[%get3A_338] {strides = array<i32>} : memref<128xf32, #tpu.memory_space<vmem>>, vector<16xf32>,
    %get3A_340 = arith.constant 96 : index
    %get3A_341 = tpu.vector_load %arg25[%get3A_340] {strides = array<i32>} : memref<128xf32, #tpu.memory_space<vmem>>, vector<16xf32>,
    %get3A_342 = arith.constant 112 : index
    %get3A_343 = tpu.vector_load %arg25[%get3A_342] {strides = array<i32>} : memref<128xf32, #tpu.memory_space<vmem>>, vector<16xf32>,
    %iota3A = tpu.iota {dimensions = array<i32: 0>} : vector<16xi32>
    %add3A_344 = arith.constant 1 : i32
    %add3A_345 = vector.broadcast %add3A_344 : i32 to vector<16xi32>
    %add3A_346 = arith.addi %iota3A, %add3A_345 : vector<16xi32>
    %and3A = arith.constant 15 : i32
    %and3A_347 = vector.broadcast %and3A : i32 to vector<16xi32>
    %and3A_348 = arith.andi %add3A_346, %and3A_347 : vector<16xi32>
    %add3A_349 = arith.constant 2 : i32
    %add3A_350 = vector.broadcast %add3A_349 : i32 to vector<16xi32>
    %add3A_351 = arith.addi %iota3A, %add3A_350 : vector<16xi32>
    %and3A_352 = arith.constant 15 : i32
    %and3A_353 = vector.broadcast %and3A_352 : i32 to vector<16xi32>
    %and3A_354 = arith.andi %add3A_351, %and3A_353 : vector<16xi32>
    %add3A_355 = arith.constant 4 : i32
    %add3A_356 = vector.broadcast %add3A_355 : i32 to vector<16xi32>
    %add3A_357 = arith.addi %iota3A, %add3A_356 : vector<16xi32>
    %and3A_358 = arith.constant 15 : i32
    %and3A_359 = vector.broadcast %and3A_358 : i32 to vector<16xi32>
    %and3A_360 = arith.andi %add3A_357, %and3A_359 : vector<16xi32>
    %add3A_361 = arith.constant 8 : i32
    %add3A_362 = vector.broadcast %add3A_361 : i32 to vector<16xi32>
    %add3A_363 = arith.addi %iota3A, %add3A_362 : vector<16xi32>
    %and3A_364 = arith.constant 15 : i32
    %and3A_365 = vector.broadcast %and3A_364 : i32 to vector<16xi32>
    %and3A_366 = arith.andi %add3A_363, %and3A_365 : vector<16xi32>
    %sub3A = arith.constant 1 : i32
    %sub3A_367 = vector.broadcast %sub3A : i32 to vector<16xi32>
    %sub3A_368 = arith.subi %iota3A, %sub3A_367 : vector<16xi32>
    %and3A_369 = arith.constant 15 : i32
    %and3A_370 = vector.broadcast %and3A_369 : i32 to vector<16xi32>
    %and3A_371 = arith.andi %sub3A_368, %and3A_370 : vector<16xi32>
    %sub3A_372 = arith.constant 2 : i32
    %sub3A_373 = vector.broadcast %sub3A_372 : i32 to vector<16xi32>
    %sub3A_374 = arith.subi %iota3A, %sub3A_373 : vector<16xi32>
    %and3A_375 = arith.constant 15 : i32
    %and3A_376 = vector.broadcast %and3A_375 : i32 to vector<16xi32>
    %and3A_377 = arith.andi %sub3A_374, %and3A_376 : vector<16xi32>
    %sub3A_378 = arith.constant 4 : i32
    %sub3A_379 = vector.broadcast %sub3A_378 : i32 to vector<16xi32>
    %sub3A_380 = arith.subi %iota3A, %sub3A_379 : vector<16xi32>
    %and3A_381 = arith.constant 15 : i32
    %and3A_382 = vector.broadcast %and3A_381 : i32 to vector<16xi32>
    %and3A_383 = arith.andi %sub3A_380, %and3A_382 : vector<16xi32>
    %sub3A_384 = arith.constant 8 : i32
    %sub3A_385 = vector.broadcast %sub3A_384 : i32 to vector<16xi32>
    %sub3A_386 = arith.subi %iota3A, %sub3A_385 : vector<16xi32>
    %and3A_387 = arith.constant 15 : i32
    %and3A_388 = vector.broadcast %and3A_387 : i32 to vector<16xi32>
    %and3A_389 = arith.andi %sub3A_386, %and3A_388 : vector<16xi32>
    %and3A_390 = arith.constant 1 : i32
    %and3A_391 = vector.broadcast %and3A_390 : i32 to vector<16xi32>
    %and3A_392 = arith.andi %iota3A, %and3A_391 : vector<16xi32>
    %lt3A = arith.constant 1 : i32
    %lt3A_393 = vector.broadcast %lt3A : i32 to vector<16xi32>
    %lt3A_394 = arith.cmpi slt, %and3A_392, %lt3A_393 : vector<16xi32>
    %and3A_395 = arith.constant 3 : i32
    %and3A_396 = vector.broadcast %and3A_395 : i32 to vector<16xi32>
    %and3A_397 = arith.andi %iota3A, %and3A_396 : vector<16xi32>
    %lt3A_398 = arith.constant 2 : i32
    %lt3A_399 = vector.broadcast %lt3A_398 : i32 to vector<16xi32>
    %lt3A_400 = arith.cmpi slt, %and3A_397, %lt3A_399 : vector<16xi32>
    %and3A_401 = arith.constant 7 : i32
    %and3A_402 = vector.broadcast %and3A_401 : i32 to vector<16xi32>
    %and3A_403 = arith.andi %iota3A, %and3A_402 : vector<16xi32>
    %lt3A_404 = arith.constant 4 : i32
    %lt3A_405 = vector.broadcast %lt3A_404 : i32 to vector<16xi32>
    %lt3A_406 = arith.cmpi slt, %and3A_403, %lt3A_405 : vector<16xi32>
    %and3A_407 = arith.constant 15 : i32
    %and3A_408 = vector.broadcast %and3A_407 : i32 to vector<16xi32>
    %and3A_409 = arith.andi %iota3A, %and3A_408 : vector<16xi32>
    %lt3A_410 = arith.constant 8 : i32
    %lt3A_411 = vector.broadcast %lt3A_410 : i32 to vector<16xi32>
    %lt3A_412 = arith.cmpi slt, %and3A_409, %lt3A_411 : vector<16xi32>
    %get3A_413 = arith.constant 0 : index
    %get3A_414 = tpu.vector_load %arg21[%get3A_413] {strides = array<i32>} : memref<16xf32, #tpu.memory_space<vmem>>, vector<16xf32>,
    %scan3A = arith.constant 0 : i32
    %scan3A_415 = arith.constant 0 : i32
    %scan3A_416 = arith.constant 32 : i32
    %scan3A_417 = arith.addi %scan3A_415, %scan3A_416 : i32
    %scan3A_418 = arith.constant 1 : i32
    scf.for %scan3A_420 = %scan3A_415 to %scan3A_417 step %scan3A_418  : i32 {
      %eq3A = arith.constant 0 : i32
      %eq3A_421 = arith.cmpi eq, %scan3A_420, %eq3A : i32
      %convert_element_type3A = arith.extui %eq3A_421 : i1 to i32
      %cond3A = arith.constant 0 : i32
      %cond3A_422 = arith.cmpi ne, %convert_element_type3A, %cond3A : i32
      scf.if %cond3A_422 {
        %dma_wait3A_2446 = arith.constant 0 : i32
        %dma_wait3A_2447 = arith.constant 0 : i32
        %dma_wait3A_2448 = arith.constant 0 : i32
        %dma_wait3A_2449 = arith.constant 0 : i32
        %dma_wait3A_2450 = tpu.memref_slice %arg16[%dma_wait3A_2447, %dma_wait3A_2448, %dma_wait3A_2449] : memref<3x128x128xf32, #tpu.memory_space<vmem>> -> memref<1x128x128xf32, #tpu.memory_space<vmem>>
        %dma_wait3A_2451 = tpu.memref_squeeze %dma_wait3A_2450 : memref<1x128x128xf32, #tpu.memory_space<vmem>> -> memref<128x128xf32, #tpu.memory_space<vmem>>
        %dma_wait3A_2452 = arith.constant 0 : i32
        %dma_wait3A_2453 = tpu.memref_slice %arg14[%dma_wait3A_2446, %dma_wait3A_2452] : memref<4x128xi32, #tpu.memory_space<vmem>> -> memref<1x128xi32, #tpu.memory_space<vmem>>
        %dma_wait3A_2454 = tpu.memref_squeeze %dma_wait3A_2453 : memref<1x128xi32, #tpu.memory_space<vmem>> -> memref<128xi32, #tpu.memory_space<vmem>>
        %dma_wait3A_2455 = arith.constant 0 : i32
        %dma_wait3A_2456 = arith.constant 0 : i32
        %dma_wait3A_2457 = tpu.memref_slice %arg4[%dma_wait3A_2455, %dma_wait3A_2456] : memref<16384x128xf32, #tpu.memory_space<hbm>> -> memref<16384x128xf32, #tpu.memory_space<hbm>>
        tpu.wait_indirect_dma semaphore(%arg26 : memref<!tpu.dma_semaphore, #tpu.memory_space<semaphore_mem>>) src(%dma_wait3A_2457 : memref<16384x128xf32, #tpu.memory_space<hbm>>) dst(%dma_wait3A_2451 : memref<128x128xf32, #tpu.memory_space<vmem>>)
        %dma_wait3A_2458 = arith.constant 0 : i32
        %dma_wait3A_2459 = arith.constant 0 : i32
        %dma_wait3A_2460 = arith.constant 0 : i32
        %dma_wait3A_2461 = arith.constant 0 : i32
        %dma_wait3A_2462 = tpu.memref_slice %arg17[%dma_wait3A_2459, %dma_wait3A_2460, %dma_wait3A_2461] : memref<3x128x128xf32, #tpu.memory_space<vmem>> -> memref<1x128x128xf32, #tpu.memory_space<vmem>>
        %dma_wait3A_2463 = tpu.memref_squeeze %dma_wait3A_2462 : memref<1x128x128xf32, #tpu.memory_space<vmem>> -> memref<128x128xf32, #tpu.memory_space<vmem>>
        %dma_wait3A_2464 = arith.constant 0 : i32
        %dma_wait3A_2465 = tpu.memref_slice %arg15[%dma_wait3A_2458, %dma_wait3A_2464] : memref<4x128xi32, #tpu.memory_space<vmem>> -> memref<1x128xi32, #tpu.memory_space<vmem>>
        %dma_wait3A_2466 = tpu.memref_squeeze %dma_wait3A_2465 : memref<1x128xi32, #tpu.memory_space<vmem>> -> memref<128xi32, #tpu.memory_space<vmem>>
        %dma_wait3A_2467 = arith.constant 0 : i32
        %dma_wait3A_2468 = arith.constant 0 : i32
        %dma_wait3A_2469 = tpu.memref_slice %arg5[%dma_wait3A_2467, %dma_wait3A_2468] : memref<16384x128xf32, #tpu.memory_space<hbm>> -> memref<16384x128xf32, #tpu.memory_space<hbm>>
        tpu.wait_indirect_dma semaphore(%arg30 : memref<!tpu.dma_semaphore, #tpu.memory_space<semaphore_mem>>) src(%dma_wait3A_2469 : memref<16384x128xf32, #tpu.memory_space<hbm>>) dst(%dma_wait3A_2463 : memref<128x128xf32, #tpu.memory_space<vmem>>)
      } else {
      }
      %eq3A_423 = arith.constant 8 : i32
      %eq3A_424 = arith.cmpi eq, %scan3A_420, %eq3A_423 : i32
      %convert_element_type3A_425 = arith.extui %eq3A_424 : i1 to i32
      %cond3A_426 = arith.constant 0 : i32
      %cond3A_427 = arith.cmpi ne, %convert_element_type3A_425, %cond3A_426 : i32
      scf.if %cond3A_427 {
        %dma_wait3A_2446 = arith.constant 1 : i32
        %dma_wait3A_2447 = arith.constant 1 : i32
        %dma_wait3A_2448 = arith.constant 0 : i32
        %dma_wait3A_2449 = arith.constant 0 : i32
        %dma_wait3A_2450 = tpu.memref_slice %arg16[%dma_wait3A_2447, %dma_wait3A_2448, %dma_wait3A_2449] : memref<3x128x128xf32, #tpu.memory_space<vmem>> -> memref<1x128x128xf32, #tpu.memory_space<vmem>>
        %dma_wait3A_2451 = tpu.memref_squeeze %dma_wait3A_2450 : memref<1x128x128xf32, #tpu.memory_space<vmem>> -> memref<128x128xf32, #tpu.memory_space<vmem>>
        %dma_wait3A_2452 = arith.constant 0 : i32
        %dma_wait3A_2453 = tpu.memref_slice %arg14[%dma_wait3A_2446, %dma_wait3A_2452] : memref<4x128xi32, #tpu.memory_space<vmem>> -> memref<1x128xi32, #tpu.memory_space<vmem>>
        %dma_wait3A_2454 = tpu.memref_squeeze %dma_wait3A_2453 : memref<1x128xi32, #tpu.memory_space<vmem>> -> memref<128xi32, #tpu.memory_space<vmem>>
        %dma_wait3A_2455 = arith.constant 0 : i32
        %dma_wait3A_2456 = arith.constant 0 : i32
        %dma_wait3A_2457 = tpu.memref_slice %arg4[%dma_wait3A_2455, %dma_wait3A_2456] : memref<16384x128xf32, #tpu.memory_space<hbm>> -> memref<16384x128xf32, #tpu.memory_space<hbm>>
        tpu.wait_indirect_dma semaphore(%arg27 : memref<!tpu.dma_semaphore, #tpu.memory_space<semaphore_mem>>) src(%dma_wait3A_2457 : memref<16384x128xf32, #tpu.memory_space<hbm>>) dst(%dma_wait3A_2451 : memref<128x128xf32, #tpu.memory_space<vmem>>)
        %dma_wait3A_2458 = arith.constant 1 : i32
        %dma_wait3A_2459 = arith.constant 1 : i32
        %dma_wait3A_2460 = arith.constant 0 : i32
        %dma_wait3A_2461 = arith.constant 0 : i32
        %dma_wait3A_2462 = tpu.memref_slice %arg17[%dma_wait3A_2459, %dma_wait3A_2460, %dma_wait3A_2461] : memref<3x128x128xf32, #tpu.memory_space<vmem>> -> memref<1x128x128xf32, #tpu.memory_space<vmem>>
        %dma_wait3A_2463 = tpu.memref_squeeze %dma_wait3A_2462 : memref<1x128x128xf32, #tpu.memory_space<vmem>> -> memref<128x128xf32, #tpu.memory_space<vmem>>
        %dma_wait3A_2464 = arith.constant 0 : i32
        %dma_wait3A_2465 = tpu.memref_slice %arg15[%dma_wait3A_2458, %dma_wait3A_2464] : memref<4x128xi32, #tpu.memory_space<vmem>> -> memref<1x128xi32, #tpu.memory_space<vmem>>
        %dma_wait3A_2466 = tpu.memref_squeeze %dma_wait3A_2465 : memref<1x128xi32, #tpu.memory_space<vmem>> -> memref<128xi32, #tpu.memory_space<vmem>>
        %dma_wait3A_2467 = arith.constant 0 : i32
        %dma_wait3A_2468 = arith.constant 0 : i32
        %dma_wait3A_2469 = tpu.memref_slice %arg5[%dma_wait3A_2467, %dma_wait3A_2468] : memref<16384x128xf32, #tpu.memory_space<hbm>> -> memref<16384x128xf32, #tpu.memory_space<hbm>>
        tpu.wait_indirect_dma semaphore(%arg31 : memref<!tpu.dma_semaphore, #tpu.memory_space<semaphore_mem>>) src(%dma_wait3A_2469 : memref<16384x128xf32, #tpu.memory_space<hbm>>) dst(%dma_wait3A_2463 : memref<128x128xf32, #tpu.memory_space<vmem>>)
      } else {
      }
      %eq3A_428 = arith.constant 16 : i32
      %eq3A_429 = arith.cmpi eq, %scan3A_420, %eq3A_428 : i32
      %convert_element_type3A_430 = arith.extui %eq3A_429 : i1 to i32
      %cond3A_431 = arith.constant 0 : i32
      %cond3A_432 = arith.cmpi ne, %convert_element_type3A_430, %cond3A_431 : i32
      scf.if %cond3A_432 {
        %dma_wait3A_2446 = arith.constant 2 : i32
        %dma_wait3A_2447 = arith.constant 2 : i32
        %dma_wait3A_2448 = arith.constant 0 : i32
        %dma_wait3A_2449 = arith.constant 0 : i32
        %dma_wait3A_2450 = tpu.memref_slice %arg16[%dma_wait3A_2447, %dma_wait3A_2448, %dma_wait3A_2449] : memref<3x128x128xf32, #tpu.memory_space<vmem>> -> memref<1x128x128xf32, #tpu.memory_space<vmem>>
        %dma_wait3A_2451 = tpu.memref_squeeze %dma_wait3A_2450 : memref<1x128x128xf32, #tpu.memory_space<vmem>> -> memref<128x128xf32, #tpu.memory_space<vmem>>
        %dma_wait3A_2452 = arith.constant 0 : i32
        %dma_wait3A_2453 = tpu.memref_slice %arg14[%dma_wait3A_2446, %dma_wait3A_2452] : memref<4x128xi32, #tpu.memory_space<vmem>> -> memref<1x128xi32, #tpu.memory_space<vmem>>
        %dma_wait3A_2454 = tpu.memref_squeeze %dma_wait3A_2453 : memref<1x128xi32, #tpu.memory_space<vmem>> -> memref<128xi32, #tpu.memory_space<vmem>>
        %dma_wait3A_2455 = arith.constant 0 : i32
        %dma_wait3A_2456 = arith.constant 0 : i32
        %dma_wait3A_2457 = tpu.memref_slice %arg4[%dma_wait3A_2455, %dma_wait3A_2456] : memref<16384x128xf32, #tpu.memory_space<hbm>> -> memref<16384x128xf32, #tpu.memory_space<hbm>>
        tpu.wait_indirect_dma semaphore(%arg28 : memref<!tpu.dma_semaphore, #tpu.memory_space<semaphore_mem>>) src(%dma_wait3A_2457 : memref<16384x128xf32, #tpu.memory_space<hbm>>) dst(%dma_wait3A_2451 : memref<128x128xf32, #tpu.memory_space<vmem>>)
        %dma_wait3A_2458 = arith.constant 2 : i32
        %dma_wait3A_2459 = arith.constant 2 : i32
        %dma_wait3A_2460 = arith.constant 0 : i32
        %dma_wait3A_2461 = arith.constant 0 : i32
        %dma_wait3A_2462 = tpu.memref_slice %arg17[%dma_wait3A_2459, %dma_wait3A_2460, %dma_wait3A_2461] : memref<3x128x128xf32, #tpu.memory_space<vmem>> -> memref<1x128x128xf32, #tpu.memory_space<vmem>>
        %dma_wait3A_2463 = tpu.memref_squeeze %dma_wait3A_2462 : memref<1x128x128xf32, #tpu.memory_space<vmem>> -> memref<128x128xf32, #tpu.memory_space<vmem>>
        %dma_wait3A_2464 = arith.constant 0 : i32
        %dma_wait3A_2465 = tpu.memref_slice %arg15[%dma_wait3A_2458, %dma_wait3A_2464] : memref<4x128xi32, #tpu.memory_space<vmem>> -> memref<1x128xi32, #tpu.memory_space<vmem>>
        %dma_wait3A_2466 = tpu.memref_squeeze %dma_wait3A_2465 : memref<1x128xi32, #tpu.memory_space<vmem>> -> memref<128xi32, #tpu.memory_space<vmem>>
        %dma_wait3A_2467 = arith.constant 0 : i32
        %dma_wait3A_2468 = arith.constant 0 : i32
        %dma_wait3A_2469 = tpu.memref_slice %arg5[%dma_wait3A_2467, %dma_wait3A_2468] : memref<16384x128xf32, #tpu.memory_space<hbm>> -> memref<16384x128xf32, #tpu.memory_space<hbm>>
        tpu.wait_indirect_dma semaphore(%arg32 : memref<!tpu.dma_semaphore, #tpu.memory_space<semaphore_mem>>) src(%dma_wait3A_2469 : memref<16384x128xf32, #tpu.memory_space<hbm>>) dst(%dma_wait3A_2463 : memref<128x128xf32, #tpu.memory_space<vmem>>)
      } else {
      }
      %eq3A_433 = arith.constant 24 : i32
      %eq3A_434 = arith.cmpi eq, %scan3A_420, %eq3A_433 : i32
      %convert_element_type3A_435 = arith.extui %eq3A_434 : i1 to i32
      %cond3A_436 = arith.constant 0 : i32
      %cond3A_437 = arith.cmpi ne, %convert_element_type3A_435, %cond3A_436 : i32
      scf.if %cond3A_437 {
        %dma_wait3A_2446 = arith.constant 3 : i32
        %dma_wait3A_2447 = arith.constant 0 : i32
        %dma_wait3A_2448 = arith.constant 0 : i32
        %dma_wait3A_2449 = arith.constant 0 : i32
        %dma_wait3A_2450 = tpu.memref_slice %arg16[%dma_wait3A_2447, %dma_wait3A_2448, %dma_wait3A_2449] : memref<3x128x128xf32, #tpu.memory_space<vmem>> -> memref<1x128x128xf32, #tpu.memory_space<vmem>>
        %dma_wait3A_2451 = tpu.memref_squeeze %dma_wait3A_2450 : memref<1x128x128xf32, #tpu.memory_space<vmem>> -> memref<128x128xf32, #tpu.memory_space<vmem>>
        %dma_wait3A_2452 = arith.constant 0 : i32
        %dma_wait3A_2453 = tpu.memref_slice %arg14[%dma_wait3A_2446, %dma_wait3A_2452] : memref<4x128xi32, #tpu.memory_space<vmem>> -> memref<1x128xi32, #tpu.memory_space<vmem>>
        %dma_wait3A_2454 = tpu.memref_squeeze %dma_wait3A_2453 : memref<1x128xi32, #tpu.memory_space<vmem>> -> memref<128xi32, #tpu.memory_space<vmem>>
        %dma_wait3A_2455 = arith.constant 0 : i32
        %dma_wait3A_2456 = arith.constant 0 : i32
        %dma_wait3A_2457 = tpu.memref_slice %arg4[%dma_wait3A_2455, %dma_wait3A_2456] : memref<16384x128xf32, #tpu.memory_space<hbm>> -> memref<16384x128xf32, #tpu.memory_space<hbm>>
        tpu.wait_indirect_dma semaphore(%arg26 : memref<!tpu.dma_semaphore, #tpu.memory_space<semaphore_mem>>) src(%dma_wait3A_2457 : memref<16384x128xf32, #tpu.memory_space<hbm>>) dst(%dma_wait3A_2451 : memref<128x128xf32, #tpu.memory_space<vmem>>)
        %dma_wait3A_2458 = arith.constant 3 : i32
        %dma_wait3A_2459 = arith.constant 0 : i32
        %dma_wait3A_2460 = arith.constant 0 : i32
        %dma_wait3A_2461 = arith.constant 0 : i32
        %dma_wait3A_2462 = tpu.memref_slice %arg17[%dma_wait3A_2459, %dma_wait3A_2460, %dma_wait3A_2461] : memref<3x128x128xf32, #tpu.memory_space<vmem>> -> memref<1x128x128xf32, #tpu.memory_space<vmem>>
        %dma_wait3A_2463 = tpu.memref_squeeze %dma_wait3A_2462 : memref<1x128x128xf32, #tpu.memory_space<vmem>> -> memref<128x128xf32, #tpu.memory_space<vmem>>
        %dma_wait3A_2464 = arith.constant 0 : i32
        %dma_wait3A_2465 = tpu.memref_slice %arg15[%dma_wait3A_2458, %dma_wait3A_2464] : memref<4x128xi32, #tpu.memory_space<vmem>> -> memref<1x128xi32, #tpu.memory_space<vmem>>
        %dma_wait3A_2466 = tpu.memref_squeeze %dma_wait3A_2465 : memref<1x128xi32, #tpu.memory_space<vmem>> -> memref<128xi32, #tpu.memory_space<vmem>>
        %dma_wait3A_2467 = arith.constant 0 : i32
        %dma_wait3A_2468 = arith.constant 0 : i32
        %dma_wait3A_2469 = tpu.memref_slice %arg5[%dma_wait3A_2467, %dma_wait3A_2468] : memref<16384x128xf32, #tpu.memory_space<hbm>> -> memref<16384x128xf32, #tpu.memory_space<hbm>>
        tpu.wait_indirect_dma semaphore(%arg30 : memref<!tpu.dma_semaphore, #tpu.memory_space<semaphore_mem>>) src(%dma_wait3A_2469 : memref<16384x128xf32, #tpu.memory_space<hbm>>) dst(%dma_wait3A_2463 : memref<128x128xf32, #tpu.memory_space<vmem>>)
      } else {
      }
      %jit3A = arith.constant 8 : i32
      %div3A = arith.divsi %scan3A_420, %jit3A : i32
      %sign3A = arith.constant 0 : i32
      %sign3A_438 = arith.cmpi sgt, %scan3A_420, %sign3A : i32
      %sign3A_439 = arith.extui %sign3A_438 : i1 to i32
      %sign3A_440 = arith.constant 0 : i32
      %sign3A_441 = arith.cmpi slt, %scan3A_420, %sign3A_440 : i32
      %sign3A_442 = arith.extui %sign3A_441 : i1 to i32
      %sign3A_443 = arith.subi %sign3A_439, %sign3A_442 : i32
      %sign3A_444 = arith.constant 0 : i32
      %sign3A_445 = arith.cmpi sgt, %jit3A, %sign3A_444 : i32
      %sign3A_446 = arith.extui %sign3A_445 : i1 to i32
      %sign3A_447 = arith.constant 0 : i32
      %sign3A_448 = arith.cmpi slt, %jit3A, %sign3A_447 : i32
      %sign3A_449 = arith.extui %sign3A_448 : i1 to i32
      %sign3A_450 = arith.subi %sign3A_446, %sign3A_449 : i32
      %ne3A = arith.cmpi ne, %sign3A_443, %sign3A_450 : i32
      %rem3A = arith.remsi %scan3A_420, %jit3A : i32
      %ne3A_451 = arith.constant 0 : i32
      %ne3A_452 = arith.cmpi ne, %rem3A, %ne3A_451 : i32
      %and3A_453 = arith.andi %ne3A, %ne3A_452 : i1
      %sub3A_454 = arith.constant 1 : i32
      %sub3A_455 = arith.subi %div3A, %sub3A_454 : i32
      %select_n3A = arith.select %and3A_453, %sub3A_455, %div3A : i32
      %jit3A_456 = arith.constant 3 : i32
      %eq3A_457 = arith.constant 0 : i32
      %eq3A_458 = arith.cmpi eq, %jit3A_456, %eq3A_457 : i32
      %jit3A_459 = arith.constant 1 : i32
      %select_n3A_460 = arith.select %eq3A_458, %jit3A_459, %jit3A_456 : i32
      %rem3A_461 = arith.remsi %select_n3A, %select_n3A_460 : i32
      %ne3A_462 = arith.constant 0 : i32
      %ne3A_463 = arith.cmpi ne, %rem3A_461, %ne3A_462 : i32
      %lt3A_464 = arith.constant 0 : i32
      %lt3A_465 = arith.cmpi slt, %rem3A_461, %lt3A_464 : i32
      %lt3A_466 = arith.constant 0 : i32
      %lt3A_467 = arith.cmpi slt, %select_n3A_460, %lt3A_466 : i32
      %ne3A_468 = arith.xori %lt3A_465, %lt3A_467 : i1
      %and3A_469 = arith.andi %ne3A_468, %ne3A_463 : i1
      %add3A_470 = arith.addi %rem3A_461, %select_n3A_460 : i32
      %select_n3A_471 = arith.select %and3A_469, %add3A_470, %rem3A_461 : i32
      %jit3A_472 = arith.constant 8 : i32
      %eq3A_473 = arith.constant 0 : i32
      %eq3A_474 = arith.cmpi eq, %jit3A_472, %eq3A_473 : i32
      %jit3A_475 = arith.constant 1 : i32
      %select_n3A_476 = arith.select %eq3A_474, %jit3A_475, %jit3A_472 : i32
      %rem3A_477 = arith.remsi %scan3A_420, %select_n3A_476 : i32
      %ne3A_478 = arith.constant 0 : i32
      %ne3A_479 = arith.cmpi ne, %rem3A_477, %ne3A_478 : i32
      %lt3A_480 = arith.constant 0 : i32
      %lt3A_481 = arith.cmpi slt, %rem3A_477, %lt3A_480 : i32
      %lt3A_482 = arith.constant 0 : i32
      %lt3A_483 = arith.cmpi slt, %select_n3A_476, %lt3A_482 : i32
      %ne3A_484 = arith.xori %lt3A_481, %lt3A_483 : i1
      %and3A_485 = arith.andi %ne3A_484, %ne3A_479 : i1
      %add3A_486 = arith.addi %rem3A_477, %select_n3A_476 : i32
      %select_n3A_487 = arith.select %and3A_485, %add3A_486, %rem3A_477 : i32
      %mul3A_488 = arith.constant 16 : i32
      %mul3A_489 = arith.muli %select_n3A_487, %mul3A_488 : i32
      %add3A_490 = arith.constant 0 : i32
      %add3A_491 = arith.addi %mul3A_489, %add3A_490 : i32
      %get3A_492 = arith.index_cast %select_n3A_471 : i32 to index
      %get3A_493 = arith.index_cast %add3A_491 : i32 to index
      %get3A_494 = arith.constant 0 : index
      %get3A_495 = tpu.vector_load %arg16[%get3A_492, %get3A_493, %get3A_494] {strides = array<i32>} : memref<3x128x128xf32, #tpu.memory_space<vmem>>, vector<16xf32>,
      %get3A_496 = arith.index_cast %select_n3A_471 : i32 to index
      %get3A_497 = arith.index_cast %add3A_491 : i32 to index
      %get3A_498 = arith.constant 0 : index
      %get3A_499 = tpu.vector_load %arg17[%get3A_496, %get3A_497, %get3A_498] {strides = array<i32>} : memref<3x128x128xf32, #tpu.memory_space<vmem>>, vector<16xf32>,
      %mul3A_500 = arith.mulf %get3A_495, %mul3A_236 : vector<16xf32>
      %add3A_501 = arith.addf %mul3A_500, %get3A_273 : vector<16xf32>
      %mul3A_502 = arith.mulf %get3A_499, %mul3A_292 : vector<16xf32>
      %add3A_503 = arith.addf %mul3A_502, %get3A_329 : vector<16xf32>
      %mul3A_504 = arith.mulf %add3A_501, %add3A_503 : vector<16xf32>
      %get3A_505 = arith.index_cast %select_n3A_471 : i32 to index
      %get3A_506 = arith.index_cast %add3A_491 : i32 to index
      %get3A_507 = arith.constant 16 : index
      %get3A_508 = tpu.vector_load %arg16[%get3A_505, %get3A_506, %get3A_507] {strides = array<i32>} : memref<3x128x128xf32, #tpu.memory_space<vmem>>, vector<16xf32>,
      %get3A_509 = arith.index_cast %select_n3A_471 : i32 to index
      %get3A_510 = arith.index_cast %add3A_491 : i32 to index
      %get3A_511 = arith.constant 16 : index
      %get3A_512 = tpu.vector_load %arg17[%get3A_509, %get3A_510, %get3A_511] {strides = array<i32>} : memref<3x128x128xf32, #tpu.memory_space<vmem>>, vector<16xf32>,
      %mul3A_513 = arith.mulf %get3A_508, %mul3A_241 : vector<16xf32>
      %add3A_514 = arith.addf %mul3A_513, %get3A_275 : vector<16xf32>
      %mul3A_515 = arith.mulf %get3A_512, %mul3A_297 : vector<16xf32>
      %add3A_516 = arith.addf %mul3A_515, %get3A_331 : vector<16xf32>
      %mul3A_517 = arith.mulf %add3A_514, %add3A_516 : vector<16xf32>
      %get3A_518 = arith.index_cast %select_n3A_471 : i32 to index
      %get3A_519 = arith.index_cast %add3A_491 : i32 to index
      %get3A_520 = arith.constant 32 : index
      %get3A_521 = tpu.vector_load %arg16[%get3A_518, %get3A_519, %get3A_520] {strides = array<i32>} : memref<3x128x128xf32, #tpu.memory_space<vmem>>, vector<16xf32>,
      %get3A_522 = arith.index_cast %select_n3A_471 : i32 to index
      %get3A_523 = arith.index_cast %add3A_491 : i32 to index
      %get3A_524 = arith.constant 32 : index
      %get3A_525 = tpu.vector_load %arg17[%get3A_522, %get3A_523, %get3A_524] {strides = array<i32>} : memref<3x128x128xf32, #tpu.memory_space<vmem>>, vector<16xf32>,
      %mul3A_526 = arith.mulf %get3A_521, %mul3A_246 : vector<16xf32>
      %add3A_527 = arith.addf %mul3A_526, %get3A_277 : vector<16xf32>
      %mul3A_528 = arith.mulf %get3A_525, %mul3A_302 : vector<16xf32>
      %add3A_529 = arith.addf %mul3A_528, %get3A_333 : vector<16xf32>
      %mul3A_530 = arith.mulf %add3A_527, %add3A_529 : vector<16xf32>
      %get3A_531 = arith.index_cast %select_n3A_471 : i32 to index
      %get3A_532 = arith.index_cast %add3A_491 : i32 to index
      %get3A_533 = arith.constant 48 : index
      %get3A_534 = tpu.vector_load %arg16[%get3A_531, %get3A_532, %get3A_533] {strides = array<i32>} : memref<3x128x128xf32, #tpu.memory_space<vmem>>, vector<16xf32>,
      %get3A_535 = arith.index_cast %select_n3A_471 : i32 to index
      %get3A_536 = arith.index_cast %add3A_491 : i32 to index
      %get3A_537 = arith.constant 48 : index
      %get3A_538 = tpu.vector_load %arg17[%get3A_535, %get3A_536, %get3A_537] {strides = array<i32>} : memref<3x128x128xf32, #tpu.memory_space<vmem>>, vector<16xf32>,
      %mul3A_539 = arith.mulf %get3A_534, %mul3A_251 : vector<16xf32>
      %add3A_540 = arith.addf %mul3A_539, %get3A_279 : vector<16xf32>
      %mul3A_541 = arith.mulf %get3A_538, %mul3A_307 : vector<16xf32>
      %add3A_542 = arith.addf %mul3A_541, %get3A_335 : vector<16xf32>
      %mul3A_543 = arith.mulf %add3A_540, %add3A_542 : vector<16xf32>
      %get3A_544 = arith.index_cast %select_n3A_471 : i32 to index
      %get3A_545 = arith.index_cast %add3A_491 : i32 to index
      %get3A_546 = arith.constant 64 : index
      %get3A_547 = tpu.vector_load %arg16[%get3A_544, %get3A_545, %get3A_546] {strides = array<i32>} : memref<3x128x128xf32, #tpu.memory_space<vmem>>, vector<16xf32>,
      %get3A_548 = arith.index_cast %select_n3A_471 : i32 to index
      %get3A_549 = arith.index_cast %add3A_491 : i32 to index
      %get3A_550 = arith.constant 64 : index
      %get3A_551 = tpu.vector_load %arg17[%get3A_548, %get3A_549, %get3A_550] {strides = array<i32>} : memref<3x128x128xf32, #tpu.memory_space<vmem>>, vector<16xf32>,
      %mul3A_552 = arith.mulf %get3A_547, %mul3A_256 : vector<16xf32>
      %add3A_553 = arith.addf %mul3A_552, %get3A_281 : vector<16xf32>
      %mul3A_554 = arith.mulf %get3A_551, %mul3A_312 : vector<16xf32>
      %add3A_555 = arith.addf %mul3A_554, %get3A_337 : vector<16xf32>
      %mul3A_556 = arith.mulf %add3A_553, %add3A_555 : vector<16xf32>
      %get3A_557 = arith.index_cast %select_n3A_471 : i32 to index
      %get3A_558 = arith.index_cast %add3A_491 : i32 to index
      %get3A_559 = arith.constant 80 : index
      %get3A_560 = tpu.vector_load %arg16[%get3A_557, %get3A_558, %get3A_559] {strides = array<i32>} : memref<3x128x128xf32, #tpu.memory_space<vmem>>, vector<16xf32>,
      %get3A_561 = arith.index_cast %select_n3A_471 : i32 to index
      %get3A_562 = arith.index_cast %add3A_491 : i32 to index
      %get3A_563 = arith.constant 80 : index
      %get3A_564 = tpu.vector_load %arg17[%get3A_561, %get3A_562, %get3A_563] {strides = array<i32>} : memref<3x128x128xf32, #tpu.memory_space<vmem>>, vector<16xf32>,
      %mul3A_565 = arith.mulf %get3A_560, %mul3A_261 : vector<16xf32>
      %add3A_566 = arith.addf %mul3A_565, %get3A_283 : vector<16xf32>
      %mul3A_567 = arith.mulf %get3A_564, %mul3A_317 : vector<16xf32>
      %add3A_568 = arith.addf %mul3A_567, %get3A_339 : vector<16xf32>
      %mul3A_569 = arith.mulf %add3A_566, %add3A_568 : vector<16xf32>
      %get3A_570 = arith.index_cast %select_n3A_471 : i32 to index
      %get3A_571 = arith.index_cast %add3A_491 : i32 to index
      %get3A_572 = arith.constant 96 : index
      %get3A_573 = tpu.vector_load %arg16[%get3A_570, %get3A_571, %get3A_572] {strides = array<i32>} : memref<3x128x128xf32, #tpu.memory_space<vmem>>, vector<16xf32>,
      %get3A_574 = arith.index_cast %select_n3A_471 : i32 to index
      %get3A_575 = arith.index_cast %add3A_491 : i32 to index
      %get3A_576 = arith.constant 96 : index
      %get3A_577 = tpu.vector_load %arg17[%get3A_574, %get3A_575, %get3A_576] {strides = array<i32>} : memref<3x128x128xf32, #tpu.memory_space<vmem>>, vector<16xf32>,
      %mul3A_578 = arith.mulf %get3A_573, %mul3A_266 : vector<16xf32>
      %add3A_579 = arith.addf %mul3A_578, %get3A_285 : vector<16xf32>
      %mul3A_580 = arith.mulf %get3A_577, %mul3A_322 : vector<16xf32>
      %add3A_581 = arith.addf %mul3A_580, %get3A_341 : vector<16xf32>
      %mul3A_582 = arith.mulf %add3A_579, %add3A_581 : vector<16xf32>
      %get3A_583 = arith.index_cast %select_n3A_471 : i32 to index
      %get3A_584 = arith.index_cast %add3A_491 : i32 to index
      %get3A_585 = arith.constant 112 : index
      %get3A_586 = tpu.vector_load %arg16[%get3A_583, %get3A_584, %get3A_585] {strides = array<i32>} : memref<3x128x128xf32, #tpu.memory_space<vmem>>, vector<16xf32>,
      %get3A_587 = arith.index_cast %select_n3A_471 : i32 to index
      %get3A_588 = arith.index_cast %add3A_491 : i32 to index
      %get3A_589 = arith.constant 112 : index
      %get3A_590 = tpu.vector_load %arg17[%get3A_587, %get3A_588, %get3A_589] {strides = array<i32>} : memref<3x128x128xf32, #tpu.memory_space<vmem>>, vector<16xf32>,
      %mul3A_591 = arith.mulf %get3A_586, %mul3A_271 : vector<16xf32>
      %add3A_592 = arith.addf %mul3A_591, %get3A_287 : vector<16xf32>
      %mul3A_593 = arith.mulf %get3A_590, %mul3A_327 : vector<16xf32>
      %add3A_594 = arith.addf %mul3A_593, %get3A_343 : vector<16xf32>
      %mul3A_595 = arith.mulf %add3A_592, %add3A_594 : vector<16xf32>
      %add3A_596 = arith.addf %mul3A_504, %mul3A_517 : vector<16xf32>
      %add3A_597 = arith.addf %mul3A_530, %mul3A_543 : vector<16xf32>
      %add3A_598 = arith.addf %mul3A_556, %mul3A_569 : vector<16xf32>
      %add3A_599 = arith.addf %mul3A_582, %mul3A_595 : vector<16xf32>
      %add3A_600 = arith.addf %add3A_596, %add3A_597 : vector<16xf32>
      %add3A_601 = arith.addf %add3A_598, %add3A_599 : vector<16xf32>
      %add3A_602 = arith.addf %add3A_600, %add3A_601 : vector<16xf32>
      %add3A_603 = arith.constant 1 : i32
      %add3A_604 = arith.addi %mul3A_489, %add3A_603 : i32
      %get3A_605 = arith.index_cast %select_n3A_471 : i32 to index
      %get3A_606 = arith.index_cast %add3A_604 : i32 to index
      %get3A_607 = arith.constant 0 : index
      %get3A_608 = tpu.vector_load %arg16[%get3A_605, %get3A_606, %get3A_607] {strides = array<i32>} : memref<3x128x128xf32, #tpu.memory_space<vmem>>, vector<16xf32>,
      %get3A_609 = arith.index_cast %select_n3A_471 : i32 to index
      %get3A_610 = arith.index_cast %add3A_604 : i32 to index
      %get3A_611 = arith.constant 0 : index
      %get3A_612 = tpu.vector_load %arg17[%get3A_609, %get3A_610, %get3A_611] {strides = array<i32>} : memref<3x128x128xf32, #tpu.memory_space<vmem>>, vector<16xf32>,
      %mul3A_613 = arith.mulf %get3A_608, %mul3A_236 : vector<16xf32>
      %add3A_614 = arith.addf %mul3A_613, %get3A_273 : vector<16xf32>
      %mul3A_615 = arith.mulf %get3A_612, %mul3A_292 : vector<16xf32>
      %add3A_616 = arith.addf %mul3A_615, %get3A_329 : vector<16xf32>
      %mul3A_617 = arith.mulf %add3A_614, %add3A_616 : vector<16xf32>
      %get3A_618 = arith.index_cast %select_n3A_471 : i32 to index
      %get3A_619 = arith.index_cast %add3A_604 : i32 to index
      %get3A_620 = arith.constant 16 : index
      %get3A_621 = tpu.vector_load %arg16[%get3A_618, %get3A_619, %get3A_620] {strides = array<i32>} : memref<3x128x128xf32, #tpu.memory_space<vmem>>, vector<16xf32>,
      %get3A_622 = arith.index_cast %select_n3A_471 : i32 to index
      %get3A_623 = arith.index_cast %add3A_604 : i32 to index
      %get3A_624 = arith.constant 16 : index
      %get3A_625 = tpu.vector_load %arg17[%get3A_622, %get3A_623, %get3A_624] {strides = array<i32>} : memref<3x128x128xf32, #tpu.memory_space<vmem>>, vector<16xf32>,
      %mul3A_626 = arith.mulf %get3A_621, %mul3A_241 : vector<16xf32>
      %add3A_627 = arith.addf %mul3A_626, %get3A_275 : vector<16xf32>
      %mul3A_628 = arith.mulf %get3A_625, %mul3A_297 : vector<16xf32>
      %add3A_629 = arith.addf %mul3A_628, %get3A_331 : vector<16xf32>
      %mul3A_630 = arith.mulf %add3A_627, %add3A_629 : vector<16xf32>
      %get3A_631 = arith.index_cast %select_n3A_471 : i32 to index
      %get3A_632 = arith.index_cast %add3A_604 : i32 to index
      %get3A_633 = arith.constant 32 : index
      %get3A_634 = tpu.vector_load %arg16[%get3A_631, %get3A_632, %get3A_633] {strides = array<i32>} : memref<3x128x128xf32, #tpu.memory_space<vmem>>, vector<16xf32>,
      %get3A_635 = arith.index_cast %select_n3A_471 : i32 to index
      %get3A_636 = arith.index_cast %add3A_604 : i32 to index
      %get3A_637 = arith.constant 32 : index
      %get3A_638 = tpu.vector_load %arg17[%get3A_635, %get3A_636, %get3A_637] {strides = array<i32>} : memref<3x128x128xf32, #tpu.memory_space<vmem>>, vector<16xf32>,
      %mul3A_639 = arith.mulf %get3A_634, %mul3A_246 : vector<16xf32>
      %add3A_640 = arith.addf %mul3A_639, %get3A_277 : vector<16xf32>
      %mul3A_641 = arith.mulf %get3A_638, %mul3A_302 : vector<16xf32>
      %add3A_642 = arith.addf %mul3A_641, %get3A_333 : vector<16xf32>
      %mul3A_643 = arith.mulf %add3A_640, %add3A_642 : vector<16xf32>
      %get3A_644 = arith.index_cast %select_n3A_471 : i32 to index
      %get3A_645 = arith.index_cast %add3A_604 : i32 to index
      %get3A_646 = arith.constant 48 : index
      %get3A_647 = tpu.vector_load %arg16[%get3A_644, %get3A_645, %get3A_646] {strides = array<i32>} : memref<3x128x128xf32, #tpu.memory_space<vmem>>, vector<16xf32>,
      %get3A_648 = arith.index_cast %select_n3A_471 : i32 to index
      %get3A_649 = arith.index_cast %add3A_604 : i32 to index
      %get3A_650 = arith.constant 48 : index
      %get3A_651 = tpu.vector_load %arg17[%get3A_648, %get3A_649, %get3A_650] {strides = array<i32>} : memref<3x128x128xf32, #tpu.memory_space<vmem>>, vector<16xf32>,
      %mul3A_652 = arith.mulf %get3A_647, %mul3A_251 : vector<16xf32>
      %add3A_653 = arith.addf %mul3A_652, %get3A_279 : vector<16xf32>
      %mul3A_654 = arith.mulf %get3A_651, %mul3A_307 : vector<16xf32>
      %add3A_655 = arith.addf %mul3A_654, %get3A_335 : vector<16xf32>
      %mul3A_656 = arith.mulf %add3A_653, %add3A_655 : vector<16xf32>
      %get3A_657 = arith.index_cast %select_n3A_471 : i32 to index
      %get3A_658 = arith.index_cast %add3A_604 : i32 to index
      %get3A_659 = arith.constant 64 : index
      %get3A_660 = tpu.vector_load %arg16[%get3A_657, %get3A_658, %get3A_659] {strides = array<i32>} : memref<3x128x128xf32, #tpu.memory_space<vmem>>, vector<16xf32>,
      %get3A_661 = arith.index_cast %select_n3A_471 : i32 to index
      %get3A_662 = arith.index_cast %add3A_604 : i32 to index
      %get3A_663 = arith.constant 64 : index
      %get3A_664 = tpu.vector_load %arg17[%get3A_661, %get3A_662, %get3A_663] {strides = array<i32>} : memref<3x128x128xf32, #tpu.memory_space<vmem>>, vector<16xf32>,
      %mul3A_665 = arith.mulf %get3A_660, %mul3A_256 : vector<16xf32>
      %add3A_666 = arith.addf %mul3A_665, %get3A_281 : vector<16xf32>
      %mul3A_667 = arith.mulf %get3A_664, %mul3A_312 : vector<16xf32>
      %add3A_668 = arith.addf %mul3A_667, %get3A_337 : vector<16xf32>
      %mul3A_669 = arith.mulf %add3A_666, %add3A_668 : vector<16xf32>
      %get3A_670 = arith.index_cast %select_n3A_471 : i32 to index
      %get3A_671 = arith.index_cast %add3A_604 : i32 to index
      %get3A_672 = arith.constant 80 : index
      %get3A_673 = tpu.vector_load %arg16[%get3A_670, %get3A_671, %get3A_672] {strides = array<i32>} : memref<3x128x128xf32, #tpu.memory_space<vmem>>, vector<16xf32>,
      %get3A_674 = arith.index_cast %select_n3A_471 : i32 to index
      %get3A_675 = arith.index_cast %add3A_604 : i32 to index
      %get3A_676 = arith.constant 80 : index
      %get3A_677 = tpu.vector_load %arg17[%get3A_674, %get3A_675, %get3A_676] {strides = array<i32>} : memref<3x128x128xf32, #tpu.memory_space<vmem>>, vector<16xf32>,
      %mul3A_678 = arith.mulf %get3A_673, %mul3A_261 : vector<16xf32>
      %add3A_679 = arith.addf %mul3A_678, %get3A_283 : vector<16xf32>
      %mul3A_680 = arith.mulf %get3A_677, %mul3A_317 : vector<16xf32>
      %add3A_681 = arith.addf %mul3A_680, %get3A_339 : vector<16xf32>
      %mul3A_682 = arith.mulf %add3A_679, %add3A_681 : vector<16xf32>
      %get3A_683 = arith.index_cast %select_n3A_471 : i32 to index
      %get3A_684 = arith.index_cast %add3A_604 : i32 to index
      %get3A_685 = arith.constant 96 : index
      %get3A_686 = tpu.vector_load %arg16[%get3A_683, %get3A_684, %get3A_685] {strides = array<i32>} : memref<3x128x128xf32, #tpu.memory_space<vmem>>, vector<16xf32>,
      %get3A_687 = arith.index_cast %select_n3A_471 : i32 to index
      %get3A_688 = arith.index_cast %add3A_604 : i32 to index
      %get3A_689 = arith.constant 96 : index
      %get3A_690 = tpu.vector_load %arg17[%get3A_687, %get3A_688, %get3A_689] {strides = array<i32>} : memref<3x128x128xf32, #tpu.memory_space<vmem>>, vector<16xf32>,
      %mul3A_691 = arith.mulf %get3A_686, %mul3A_266 : vector<16xf32>
      %add3A_692 = arith.addf %mul3A_691, %get3A_285 : vector<16xf32>
      %mul3A_693 = arith.mulf %get3A_690, %mul3A_322 : vector<16xf32>
      %add3A_694 = arith.addf %mul3A_693, %get3A_341 : vector<16xf32>
      %mul3A_695 = arith.mulf %add3A_692, %add3A_694 : vector<16xf32>
      %get3A_696 = arith.index_cast %select_n3A_471 : i32 to index
      %get3A_697 = arith.index_cast %add3A_604 : i32 to index
      %get3A_698 = arith.constant 112 : index
      %get3A_699 = tpu.vector_load %arg16[%get3A_696, %get3A_697, %get3A_698] {strides = array<i32>} : memref<3x128x128xf32, #tpu.memory_space<vmem>>, vector<16xf32>,
      %get3A_700 = arith.index_cast %select_n3A_471 : i32 to index
      %get3A_701 = arith.index_cast %add3A_604 : i32 to index
      %get3A_702 = arith.constant 112 : index
      %get3A_703 = tpu.vector_load %arg17[%get3A_700, %get3A_701, %get3A_702] {strides = array<i32>} : memref<3x128x128xf32, #tpu.memory_space<vmem>>, vector<16xf32>,
      %mul3A_704 = arith.mulf %get3A_699, %mul3A_271 : vector<16xf32>
      %add3A_705 = arith.addf %mul3A_704, %get3A_287 : vector<16xf32>
      %mul3A_706 = arith.mulf %get3A_703, %mul3A_327 : vector<16xf32>
      %add3A_707 = arith.addf %mul3A_706, %get3A_343 : vector<16xf32>
      %mul3A_708 = arith.mulf %add3A_705, %add3A_707 : vector<16xf32>
      %add3A_709 = arith.addf %mul3A_617, %mul3A_630 : vector<16xf32>
      %add3A_710 = arith.addf %mul3A_643, %mul3A_656 : vector<16xf32>
      %add3A_711 = arith.addf %mul3A_669, %mul3A_682 : vector<16xf32>
      %add3A_712 = arith.addf %mul3A_695, %mul3A_708 : vector<16xf32>
      %add3A_713 = arith.addf %add3A_709, %add3A_710 : vector<16xf32>
      %add3A_714 = arith.addf %add3A_711, %add3A_712 : vector<16xf32>
      %add3A_715 = arith.addf %add3A_713, %add3A_714 : vector<16xf32>
      %broadcast_in_dim3A = vector.shape_cast %and3A_348 : vector<16xi32> to vector<16x1xi32>
      %gather3A = vector.shape_cast %broadcast_in_dim3A : vector<16x1xi32> to vector<16xi32>
      %gather3A_716 = tpu.dynamic_gather %add3A_602[%gather3A] in [0] : vector<16xf32>, vector<16xi32> -> vector<16xf32>
      %add3A_717 = arith.addf %add3A_602, %gather3A_716 : vector<16xf32>
      %broadcast_in_dim3A_718 = vector.shape_cast %and3A_371 : vector<16xi32> to vector<16x1xi32>
      %gather3A_719 = vector.shape_cast %broadcast_in_dim3A_718 : vector<16x1xi32> to vector<16xi32>
      %gather3A_720 = tpu.dynamic_gather %add3A_715[%gather3A_719] in [0] : vector<16xf32>, vector<16xi32> -> vector<16xf32>
      %add3A_721 = arith.addf %add3A_715, %gather3A_720 : vector<16xf32>
      %select_n3A_722 = arith.select %lt3A_394, %add3A_717, %add3A_721 : vector<16xi1>, vector<16xf32>
      %add3A_723 = arith.constant 2 : i32
      %add3A_724 = arith.addi %mul3A_489, %add3A_723 : i32
      %get3A_725 = arith.index_cast %select_n3A_471 : i32 to index
      %get3A_726 = arith.index_cast %add3A_724 : i32 to index
      %get3A_727 = arith.constant 0 : index
      %get3A_728 = tpu.vector_load %arg16[%get3A_725, %get3A_726, %get3A_727] {strides = array<i32>} : memref<3x128x128xf32, #tpu.memory_space<vmem>>, vector<16xf32>,
      %get3A_729 = arith.index_cast %select_n3A_471 : i32 to index
      %get3A_730 = arith.index_cast %add3A_724 : i32 to index
      %get3A_731 = arith.constant 0 : index
      %get3A_732 = tpu.vector_load %arg17[%get3A_729, %get3A_730, %get3A_731] {strides = array<i32>} : memref<3x128x128xf32, #tpu.memory_space<vmem>>, vector<16xf32>,
      %mul3A_733 = arith.mulf %get3A_728, %mul3A_236 : vector<16xf32>
      %add3A_734 = arith.addf %mul3A_733, %get3A_273 : vector<16xf32>
      %mul3A_735 = arith.mulf %get3A_732, %mul3A_292 : vector<16xf32>
      %add3A_736 = arith.addf %mul3A_735, %get3A_329 : vector<16xf32>
      %mul3A_737 = arith.mulf %add3A_734, %add3A_736 : vector<16xf32>
      %get3A_738 = arith.index_cast %select_n3A_471 : i32 to index
      %get3A_739 = arith.index_cast %add3A_724 : i32 to index
      %get3A_740 = arith.constant 16 : index
      %get3A_741 = tpu.vector_load %arg16[%get3A_738, %get3A_739, %get3A_740] {strides = array<i32>} : memref<3x128x128xf32, #tpu.memory_space<vmem>>, vector<16xf32>,
      %get3A_742 = arith.index_cast %select_n3A_471 : i32 to index
      %get3A_743 = arith.index_cast %add3A_724 : i32 to index
      %get3A_744 = arith.constant 16 : index
      %get3A_745 = tpu.vector_load %arg17[%get3A_742, %get3A_743, %get3A_744] {strides = array<i32>} : memref<3x128x128xf32, #tpu.memory_space<vmem>>, vector<16xf32>,
      %mul3A_746 = arith.mulf %get3A_741, %mul3A_241 : vector<16xf32>
      %add3A_747 = arith.addf %mul3A_746, %get3A_275 : vector<16xf32>
      %mul3A_748 = arith.mulf %get3A_745, %mul3A_297 : vector<16xf32>
      %add3A_749 = arith.addf %mul3A_748, %get3A_331 : vector<16xf32>
      %mul3A_750 = arith.mulf %add3A_747, %add3A_749 : vector<16xf32>
      %get3A_751 = arith.index_cast %select_n3A_471 : i32 to index
      %get3A_752 = arith.index_cast %add3A_724 : i32 to index
      %get3A_753 = arith.constant 32 : index
      %get3A_754 = tpu.vector_load %arg16[%get3A_751, %get3A_752, %get3A_753] {strides = array<i32>} : memref<3x128x128xf32, #tpu.memory_space<vmem>>, vector<16xf32>,
      %get3A_755 = arith.index_cast %select_n3A_471 : i32 to index
      %get3A_756 = arith.index_cast %add3A_724 : i32 to index
      %get3A_757 = arith.constant 32 : index
      %get3A_758 = tpu.vector_load %arg17[%get3A_755, %get3A_756, %get3A_757] {strides = array<i32>} : memref<3x128x128xf32, #tpu.memory_space<vmem>>, vector<16xf32>,
      %mul3A_759 = arith.mulf %get3A_754, %mul3A_246 : vector<16xf32>
      %add3A_760 = arith.addf %mul3A_759, %get3A_277 : vector<16xf32>
      %mul3A_761 = arith.mulf %get3A_758, %mul3A_302 : vector<16xf32>
      %add3A_762 = arith.addf %mul3A_761, %get3A_333 : vector<16xf32>
      %mul3A_763 = arith.mulf %add3A_760, %add3A_762 : vector<16xf32>
      %get3A_764 = arith.index_cast %select_n3A_471 : i32 to index
      %get3A_765 = arith.index_cast %add3A_724 : i32 to index
      %get3A_766 = arith.constant 48 : index
      %get3A_767 = tpu.vector_load %arg16[%get3A_764, %get3A_765, %get3A_766] {strides = array<i32>} : memref<3x128x128xf32, #tpu.memory_space<vmem>>, vector<16xf32>,
      %get3A_768 = arith.index_cast %select_n3A_471 : i32 to index
      %get3A_769 = arith.index_cast %add3A_724 : i32 to index
      %get3A_770 = arith.constant 48 : index
      %get3A_771 = tpu.vector_load %arg17[%get3A_768, %get3A_769, %get3A_770] {strides = array<i32>} : memref<3x128x128xf32, #tpu.memory_space<vmem>>, vector<16xf32>,
      %mul3A_772 = arith.mulf %get3A_767, %mul3A_251 : vector<16xf32>
      %add3A_773 = arith.addf %mul3A_772, %get3A_279 : vector<16xf32>
      %mul3A_774 = arith.mulf %get3A_771, %mul3A_307 : vector<16xf32>
      %add3A_775 = arith.addf %mul3A_774, %get3A_335 : vector<16xf32>
      %mul3A_776 = arith.mulf %add3A_773, %add3A_775 : vector<16xf32>
      %get3A_777 = arith.index_cast %select_n3A_471 : i32 to index
      %get3A_778 = arith.index_cast %add3A_724 : i32 to index
      %get3A_779 = arith.constant 64 : index
      %get3A_780 = tpu.vector_load %arg16[%get3A_777, %get3A_778, %get3A_779] {strides = array<i32>} : memref<3x128x128xf32, #tpu.memory_space<vmem>>, vector<16xf32>,
      %get3A_781 = arith.index_cast %select_n3A_471 : i32 to index
      %get3A_782 = arith.index_cast %add3A_724 : i32 to index
      %get3A_783 = arith.constant 64 : index
      %get3A_784 = tpu.vector_load %arg17[%get3A_781, %get3A_782, %get3A_783] {strides = array<i32>} : memref<3x128x128xf32, #tpu.memory_space<vmem>>, vector<16xf32>,
      %mul3A_785 = arith.mulf %get3A_780, %mul3A_256 : vector<16xf32>
      %add3A_786 = arith.addf %mul3A_785, %get3A_281 : vector<16xf32>
      %mul3A_787 = arith.mulf %get3A_784, %mul3A_312 : vector<16xf32>
      %add3A_788 = arith.addf %mul3A_787, %get3A_337 : vector<16xf32>
      %mul3A_789 = arith.mulf %add3A_786, %add3A_788 : vector<16xf32>
      %get3A_790 = arith.index_cast %select_n3A_471 : i32 to index
      %get3A_791 = arith.index_cast %add3A_724 : i32 to index
      %get3A_792 = arith.constant 80 : index
      %get3A_793 = tpu.vector_load %arg16[%get3A_790, %get3A_791, %get3A_792] {strides = array<i32>} : memref<3x128x128xf32, #tpu.memory_space<vmem>>, vector<16xf32>,
      %get3A_794 = arith.index_cast %select_n3A_471 : i32 to index
      %get3A_795 = arith.index_cast %add3A_724 : i32 to index
      %get3A_796 = arith.constant 80 : index
      %get3A_797 = tpu.vector_load %arg17[%get3A_794, %get3A_795, %get3A_796] {strides = array<i32>} : memref<3x128x128xf32, #tpu.memory_space<vmem>>, vector<16xf32>,
      %mul3A_798 = arith.mulf %get3A_793, %mul3A_261 : vector<16xf32>
      %add3A_799 = arith.addf %mul3A_798, %get3A_283 : vector<16xf32>
      %mul3A_800 = arith.mulf %get3A_797, %mul3A_317 : vector<16xf32>
      %add3A_801 = arith.addf %mul3A_800, %get3A_339 : vector<16xf32>
      %mul3A_802 = arith.mulf %add3A_799, %add3A_801 : vector<16xf32>
      %get3A_803 = arith.index_cast %select_n3A_471 : i32 to index
      %get3A_804 = arith.index_cast %add3A_724 : i32 to index
      %get3A_805 = arith.constant 96 : index
      %get3A_806 = tpu.vector_load %arg16[%get3A_803, %get3A_804, %get3A_805] {strides = array<i32>} : memref<3x128x128xf32, #tpu.memory_space<vmem>>, vector<16xf32>,
      %get3A_807 = arith.index_cast %select_n3A_471 : i32 to index
      %get3A_808 = arith.index_cast %add3A_724 : i32 to index
      %get3A_809 = arith.constant 96 : index
      %get3A_810 = tpu.vector_load %arg17[%get3A_807, %get3A_808, %get3A_809] {strides = array<i32>} : memref<3x128x128xf32, #tpu.memory_space<vmem>>, vector<16xf32>,
      %mul3A_811 = arith.mulf %get3A_806, %mul3A_266 : vector<16xf32>
      %add3A_812 = arith.addf %mul3A_811, %get3A_285 : vector<16xf32>
      %mul3A_813 = arith.mulf %get3A_810, %mul3A_322 : vector<16xf32>
      %add3A_814 = arith.addf %mul3A_813, %get3A_341 : vector<16xf32>
      %mul3A_815 = arith.mulf %add3A_812, %add3A_814 : vector<16xf32>
      %get3A_816 = arith.index_cast %select_n3A_471 : i32 to index
      %get3A_817 = arith.index_cast %add3A_724 : i32 to index
      %get3A_818 = arith.constant 112 : index
      %get3A_819 = tpu.vector_load %arg16[%get3A_816, %get3A_817, %get3A_818] {strides = array<i32>} : memref<3x128x128xf32, #tpu.memory_space<vmem>>, vector<16xf32>,
      %get3A_820 = arith.index_cast %select_n3A_471 : i32 to index
      %get3A_821 = arith.index_cast %add3A_724 : i32 to index
      %get3A_822 = arith.constant 112 : index
      %get3A_823 = tpu.vector_load %arg17[%get3A_820, %get3A_821, %get3A_822] {strides = array<i32>} : memref<3x128x128xf32, #tpu.memory_space<vmem>>, vector<16xf32>,
      %mul3A_824 = arith.mulf %get3A_819, %mul3A_271 : vector<16xf32>
      %add3A_825 = arith.addf %mul3A_824, %get3A_287 : vector<16xf32>
      %mul3A_826 = arith.mulf %get3A_823, %mul3A_327 : vector<16xf32>
      %add3A_827 = arith.addf %mul3A_826, %get3A_343 : vector<16xf32>
      %mul3A_828 = arith.mulf %add3A_825, %add3A_827 : vector<16xf32>
      %add3A_829 = arith.addf %mul3A_737, %mul3A_750 : vector<16xf32>
      %add3A_830 = arith.addf %mul3A_763, %mul3A_776 : vector<16xf32>
      %add3A_831 = arith.addf %mul3A_789, %mul3A_802 : vector<16xf32>
      %add3A_832 = arith.addf %mul3A_815, %mul3A_828 : vector<16xf32>
      %add3A_833 = arith.addf %add3A_829, %add3A_830 : vector<16xf32>
      %add3A_834 = arith.addf %add3A_831, %add3A_832 : vector<16xf32>
      %add3A_835 = arith.addf %add3A_833, %add3A_834 : vector<16xf32>
      %add3A_836 = arith.constant 3 : i32
      %add3A_837 = arith.addi %mul3A_489, %add3A_836 : i32
      %get3A_838 = arith.index_cast %select_n3A_471 : i32 to index
      %get3A_839 = arith.index_cast %add3A_837 : i32 to index
      %get3A_840 = arith.constant 0 : index
      %get3A_841 = tpu.vector_load %arg16[%get3A_838, %get3A_839, %get3A_840] {strides = array<i32>} : memref<3x128x128xf32, #tpu.memory_space<vmem>>, vector<16xf32>,
      %get3A_842 = arith.index_cast %select_n3A_471 : i32 to index
      %get3A_843 = arith.index_cast %add3A_837 : i32 to index
      %get3A_844 = arith.constant 0 : index
      %get3A_845 = tpu.vector_load %arg17[%get3A_842, %get3A_843, %get3A_844] {strides = array<i32>} : memref<3x128x128xf32, #tpu.memory_space<vmem>>, vector<16xf32>,
      %mul3A_846 = arith.mulf %get3A_841, %mul3A_236 : vector<16xf32>
      %add3A_847 = arith.addf %mul3A_846, %get3A_273 : vector<16xf32>
      %mul3A_848 = arith.mulf %get3A_845, %mul3A_292 : vector<16xf32>
      %add3A_849 = arith.addf %mul3A_848, %get3A_329 : vector<16xf32>
      %mul3A_850 = arith.mulf %add3A_847, %add3A_849 : vector<16xf32>
      %get3A_851 = arith.index_cast %select_n3A_471 : i32 to index
      %get3A_852 = arith.index_cast %add3A_837 : i32 to index
      %get3A_853 = arith.constant 16 : index
      %get3A_854 = tpu.vector_load %arg16[%get3A_851, %get3A_852, %get3A_853] {strides = array<i32>} : memref<3x128x128xf32, #tpu.memory_space<vmem>>, vector<16xf32>,
      %get3A_855 = arith.index_cast %select_n3A_471 : i32 to index
      %get3A_856 = arith.index_cast %add3A_837 : i32 to index
      %get3A_857 = arith.constant 16 : index
      %get3A_858 = tpu.vector_load %arg17[%get3A_855, %get3A_856, %get3A_857] {strides = array<i32>} : memref<3x128x128xf32, #tpu.memory_space<vmem>>, vector<16xf32>,
      %mul3A_859 = arith.mulf %get3A_854, %mul3A_241 : vector<16xf32>
      %add3A_860 = arith.addf %mul3A_859, %get3A_275 : vector<16xf32>
      %mul3A_861 = arith.mulf %get3A_858, %mul3A_297 : vector<16xf32>
      %add3A_862 = arith.addf %mul3A_861, %get3A_331 : vector<16xf32>
      %mul3A_863 = arith.mulf %add3A_860, %add3A_862 : vector<16xf32>
      %get3A_864 = arith.index_cast %select_n3A_471 : i32 to index
      %get3A_865 = arith.index_cast %add3A_837 : i32 to index
      %get3A_866 = arith.constant 32 : index
      %get3A_867 = tpu.vector_load %arg16[%get3A_864, %get3A_865, %get3A_866] {strides = array<i32>} : memref<3x128x128xf32, #tpu.memory_space<vmem>>, vector<16xf32>,
      %get3A_868 = arith.index_cast %select_n3A_471 : i32 to index
      %get3A_869 = arith.index_cast %add3A_837 : i32 to index
      %get3A_870 = arith.constant 32 : index
      %get3A_871 = tpu.vector_load %arg17[%get3A_868, %get3A_869, %get3A_870] {strides = array<i32>} : memref<3x128x128xf32, #tpu.memory_space<vmem>>, vector<16xf32>,
      %mul3A_872 = arith.mulf %get3A_867, %mul3A_246 : vector<16xf32>
      %add3A_873 = arith.addf %mul3A_872, %get3A_277 : vector<16xf32>
      %mul3A_874 = arith.mulf %get3A_871, %mul3A_302 : vector<16xf32>
      %add3A_875 = arith.addf %mul3A_874, %get3A_333 : vector<16xf32>
      %mul3A_876 = arith.mulf %add3A_873, %add3A_875 : vector<16xf32>
      %get3A_877 = arith.index_cast %select_n3A_471 : i32 to index
      %get3A_878 = arith.index_cast %add3A_837 : i32 to index
      %get3A_879 = arith.constant 48 : index
      %get3A_880 = tpu.vector_load %arg16[%get3A_877, %get3A_878, %get3A_879] {strides = array<i32>} : memref<3x128x128xf32, #tpu.memory_space<vmem>>, vector<16xf32>,
      %get3A_881 = arith.index_cast %select_n3A_471 : i32 to index
      %get3A_882 = arith.index_cast %add3A_837 : i32 to index
      %get3A_883 = arith.constant 48 : index
      %get3A_884 = tpu.vector_load %arg17[%get3A_881, %get3A_882, %get3A_883] {strides = array<i32>} : memref<3x128x128xf32, #tpu.memory_space<vmem>>, vector<16xf32>,
      %mul3A_885 = arith.mulf %get3A_880, %mul3A_251 : vector<16xf32>
      %add3A_886 = arith.addf %mul3A_885, %get3A_279 : vector<16xf32>
      %mul3A_887 = arith.mulf %get3A_884, %mul3A_307 : vector<16xf32>
      %add3A_888 = arith.addf %mul3A_887, %get3A_335 : vector<16xf32>
      %mul3A_889 = arith.mulf %add3A_886, %add3A_888 : vector<16xf32>
      %get3A_890 = arith.index_cast %select_n3A_471 : i32 to index
      %get3A_891 = arith.index_cast %add3A_837 : i32 to index
      %get3A_892 = arith.constant 64 : index
      %get3A_893 = tpu.vector_load %arg16[%get3A_890, %get3A_891, %get3A_892] {strides = array<i32>} : memref<3x128x128xf32, #tpu.memory_space<vmem>>, vector<16xf32>,
      %get3A_894 = arith.index_cast %select_n3A_471 : i32 to index
      %get3A_895 = arith.index_cast %add3A_837 : i32 to index
      %get3A_896 = arith.constant 64 : index
      %get3A_897 = tpu.vector_load %arg17[%get3A_894, %get3A_895, %get3A_896] {strides = array<i32>} : memref<3x128x128xf32, #tpu.memory_space<vmem>>, vector<16xf32>,
      %mul3A_898 = arith.mulf %get3A_893, %mul3A_256 : vector<16xf32>
      %add3A_899 = arith.addf %mul3A_898, %get3A_281 : vector<16xf32>
      %mul3A_900 = arith.mulf %get3A_897, %mul3A_312 : vector<16xf32>
      %add3A_901 = arith.addf %mul3A_900, %get3A_337 : vector<16xf32>
      %mul3A_902 = arith.mulf %add3A_899, %add3A_901 : vector<16xf32>
      %get3A_903 = arith.index_cast %select_n3A_471 : i32 to index
      %get3A_904 = arith.index_cast %add3A_837 : i32 to index
      %get3A_905 = arith.constant 80 : index
      %get3A_906 = tpu.vector_load %arg16[%get3A_903, %get3A_904, %get3A_905] {strides = array<i32>} : memref<3x128x128xf32, #tpu.memory_space<vmem>>, vector<16xf32>,
      %get3A_907 = arith.index_cast %select_n3A_471 : i32 to index
      %get3A_908 = arith.index_cast %add3A_837 : i32 to index
      %get3A_909 = arith.constant 80 : index
      %get3A_910 = tpu.vector_load %arg17[%get3A_907, %get3A_908, %get3A_909] {strides = array<i32>} : memref<3x128x128xf32, #tpu.memory_space<vmem>>, vector<16xf32>,
      %mul3A_911 = arith.mulf %get3A_906, %mul3A_261 : vector<16xf32>
      %add3A_912 = arith.addf %mul3A_911, %get3A_283 : vector<16xf32>
      %mul3A_913 = arith.mulf %get3A_910, %mul3A_317 : vector<16xf32>
      %add3A_914 = arith.addf %mul3A_913, %get3A_339 : vector<16xf32>
      %mul3A_915 = arith.mulf %add3A_912, %add3A_914 : vector<16xf32>
      %get3A_916 = arith.index_cast %select_n3A_471 : i32 to index
      %get3A_917 = arith.index_cast %add3A_837 : i32 to index
      %get3A_918 = arith.constant 96 : index
      %get3A_919 = tpu.vector_load %arg16[%get3A_916, %get3A_917, %get3A_918] {strides = array<i32>} : memref<3x128x128xf32, #tpu.memory_space<vmem>>, vector<16xf32>,
      %get3A_920 = arith.index_cast %select_n3A_471 : i32 to index
      %get3A_921 = arith.index_cast %add3A_837 : i32 to index
      %get3A_922 = arith.constant 96 : index
      %get3A_923 = tpu.vector_load %arg17[%get3A_920, %get3A_921, %get3A_922] {strides = array<i32>} : memref<3x128x128xf32, #tpu.memory_space<vmem>>, vector<16xf32>,
      %mul3A_924 = arith.mulf %get3A_919, %mul3A_266 : vector<16xf32>
      %add3A_925 = arith.addf %mul3A_924, %get3A_285 : vector<16xf32>
      %mul3A_926 = arith.mulf %get3A_923, %mul3A_322 : vector<16xf32>
      %add3A_927 = arith.addf %mul3A_926, %get3A_341 : vector<16xf32>
      %mul3A_928 = arith.mulf %add3A_925, %add3A_927 : vector<16xf32>
      %get3A_929 = arith.index_cast %select_n3A_471 : i32 to index
      %get3A_930 = arith.index_cast %add3A_837 : i32 to index
      %get3A_931 = arith.constant 112 : index
      %get3A_932 = tpu.vector_load %arg16[%get3A_929, %get3A_930, %get3A_931] {strides = array<i32>} : memref<3x128x128xf32, #tpu.memory_space<vmem>>, vector<16xf32>,
      %get3A_933 = arith.index_cast %select_n3A_471 : i32 to index
      %get3A_934 = arith.index_cast %add3A_837 : i32 to index
      %get3A_935 = arith.constant 112 : index
      %get3A_936 = tpu.vector_load %arg17[%get3A_933, %get3A_934, %get3A_935] {strides = array<i32>} : memref<3x128x128xf32, #tpu.memory_space<vmem>>, vector<16xf32>,
      %mul3A_937 = arith.mulf %get3A_932, %mul3A_271 : vector<16xf32>
      %add3A_938 = arith.addf %mul3A_937, %get3A_287 : vector<16xf32>
      %mul3A_939 = arith.mulf %get3A_936, %mul3A_327 : vector<16xf32>
      %add3A_940 = arith.addf %mul3A_939, %get3A_343 : vector<16xf32>
      %mul3A_941 = arith.mulf %add3A_938, %add3A_940 : vector<16xf32>
      %add3A_942 = arith.addf %mul3A_850, %mul3A_863 : vector<16xf32>
      %add3A_943 = arith.addf %mul3A_876, %mul3A_889 : vector<16xf32>
      %add3A_944 = arith.addf %mul3A_902, %mul3A_915 : vector<16xf32>
      %add3A_945 = arith.addf %mul3A_928, %mul3A_941 : vector<16xf32>
      %add3A_946 = arith.addf %add3A_942, %add3A_943 : vector<16xf32>
      %add3A_947 = arith.addf %add3A_944, %add3A_945 : vector<16xf32>
      %add3A_948 = arith.addf %add3A_946, %add3A_947 : vector<16xf32>
      %broadcast_in_dim3A_949 = vector.shape_cast %and3A_348 : vector<16xi32> to vector<16x1xi32>
      %gather3A_950 = vector.shape_cast %broadcast_in_dim3A_949 : vector<16x1xi32> to vector<16xi32>
      %gather3A_951 = tpu.dynamic_gather %add3A_835[%gather3A_950] in [0] : vector<16xf32>, vector<16xi32> -> vector<16xf32>
      %add3A_952 = arith.addf %add3A_835, %gather3A_951 : vector<16xf32>
      %broadcast_in_dim3A_953 = vector.shape_cast %and3A_371 : vector<16xi32> to vector<16x1xi32>
      %gather3A_954 = vector.shape_cast %broadcast_in_dim3A_953 : vector<16x1xi32> to vector<16xi32>
      %gather3A_955 = tpu.dynamic_gather %add3A_948[%gather3A_954] in [0] : vector<16xf32>, vector<16xi32> -> vector<16xf32>
      %add3A_956 = arith.addf %add3A_948, %gather3A_955 : vector<16xf32>
      %select_n3A_957 = arith.select %lt3A_394, %add3A_952, %add3A_956 : vector<16xi1>, vector<16xf32>
      %broadcast_in_dim3A_958 = vector.shape_cast %and3A_354 : vector<16xi32> to vector<16x1xi32>
      %gather3A_959 = vector.shape_cast %broadcast_in_dim3A_958 : vector<16x1xi32> to vector<16xi32>
      %gather3A_960 = tpu.dynamic_gather %select_n3A_722[%gather3A_959] in [0] : vector<16xf32>, vector<16xi32> -> vector<16xf32>
      %add3A_961 = arith.addf %select_n3A_722, %gather3A_960 : vector<16xf32>
      %broadcast_in_dim3A_962 = vector.shape_cast %and3A_377 : vector<16xi32> to vector<16x1xi32>
      %gather3A_963 = vector.shape_cast %broadcast_in_dim3A_962 : vector<16x1xi32> to vector<16xi32>
      %gather3A_964 = tpu.dynamic_gather %select_n3A_957[%gather3A_963] in [0] : vector<16xf32>, vector<16xi32> -> vector<16xf32>
      %add3A_965 = arith.addf %select_n3A_957, %gather3A_964 : vector<16xf32>
      %select_n3A_966 = arith.select %lt3A_400, %add3A_961, %add3A_965 : vector<16xi1>, vector<16xf32>
      %add3A_967 = arith.constant 4 : i32
      %add3A_968 = arith.addi %mul3A_489, %add3A_967 : i32
      %get3A_969 = arith.index_cast %select_n3A_471 : i32 to index
      %get3A_970 = arith.index_cast %add3A_968 : i32 to index
      %get3A_971 = arith.constant 0 : index
      %get3A_972 = tpu.vector_load %arg16[%get3A_969, %get3A_970, %get3A_971] {strides = array<i32>} : memref<3x128x128xf32, #tpu.memory_space<vmem>>, vector<16xf32>,
      %get3A_973 = arith.index_cast %select_n3A_471 : i32 to index
      %get3A_974 = arith.index_cast %add3A_968 : i32 to index
      %get3A_975 = arith.constant 0 : index
      %get3A_976 = tpu.vector_load %arg17[%get3A_973, %get3A_974, %get3A_975] {strides = array<i32>} : memref<3x128x128xf32, #tpu.memory_space<vmem>>, vector<16xf32>,
      %mul3A_977 = arith.mulf %get3A_972, %mul3A_236 : vector<16xf32>
      %add3A_978 = arith.addf %mul3A_977, %get3A_273 : vector<16xf32>
      %mul3A_979 = arith.mulf %get3A_976, %mul3A_292 : vector<16xf32>
      %add3A_980 = arith.addf %mul3A_979, %get3A_329 : vector<16xf32>
      %mul3A_981 = arith.mulf %add3A_978, %add3A_980 : vector<16xf32>
      %get3A_982 = arith.index_cast %select_n3A_471 : i32 to index
      %get3A_983 = arith.index_cast %add3A_968 : i32 to index
      %get3A_984 = arith.constant 16 : index
      %get3A_985 = tpu.vector_load %arg16[%get3A_982, %get3A_983, %get3A_984] {strides = array<i32>} : memref<3x128x128xf32, #tpu.memory_space<vmem>>, vector<16xf32>,
      %get3A_986 = arith.index_cast %select_n3A_471 : i32 to index
      %get3A_987 = arith.index_cast %add3A_968 : i32 to index
      %get3A_988 = arith.constant 16 : index
      %get3A_989 = tpu.vector_load %arg17[%get3A_986, %get3A_987, %get3A_988] {strides = array<i32>} : memref<3x128x128xf32, #tpu.memory_space<vmem>>, vector<16xf32>,
      %mul3A_990 = arith.mulf %get3A_985, %mul3A_241 : vector<16xf32>
      %add3A_991 = arith.addf %mul3A_990, %get3A_275 : vector<16xf32>
      %mul3A_992 = arith.mulf %get3A_989, %mul3A_297 : vector<16xf32>
      %add3A_993 = arith.addf %mul3A_992, %get3A_331 : vector<16xf32>
      %mul3A_994 = arith.mulf %add3A_991, %add3A_993 : vector<16xf32>
      %get3A_995 = arith.index_cast %select_n3A_471 : i32 to index
      %get3A_996 = arith.index_cast %add3A_968 : i32 to index
      %get3A_997 = arith.constant 32 : index
      %get3A_998 = tpu.vector_load %arg16[%get3A_995, %get3A_996, %get3A_997] {strides = array<i32>} : memref<3x128x128xf32, #tpu.memory_space<vmem>>, vector<16xf32>,
      %get3A_999 = arith.index_cast %select_n3A_471 : i32 to index
      %get3A_1000 = arith.index_cast %add3A_968 : i32 to index
      %get3A_1001 = arith.constant 32 : index
      %get3A_1002 = tpu.vector_load %arg17[%get3A_999, %get3A_1000, %get3A_1001] {strides = array<i32>} : memref<3x128x128xf32, #tpu.memory_space<vmem>>, vector<16xf32>,
      %mul3A_1003 = arith.mulf %get3A_998, %mul3A_246 : vector<16xf32>
      %add3A_1004 = arith.addf %mul3A_1003, %get3A_277 : vector<16xf32>
      %mul3A_1005 = arith.mulf %get3A_1002, %mul3A_302 : vector<16xf32>
      %add3A_1006 = arith.addf %mul3A_1005, %get3A_333 : vector<16xf32>
      %mul3A_1007 = arith.mulf %add3A_1004, %add3A_1006 : vector<16xf32>
      %get3A_1008 = arith.index_cast %select_n3A_471 : i32 to index
      %get3A_1009 = arith.index_cast %add3A_968 : i32 to index
      %get3A_1010 = arith.constant 48 : index
      %get3A_1011 = tpu.vector_load %arg16[%get3A_1008, %get3A_1009, %get3A_1010] {strides = array<i32>} : memref<3x128x128xf32, #tpu.memory_space<vmem>>, vector<16xf32>,
      %get3A_1012 = arith.index_cast %select_n3A_471 : i32 to index
      %get3A_1013 = arith.index_cast %add3A_968 : i32 to index
      %get3A_1014 = arith.constant 48 : index
      %get3A_1015 = tpu.vector_load %arg17[%get3A_1012, %get3A_1013, %get3A_1014] {strides = array<i32>} : memref<3x128x128xf32, #tpu.memory_space<vmem>>, vector<16xf32>,
      %mul3A_1016 = arith.mulf %get3A_1011, %mul3A_251 : vector<16xf32>
      %add3A_1017 = arith.addf %mul3A_1016, %get3A_279 : vector<16xf32>
      %mul3A_1018 = arith.mulf %get3A_1015, %mul3A_307 : vector<16xf32>
      %add3A_1019 = arith.addf %mul3A_1018, %get3A_335 : vector<16xf32>
      %mul3A_1020 = arith.mulf %add3A_1017, %add3A_1019 : vector<16xf32>
      %get3A_1021 = arith.index_cast %select_n3A_471 : i32 to index
      %get3A_1022 = arith.index_cast %add3A_968 : i32 to index
      %get3A_1023 = arith.constant 64 : index
      %get3A_1024 = tpu.vector_load %arg16[%get3A_1021, %get3A_1022, %get3A_1023] {strides = array<i32>} : memref<3x128x128xf32, #tpu.memory_space<vmem>>, vector<16xf32>,
      %get3A_1025 = arith.index_cast %select_n3A_471 : i32 to index
      %get3A_1026 = arith.index_cast %add3A_968 : i32 to index
      %get3A_1027 = arith.constant 64 : index
      %get3A_1028 = tpu.vector_load %arg17[%get3A_1025, %get3A_1026, %get3A_1027] {strides = array<i32>} : memref<3x128x128xf32, #tpu.memory_space<vmem>>, vector<16xf32>,
      %mul3A_1029 = arith.mulf %get3A_1024, %mul3A_256 : vector<16xf32>
      %add3A_1030 = arith.addf %mul3A_1029, %get3A_281 : vector<16xf32>
      %mul3A_1031 = arith.mulf %get3A_1028, %mul3A_312 : vector<16xf32>
      %add3A_1032 = arith.addf %mul3A_1031, %get3A_337 : vector<16xf32>
      %mul3A_1033 = arith.mulf %add3A_1030, %add3A_1032 : vector<16xf32>
      %get3A_1034 = arith.index_cast %select_n3A_471 : i32 to index
      %get3A_1035 = arith.index_cast %add3A_968 : i32 to index
      %get3A_1036 = arith.constant 80 : index
      %get3A_1037 = tpu.vector_load %arg16[%get3A_1034, %get3A_1035, %get3A_1036] {strides = array<i32>} : memref<3x128x128xf32, #tpu.memory_space<vmem>>, vector<16xf32>,
      %get3A_1038 = arith.index_cast %select_n3A_471 : i32 to index
      %get3A_1039 = arith.index_cast %add3A_968 : i32 to index
      %get3A_1040 = arith.constant 80 : index
      %get3A_1041 = tpu.vector_load %arg17[%get3A_1038, %get3A_1039, %get3A_1040] {strides = array<i32>} : memref<3x128x128xf32, #tpu.memory_space<vmem>>, vector<16xf32>,
      %mul3A_1042 = arith.mulf %get3A_1037, %mul3A_261 : vector<16xf32>
      %add3A_1043 = arith.addf %mul3A_1042, %get3A_283 : vector<16xf32>
      %mul3A_1044 = arith.mulf %get3A_1041, %mul3A_317 : vector<16xf32>
      %add3A_1045 = arith.addf %mul3A_1044, %get3A_339 : vector<16xf32>
      %mul3A_1046 = arith.mulf %add3A_1043, %add3A_1045 : vector<16xf32>
      %get3A_1047 = arith.index_cast %select_n3A_471 : i32 to index
      %get3A_1048 = arith.index_cast %add3A_968 : i32 to index
      %get3A_1049 = arith.constant 96 : index
      %get3A_1050 = tpu.vector_load %arg16[%get3A_1047, %get3A_1048, %get3A_1049] {strides = array<i32>} : memref<3x128x128xf32, #tpu.memory_space<vmem>>, vector<16xf32>,
      %get3A_1051 = arith.index_cast %select_n3A_471 : i32 to index
      %get3A_1052 = arith.index_cast %add3A_968 : i32 to index
      %get3A_1053 = arith.constant 96 : index
      %get3A_1054 = tpu.vector_load %arg17[%get3A_1051, %get3A_1052, %get3A_1053] {strides = array<i32>} : memref<3x128x128xf32, #tpu.memory_space<vmem>>, vector<16xf32>,
      %mul3A_1055 = arith.mulf %get3A_1050, %mul3A_266 : vector<16xf32>
      %add3A_1056 = arith.addf %mul3A_1055, %get3A_285 : vector<16xf32>
      %mul3A_1057 = arith.mulf %get3A_1054, %mul3A_322 : vector<16xf32>
      %add3A_1058 = arith.addf %mul3A_1057, %get3A_341 : vector<16xf32>
      %mul3A_1059 = arith.mulf %add3A_1056, %add3A_1058 : vector<16xf32>
      %get3A_1060 = arith.index_cast %select_n3A_471 : i32 to index
      %get3A_1061 = arith.index_cast %add3A_968 : i32 to index
      %get3A_1062 = arith.constant 112 : index
      %get3A_1063 = tpu.vector_load %arg16[%get3A_1060, %get3A_1061, %get3A_1062] {strides = array<i32>} : memref<3x128x128xf32, #tpu.memory_space<vmem>>, vector<16xf32>,
      %get3A_1064 = arith.index_cast %select_n3A_471 : i32 to index
      %get3A_1065 = arith.index_cast %add3A_968 : i32 to index
      %get3A_1066 = arith.constant 112 : index
      %get3A_1067 = tpu.vector_load %arg17[%get3A_1064, %get3A_1065, %get3A_1066] {strides = array<i32>} : memref<3x128x128xf32, #tpu.memory_space<vmem>>, vector<16xf32>,
      %mul3A_1068 = arith.mulf %get3A_1063, %mul3A_271 : vector<16xf32>
      %add3A_1069 = arith.addf %mul3A_1068, %get3A_287 : vector<16xf32>
      %mul3A_1070 = arith.mulf %get3A_1067, %mul3A_327 : vector<16xf32>
      %add3A_1071 = arith.addf %mul3A_1070, %get3A_343 : vector<16xf32>
      %mul3A_1072 = arith.mulf %add3A_1069, %add3A_1071 : vector<16xf32>
      %add3A_1073 = arith.addf %mul3A_981, %mul3A_994 : vector<16xf32>
      %add3A_1074 = arith.addf %mul3A_1007, %mul3A_1020 : vector<16xf32>
      %add3A_1075 = arith.addf %mul3A_1033, %mul3A_1046 : vector<16xf32>
      %add3A_1076 = arith.addf %mul3A_1059, %mul3A_1072 : vector<16xf32>
      %add3A_1077 = arith.addf %add3A_1073, %add3A_1074 : vector<16xf32>
      %add3A_1078 = arith.addf %add3A_1075, %add3A_1076 : vector<16xf32>
      %add3A_1079 = arith.addf %add3A_1077, %add3A_1078 : vector<16xf32>
      %add3A_1080 = arith.constant 5 : i32
      %add3A_1081 = arith.addi %mul3A_489, %add3A_1080 : i32
      %get3A_1082 = arith.index_cast %select_n3A_471 : i32 to index
      %get3A_1083 = arith.index_cast %add3A_1081 : i32 to index
      %get3A_1084 = arith.constant 0 : index
      %get3A_1085 = tpu.vector_load %arg16[%get3A_1082, %get3A_1083, %get3A_1084] {strides = array<i32>} : memref<3x128x128xf32, #tpu.memory_space<vmem>>, vector<16xf32>,
      %get3A_1086 = arith.index_cast %select_n3A_471 : i32 to index
      %get3A_1087 = arith.index_cast %add3A_1081 : i32 to index
      %get3A_1088 = arith.constant 0 : index
      %get3A_1089 = tpu.vector_load %arg17[%get3A_1086, %get3A_1087, %get3A_1088] {strides = array<i32>} : memref<3x128x128xf32, #tpu.memory_space<vmem>>, vector<16xf32>,
      %mul3A_1090 = arith.mulf %get3A_1085, %mul3A_236 : vector<16xf32>
      %add3A_1091 = arith.addf %mul3A_1090, %get3A_273 : vector<16xf32>
      %mul3A_1092 = arith.mulf %get3A_1089, %mul3A_292 : vector<16xf32>
      %add3A_1093 = arith.addf %mul3A_1092, %get3A_329 : vector<16xf32>
      %mul3A_1094 = arith.mulf %add3A_1091, %add3A_1093 : vector<16xf32>
      %get3A_1095 = arith.index_cast %select_n3A_471 : i32 to index
      %get3A_1096 = arith.index_cast %add3A_1081 : i32 to index
      %get3A_1097 = arith.constant 16 : index
      %get3A_1098 = tpu.vector_load %arg16[%get3A_1095, %get3A_1096, %get3A_1097] {strides = array<i32>} : memref<3x128x128xf32, #tpu.memory_space<vmem>>, vector<16xf32>,
      %get3A_1099 = arith.index_cast %select_n3A_471 : i32 to index
      %get3A_1100 = arith.index_cast %add3A_1081 : i32 to index
      %get3A_1101 = arith.constant 16 : index
      %get3A_1102 = tpu.vector_load %arg17[%get3A_1099, %get3A_1100, %get3A_1101] {strides = array<i32>} : memref<3x128x128xf32, #tpu.memory_space<vmem>>, vector<16xf32>,
      %mul3A_1103 = arith.mulf %get3A_1098, %mul3A_241 : vector<16xf32>
      %add3A_1104 = arith.addf %mul3A_1103, %get3A_275 : vector<16xf32>
      %mul3A_1105 = arith.mulf %get3A_1102, %mul3A_297 : vector<16xf32>
      %add3A_1106 = arith.addf %mul3A_1105, %get3A_331 : vector<16xf32>
      %mul3A_1107 = arith.mulf %add3A_1104, %add3A_1106 : vector<16xf32>
      %get3A_1108 = arith.index_cast %select_n3A_471 : i32 to index
      %get3A_1109 = arith.index_cast %add3A_1081 : i32 to index
      %get3A_1110 = arith.constant 32 : index
      %get3A_1111 = tpu.vector_load %arg16[%get3A_1108, %get3A_1109, %get3A_1110] {strides = array<i32>} : memref<3x128x128xf32, #tpu.memory_space<vmem>>, vector<16xf32>,
      %get3A_1112 = arith.index_cast %select_n3A_471 : i32 to index
      %get3A_1113 = arith.index_cast %add3A_1081 : i32 to index
      %get3A_1114 = arith.constant 32 : index
      %get3A_1115 = tpu.vector_load %arg17[%get3A_1112, %get3A_1113, %get3A_1114] {strides = array<i32>} : memref<3x128x128xf32, #tpu.memory_space<vmem>>, vector<16xf32>,
      %mul3A_1116 = arith.mulf %get3A_1111, %mul3A_246 : vector<16xf32>
      %add3A_1117 = arith.addf %mul3A_1116, %get3A_277 : vector<16xf32>
      %mul3A_1118 = arith.mulf %get3A_1115, %mul3A_302 : vector<16xf32>
      %add3A_1119 = arith.addf %mul3A_1118, %get3A_333 : vector<16xf32>
      %mul3A_1120 = arith.mulf %add3A_1117, %add3A_1119 : vector<16xf32>
      %get3A_1121 = arith.index_cast %select_n3A_471 : i32 to index
      %get3A_1122 = arith.index_cast %add3A_1081 : i32 to index
      %get3A_1123 = arith.constant 48 : index
      %get3A_1124 = tpu.vector_load %arg16[%get3A_1121, %get3A_1122, %get3A_1123] {strides = array<i32>} : memref<3x128x128xf32, #tpu.memory_space<vmem>>, vector<16xf32>,
      %get3A_1125 = arith.index_cast %select_n3A_471 : i32 to index
      %get3A_1126 = arith.index_cast %add3A_1081 : i32 to index
      %get3A_1127 = arith.constant 48 : index
      %get3A_1128 = tpu.vector_load %arg17[%get3A_1125, %get3A_1126, %get3A_1127] {strides = array<i32>} : memref<3x128x128xf32, #tpu.memory_space<vmem>>, vector<16xf32>,
      %mul3A_1129 = arith.mulf %get3A_1124, %mul3A_251 : vector<16xf32>
      %add3A_1130 = arith.addf %mul3A_1129, %get3A_279 : vector<16xf32>
      %mul3A_1131 = arith.mulf %get3A_1128, %mul3A_307 : vector<16xf32>
      %add3A_1132 = arith.addf %mul3A_1131, %get3A_335 : vector<16xf32>
      %mul3A_1133 = arith.mulf %add3A_1130, %add3A_1132 : vector<16xf32>
      %get3A_1134 = arith.index_cast %select_n3A_471 : i32 to index
      %get3A_1135 = arith.index_cast %add3A_1081 : i32 to index
      %get3A_1136 = arith.constant 64 : index
      %get3A_1137 = tpu.vector_load %arg16[%get3A_1134, %get3A_1135, %get3A_1136] {strides = array<i32>} : memref<3x128x128xf32, #tpu.memory_space<vmem>>, vector<16xf32>,
      %get3A_1138 = arith.index_cast %select_n3A_471 : i32 to index
      %get3A_1139 = arith.index_cast %add3A_1081 : i32 to index
      %get3A_1140 = arith.constant 64 : index
      %get3A_1141 = tpu.vector_load %arg17[%get3A_1138, %get3A_1139, %get3A_1140] {strides = array<i32>} : memref<3x128x128xf32, #tpu.memory_space<vmem>>, vector<16xf32>,
      %mul3A_1142 = arith.mulf %get3A_1137, %mul3A_256 : vector<16xf32>
      %add3A_1143 = arith.addf %mul3A_1142, %get3A_281 : vector<16xf32>
      %mul3A_1144 = arith.mulf %get3A_1141, %mul3A_312 : vector<16xf32>
      %add3A_1145 = arith.addf %mul3A_1144, %get3A_337 : vector<16xf32>
      %mul3A_1146 = arith.mulf %add3A_1143, %add3A_1145 : vector<16xf32>
      %get3A_1147 = arith.index_cast %select_n3A_471 : i32 to index
      %get3A_1148 = arith.index_cast %add3A_1081 : i32 to index
      %get3A_1149 = arith.constant 80 : index
      %get3A_1150 = tpu.vector_load %arg16[%get3A_1147, %get3A_1148, %get3A_1149] {strides = array<i32>} : memref<3x128x128xf32, #tpu.memory_space<vmem>>, vector<16xf32>,
      %get3A_1151 = arith.index_cast %select_n3A_471 : i32 to index
      %get3A_1152 = arith.index_cast %add3A_1081 : i32 to index
      %get3A_1153 = arith.constant 80 : index
      %get3A_1154 = tpu.vector_load %arg17[%get3A_1151, %get3A_1152, %get3A_1153] {strides = array<i32>} : memref<3x128x128xf32, #tpu.memory_space<vmem>>, vector<16xf32>,
      %mul3A_1155 = arith.mulf %get3A_1150, %mul3A_261 : vector<16xf32>
      %add3A_1156 = arith.addf %mul3A_1155, %get3A_283 : vector<16xf32>
      %mul3A_1157 = arith.mulf %get3A_1154, %mul3A_317 : vector<16xf32>
      %add3A_1158 = arith.addf %mul3A_1157, %get3A_339 : vector<16xf32>
      %mul3A_1159 = arith.mulf %add3A_1156, %add3A_1158 : vector<16xf32>
      %get3A_1160 = arith.index_cast %select_n3A_471 : i32 to index
      %get3A_1161 = arith.index_cast %add3A_1081 : i32 to index
      %get3A_1162 = arith.constant 96 : index
      %get3A_1163 = tpu.vector_load %arg16[%get3A_1160, %get3A_1161, %get3A_1162] {strides = array<i32>} : memref<3x128x128xf32, #tpu.memory_space<vmem>>, vector<16xf32>,
      %get3A_1164 = arith.index_cast %select_n3A_471 : i32 to index
      %get3A_1165 = arith.index_cast %add3A_1081 : i32 to index
      %get3A_1166 = arith.constant 96 : index
      %get3A_1167 = tpu.vector_load %arg17[%get3A_1164, %get3A_1165, %get3A_1166] {strides = array<i32>} : memref<3x128x128xf32, #tpu.memory_space<vmem>>, vector<16xf32>,
      %mul3A_1168 = arith.mulf %get3A_1163, %mul3A_266 : vector<16xf32>
      %add3A_1169 = arith.addf %mul3A_1168, %get3A_285 : vector<16xf32>
      %mul3A_1170 = arith.mulf %get3A_1167, %mul3A_322 : vector<16xf32>
      %add3A_1171 = arith.addf %mul3A_1170, %get3A_341 : vector<16xf32>
      %mul3A_1172 = arith.mulf %add3A_1169, %add3A_1171 : vector<16xf32>
      %get3A_1173 = arith.index_cast %select_n3A_471 : i32 to index
      %get3A_1174 = arith.index_cast %add3A_1081 : i32 to index
      %get3A_1175 = arith.constant 112 : index
      %get3A_1176 = tpu.vector_load %arg16[%get3A_1173, %get3A_1174, %get3A_1175] {strides = array<i32>} : memref<3x128x128xf32, #tpu.memory_space<vmem>>, vector<16xf32>,
      %get3A_1177 = arith.index_cast %select_n3A_471 : i32 to index
      %get3A_1178 = arith.index_cast %add3A_1081 : i32 to index
      %get3A_1179 = arith.constant 112 : index
      %get3A_1180 = tpu.vector_load %arg17[%get3A_1177, %get3A_1178, %get3A_1179] {strides = array<i32>} : memref<3x128x128xf32, #tpu.memory_space<vmem>>, vector<16xf32>,
      %mul3A_1181 = arith.mulf %get3A_1176, %mul3A_271 : vector<16xf32>
      %add3A_1182 = arith.addf %mul3A_1181, %get3A_287 : vector<16xf32>
      %mul3A_1183 = arith.mulf %get3A_1180, %mul3A_327 : vector<16xf32>
      %add3A_1184 = arith.addf %mul3A_1183, %get3A_343 : vector<16xf32>
      %mul3A_1185 = arith.mulf %add3A_1182, %add3A_1184 : vector<16xf32>
      %add3A_1186 = arith.addf %mul3A_1094, %mul3A_1107 : vector<16xf32>
      %add3A_1187 = arith.addf %mul3A_1120, %mul3A_1133 : vector<16xf32>
      %add3A_1188 = arith.addf %mul3A_1146, %mul3A_1159 : vector<16xf32>
      %add3A_1189 = arith.addf %mul3A_1172, %mul3A_1185 : vector<16xf32>
      %add3A_1190 = arith.addf %add3A_1186, %add3A_1187 : vector<16xf32>
      %add3A_1191 = arith.addf %add3A_1188, %add3A_1189 : vector<16xf32>
      %add3A_1192 = arith.addf %add3A_1190, %add3A_1191 : vector<16xf32>
      %broadcast_in_dim3A_1193 = vector.shape_cast %and3A_348 : vector<16xi32> to vector<16x1xi32>
      %gather3A_1194 = vector.shape_cast %broadcast_in_dim3A_1193 : vector<16x1xi32> to vector<16xi32>
      %gather3A_1195 = tpu.dynamic_gather %add3A_1079[%gather3A_1194] in [0] : vector<16xf32>, vector<16xi32> -> vector<16xf32>
      %add3A_1196 = arith.addf %add3A_1079, %gather3A_1195 : vector<16xf32>
      %broadcast_in_dim3A_1197 = vector.shape_cast %and3A_371 : vector<16xi32> to vector<16x1xi32>
      %gather3A_1198 = vector.shape_cast %broadcast_in_dim3A_1197 : vector<16x1xi32> to vector<16xi32>
      %gather3A_1199 = tpu.dynamic_gather %add3A_1192[%gather3A_1198] in [0] : vector<16xf32>, vector<16xi32> -> vector<16xf32>
      %add3A_1200 = arith.addf %add3A_1192, %gather3A_1199 : vector<16xf32>
      %select_n3A_1201 = arith.select %lt3A_394, %add3A_1196, %add3A_1200 : vector<16xi1>, vector<16xf32>
      %add3A_1202 = arith.constant 6 : i32
      %add3A_1203 = arith.addi %mul3A_489, %add3A_1202 : i32
      %get3A_1204 = arith.index_cast %select_n3A_471 : i32 to index
      %get3A_1205 = arith.index_cast %add3A_1203 : i32 to index
      %get3A_1206 = arith.constant 0 : index
      %get3A_1207 = tpu.vector_load %arg16[%get3A_1204, %get3A_1205, %get3A_1206] {strides = array<i32>} : memref<3x128x128xf32, #tpu.memory_space<vmem>>, vector<16xf32>,
      %get3A_1208 = arith.index_cast %select_n3A_471 : i32 to index
      %get3A_1209 = arith.index_cast %add3A_1203 : i32 to index
      %get3A_1210 = arith.constant 0 : index
      %get3A_1211 = tpu.vector_load %arg17[%get3A_1208, %get3A_1209, %get3A_1210] {strides = array<i32>} : memref<3x128x128xf32, #tpu.memory_space<vmem>>, vector<16xf32>,
      %mul3A_1212 = arith.mulf %get3A_1207, %mul3A_236 : vector<16xf32>
      %add3A_1213 = arith.addf %mul3A_1212, %get3A_273 : vector<16xf32>
      %mul3A_1214 = arith.mulf %get3A_1211, %mul3A_292 : vector<16xf32>
      %add3A_1215 = arith.addf %mul3A_1214, %get3A_329 : vector<16xf32>
      %mul3A_1216 = arith.mulf %add3A_1213, %add3A_1215 : vector<16xf32>
      %get3A_1217 = arith.index_cast %select_n3A_471 : i32 to index
      %get3A_1218 = arith.index_cast %add3A_1203 : i32 to index
      %get3A_1219 = arith.constant 16 : index
      %get3A_1220 = tpu.vector_load %arg16[%get3A_1217, %get3A_1218, %get3A_1219] {strides = array<i32>} : memref<3x128x128xf32, #tpu.memory_space<vmem>>, vector<16xf32>,
      %get3A_1221 = arith.index_cast %select_n3A_471 : i32 to index
      %get3A_1222 = arith.index_cast %add3A_1203 : i32 to index
      %get3A_1223 = arith.constant 16 : index
      %get3A_1224 = tpu.vector_load %arg17[%get3A_1221, %get3A_1222, %get3A_1223] {strides = array<i32>} : memref<3x128x128xf32, #tpu.memory_space<vmem>>, vector<16xf32>,
      %mul3A_1225 = arith.mulf %get3A_1220, %mul3A_241 : vector<16xf32>
      %add3A_1226 = arith.addf %mul3A_1225, %get3A_275 : vector<16xf32>
      %mul3A_1227 = arith.mulf %get3A_1224, %mul3A_297 : vector<16xf32>
      %add3A_1228 = arith.addf %mul3A_1227, %get3A_331 : vector<16xf32>
      %mul3A_1229 = arith.mulf %add3A_1226, %add3A_1228 : vector<16xf32>
      %get3A_1230 = arith.index_cast %select_n3A_471 : i32 to index
      %get3A_1231 = arith.index_cast %add3A_1203 : i32 to index
      %get3A_1232 = arith.constant 32 : index
      %get3A_1233 = tpu.vector_load %arg16[%get3A_1230, %get3A_1231, %get3A_1232] {strides = array<i32>} : memref<3x128x128xf32, #tpu.memory_space<vmem>>, vector<16xf32>,
      %get3A_1234 = arith.index_cast %select_n3A_471 : i32 to index
      %get3A_1235 = arith.index_cast %add3A_1203 : i32 to index
      %get3A_1236 = arith.constant 32 : index
      %get3A_1237 = tpu.vector_load %arg17[%get3A_1234, %get3A_1235, %get3A_1236] {strides = array<i32>} : memref<3x128x128xf32, #tpu.memory_space<vmem>>, vector<16xf32>,
      %mul3A_1238 = arith.mulf %get3A_1233, %mul3A_246 : vector<16xf32>
      %add3A_1239 = arith.addf %mul3A_1238, %get3A_277 : vector<16xf32>
      %mul3A_1240 = arith.mulf %get3A_1237, %mul3A_302 : vector<16xf32>
      %add3A_1241 = arith.addf %mul3A_1240, %get3A_333 : vector<16xf32>
      %mul3A_1242 = arith.mulf %add3A_1239, %add3A_1241 : vector<16xf32>
      %get3A_1243 = arith.index_cast %select_n3A_471 : i32 to index
      %get3A_1244 = arith.index_cast %add3A_1203 : i32 to index
      %get3A_1245 = arith.constant 48 : index
      %get3A_1246 = tpu.vector_load %arg16[%get3A_1243, %get3A_1244, %get3A_1245] {strides = array<i32>} : memref<3x128x128xf32, #tpu.memory_space<vmem>>, vector<16xf32>,
      %get3A_1247 = arith.index_cast %select_n3A_471 : i32 to index
      %get3A_1248 = arith.index_cast %add3A_1203 : i32 to index
      %get3A_1249 = arith.constant 48 : index
      %get3A_1250 = tpu.vector_load %arg17[%get3A_1247, %get3A_1248, %get3A_1249] {strides = array<i32>} : memref<3x128x128xf32, #tpu.memory_space<vmem>>, vector<16xf32>,
      %mul3A_1251 = arith.mulf %get3A_1246, %mul3A_251 : vector<16xf32>
      %add3A_1252 = arith.addf %mul3A_1251, %get3A_279 : vector<16xf32>
      %mul3A_1253 = arith.mulf %get3A_1250, %mul3A_307 : vector<16xf32>
      %add3A_1254 = arith.addf %mul3A_1253, %get3A_335 : vector<16xf32>
      %mul3A_1255 = arith.mulf %add3A_1252, %add3A_1254 : vector<16xf32>
      %get3A_1256 = arith.index_cast %select_n3A_471 : i32 to index
      %get3A_1257 = arith.index_cast %add3A_1203 : i32 to index
      %get3A_1258 = arith.constant 64 : index
      %get3A_1259 = tpu.vector_load %arg16[%get3A_1256, %get3A_1257, %get3A_1258] {strides = array<i32>} : memref<3x128x128xf32, #tpu.memory_space<vmem>>, vector<16xf32>,
      %get3A_1260 = arith.index_cast %select_n3A_471 : i32 to index
      %get3A_1261 = arith.index_cast %add3A_1203 : i32 to index
      %get3A_1262 = arith.constant 64 : index
      %get3A_1263 = tpu.vector_load %arg17[%get3A_1260, %get3A_1261, %get3A_1262] {strides = array<i32>} : memref<3x128x128xf32, #tpu.memory_space<vmem>>, vector<16xf32>,
      %mul3A_1264 = arith.mulf %get3A_1259, %mul3A_256 : vector<16xf32>
      %add3A_1265 = arith.addf %mul3A_1264, %get3A_281 : vector<16xf32>
      %mul3A_1266 = arith.mulf %get3A_1263, %mul3A_312 : vector<16xf32>
      %add3A_1267 = arith.addf %mul3A_1266, %get3A_337 : vector<16xf32>
      %mul3A_1268 = arith.mulf %add3A_1265, %add3A_1267 : vector<16xf32>
      %get3A_1269 = arith.index_cast %select_n3A_471 : i32 to index
      %get3A_1270 = arith.index_cast %add3A_1203 : i32 to index
      %get3A_1271 = arith.constant 80 : index
      %get3A_1272 = tpu.vector_load %arg16[%get3A_1269, %get3A_1270, %get3A_1271] {strides = array<i32>} : memref<3x128x128xf32, #tpu.memory_space<vmem>>, vector<16xf32>,
      %get3A_1273 = arith.index_cast %select_n3A_471 : i32 to index
      %get3A_1274 = arith.index_cast %add3A_1203 : i32 to index
      %get3A_1275 = arith.constant 80 : index
      %get3A_1276 = tpu.vector_load %arg17[%get3A_1273, %get3A_1274, %get3A_1275] {strides = array<i32>} : memref<3x128x128xf32, #tpu.memory_space<vmem>>, vector<16xf32>,
      %mul3A_1277 = arith.mulf %get3A_1272, %mul3A_261 : vector<16xf32>
      %add3A_1278 = arith.addf %mul3A_1277, %get3A_283 : vector<16xf32>
      %mul3A_1279 = arith.mulf %get3A_1276, %mul3A_317 : vector<16xf32>
      %add3A_1280 = arith.addf %mul3A_1279, %get3A_339 : vector<16xf32>
      %mul3A_1281 = arith.mulf %add3A_1278, %add3A_1280 : vector<16xf32>
      %get3A_1282 = arith.index_cast %select_n3A_471 : i32 to index
      %get3A_1283 = arith.index_cast %add3A_1203 : i32 to index
      %get3A_1284 = arith.constant 96 : index
      %get3A_1285 = tpu.vector_load %arg16[%get3A_1282, %get3A_1283, %get3A_1284] {strides = array<i32>} : memref<3x128x128xf32, #tpu.memory_space<vmem>>, vector<16xf32>,
      %get3A_1286 = arith.index_cast %select_n3A_471 : i32 to index
      %get3A_1287 = arith.index_cast %add3A_1203 : i32 to index
      %get3A_1288 = arith.constant 96 : index
      %get3A_1289 = tpu.vector_load %arg17[%get3A_1286, %get3A_1287, %get3A_1288] {strides = array<i32>} : memref<3x128x128xf32, #tpu.memory_space<vmem>>, vector<16xf32>,
      %mul3A_1290 = arith.mulf %get3A_1285, %mul3A_266 : vector<16xf32>
      %add3A_1291 = arith.addf %mul3A_1290, %get3A_285 : vector<16xf32>
      %mul3A_1292 = arith.mulf %get3A_1289, %mul3A_322 : vector<16xf32>
      %add3A_1293 = arith.addf %mul3A_1292, %get3A_341 : vector<16xf32>
      %mul3A_1294 = arith.mulf %add3A_1291, %add3A_1293 : vector<16xf32>
      %get3A_1295 = arith.index_cast %select_n3A_471 : i32 to index
      %get3A_1296 = arith.index_cast %add3A_1203 : i32 to index
      %get3A_1297 = arith.constant 112 : index
      %get3A_1298 = tpu.vector_load %arg16[%get3A_1295, %get3A_1296, %get3A_1297] {strides = array<i32>} : memref<3x128x128xf32, #tpu.memory_space<vmem>>, vector<16xf32>,
      %get3A_1299 = arith.index_cast %select_n3A_471 : i32 to index
      %get3A_1300 = arith.index_cast %add3A_1203 : i32 to index
      %get3A_1301 = arith.constant 112 : index
      %get3A_1302 = tpu.vector_load %arg17[%get3A_1299, %get3A_1300, %get3A_1301] {strides = array<i32>} : memref<3x128x128xf32, #tpu.memory_space<vmem>>, vector<16xf32>,
      %mul3A_1303 = arith.mulf %get3A_1298, %mul3A_271 : vector<16xf32>
      %add3A_1304 = arith.addf %mul3A_1303, %get3A_287 : vector<16xf32>
      %mul3A_1305 = arith.mulf %get3A_1302, %mul3A_327 : vector<16xf32>
      %add3A_1306 = arith.addf %mul3A_1305, %get3A_343 : vector<16xf32>
      %mul3A_1307 = arith.mulf %add3A_1304, %add3A_1306 : vector<16xf32>
      %add3A_1308 = arith.addf %mul3A_1216, %mul3A_1229 : vector<16xf32>
      %add3A_1309 = arith.addf %mul3A_1242, %mul3A_1255 : vector<16xf32>
      %add3A_1310 = arith.addf %mul3A_1268, %mul3A_1281 : vector<16xf32>
      %add3A_1311 = arith.addf %mul3A_1294, %mul3A_1307 : vector<16xf32>
      %add3A_1312 = arith.addf %add3A_1308, %add3A_1309 : vector<16xf32>
      %add3A_1313 = arith.addf %add3A_1310, %add3A_1311 : vector<16xf32>
      %add3A_1314 = arith.addf %add3A_1312, %add3A_1313 : vector<16xf32>
      %add3A_1315 = arith.constant 7 : i32
      %add3A_1316 = arith.addi %mul3A_489, %add3A_1315 : i32
      %get3A_1317 = arith.index_cast %select_n3A_471 : i32 to index
      %get3A_1318 = arith.index_cast %add3A_1316 : i32 to index
      %get3A_1319 = arith.constant 0 : index
      %get3A_1320 = tpu.vector_load %arg16[%get3A_1317, %get3A_1318, %get3A_1319] {strides = array<i32>} : memref<3x128x128xf32, #tpu.memory_space<vmem>>, vector<16xf32>,
      %get3A_1321 = arith.index_cast %select_n3A_471 : i32 to index
      %get3A_1322 = arith.index_cast %add3A_1316 : i32 to index
      %get3A_1323 = arith.constant 0 : index
      %get3A_1324 = tpu.vector_load %arg17[%get3A_1321, %get3A_1322, %get3A_1323] {strides = array<i32>} : memref<3x128x128xf32, #tpu.memory_space<vmem>>, vector<16xf32>,
      %mul3A_1325 = arith.mulf %get3A_1320, %mul3A_236 : vector<16xf32>
      %add3A_1326 = arith.addf %mul3A_1325, %get3A_273 : vector<16xf32>
      %mul3A_1327 = arith.mulf %get3A_1324, %mul3A_292 : vector<16xf32>
      %add3A_1328 = arith.addf %mul3A_1327, %get3A_329 : vector<16xf32>
      %mul3A_1329 = arith.mulf %add3A_1326, %add3A_1328 : vector<16xf32>
      %get3A_1330 = arith.index_cast %select_n3A_471 : i32 to index
      %get3A_1331 = arith.index_cast %add3A_1316 : i32 to index
      %get3A_1332 = arith.constant 16 : index
      %get3A_1333 = tpu.vector_load %arg16[%get3A_1330, %get3A_1331, %get3A_1332] {strides = array<i32>} : memref<3x128x128xf32, #tpu.memory_space<vmem>>, vector<16xf32>,
      %get3A_1334 = arith.index_cast %select_n3A_471 : i32 to index
      %get3A_1335 = arith.index_cast %add3A_1316 : i32 to index
      %get3A_1336 = arith.constant 16 : index
      %get3A_1337 = tpu.vector_load %arg17[%get3A_1334, %get3A_1335, %get3A_1336] {strides = array<i32>} : memref<3x128x128xf32, #tpu.memory_space<vmem>>, vector<16xf32>,
      %mul3A_1338 = arith.mulf %get3A_1333, %mul3A_241 : vector<16xf32>
      %add3A_1339 = arith.addf %mul3A_1338, %get3A_275 : vector<16xf32>
      %mul3A_1340 = arith.mulf %get3A_1337, %mul3A_297 : vector<16xf32>
      %add3A_1341 = arith.addf %mul3A_1340, %get3A_331 : vector<16xf32>
      %mul3A_1342 = arith.mulf %add3A_1339, %add3A_1341 : vector<16xf32>
      %get3A_1343 = arith.index_cast %select_n3A_471 : i32 to index
      %get3A_1344 = arith.index_cast %add3A_1316 : i32 to index
      %get3A_1345 = arith.constant 32 : index
      %get3A_1346 = tpu.vector_load %arg16[%get3A_1343, %get3A_1344, %get3A_1345] {strides = array<i32>} : memref<3x128x128xf32, #tpu.memory_space<vmem>>, vector<16xf32>,
      %get3A_1347 = arith.index_cast %select_n3A_471 : i32 to index
      %get3A_1348 = arith.index_cast %add3A_1316 : i32 to index
      %get3A_1349 = arith.constant 32 : index
      %get3A_1350 = tpu.vector_load %arg17[%get3A_1347, %get3A_1348, %get3A_1349] {strides = array<i32>} : memref<3x128x128xf32, #tpu.memory_space<vmem>>, vector<16xf32>,
      %mul3A_1351 = arith.mulf %get3A_1346, %mul3A_246 : vector<16xf32>
      %add3A_1352 = arith.addf %mul3A_1351, %get3A_277 : vector<16xf32>
      %mul3A_1353 = arith.mulf %get3A_1350, %mul3A_302 : vector<16xf32>
      %add3A_1354 = arith.addf %mul3A_1353, %get3A_333 : vector<16xf32>
      %mul3A_1355 = arith.mulf %add3A_1352, %add3A_1354 : vector<16xf32>
      %get3A_1356 = arith.index_cast %select_n3A_471 : i32 to index
      %get3A_1357 = arith.index_cast %add3A_1316 : i32 to index
      %get3A_1358 = arith.constant 48 : index
      %get3A_1359 = tpu.vector_load %arg16[%get3A_1356, %get3A_1357, %get3A_1358] {strides = array<i32>} : memref<3x128x128xf32, #tpu.memory_space<vmem>>, vector<16xf32>,
      %get3A_1360 = arith.index_cast %select_n3A_471 : i32 to index
      %get3A_1361 = arith.index_cast %add3A_1316 : i32 to index
      %get3A_1362 = arith.constant 48 : index
      %get3A_1363 = tpu.vector_load %arg17[%get3A_1360, %get3A_1361, %get3A_1362] {strides = array<i32>} : memref<3x128x128xf32, #tpu.memory_space<vmem>>, vector<16xf32>,
      %mul3A_1364 = arith.mulf %get3A_1359, %mul3A_251 : vector<16xf32>
      %add3A_1365 = arith.addf %mul3A_1364, %get3A_279 : vector<16xf32>
      %mul3A_1366 = arith.mulf %get3A_1363, %mul3A_307 : vector<16xf32>
      %add3A_1367 = arith.addf %mul3A_1366, %get3A_335 : vector<16xf32>
      %mul3A_1368 = arith.mulf %add3A_1365, %add3A_1367 : vector<16xf32>
      %get3A_1369 = arith.index_cast %select_n3A_471 : i32 to index
      %get3A_1370 = arith.index_cast %add3A_1316 : i32 to index
      %get3A_1371 = arith.constant 64 : index
      %get3A_1372 = tpu.vector_load %arg16[%get3A_1369, %get3A_1370, %get3A_1371] {strides = array<i32>} : memref<3x128x128xf32, #tpu.memory_space<vmem>>, vector<16xf32>,
      %get3A_1373 = arith.index_cast %select_n3A_471 : i32 to index
      %get3A_1374 = arith.index_cast %add3A_1316 : i32 to index
      %get3A_1375 = arith.constant 64 : index
      %get3A_1376 = tpu.vector_load %arg17[%get3A_1373, %get3A_1374, %get3A_1375] {strides = array<i32>} : memref<3x128x128xf32, #tpu.memory_space<vmem>>, vector<16xf32>,
      %mul3A_1377 = arith.mulf %get3A_1372, %mul3A_256 : vector<16xf32>
      %add3A_1378 = arith.addf %mul3A_1377, %get3A_281 : vector<16xf32>
      %mul3A_1379 = arith.mulf %get3A_1376, %mul3A_312 : vector<16xf32>
      %add3A_1380 = arith.addf %mul3A_1379, %get3A_337 : vector<16xf32>
      %mul3A_1381 = arith.mulf %add3A_1378, %add3A_1380 : vector<16xf32>
      %get3A_1382 = arith.index_cast %select_n3A_471 : i32 to index
      %get3A_1383 = arith.index_cast %add3A_1316 : i32 to index
      %get3A_1384 = arith.constant 80 : index
      %get3A_1385 = tpu.vector_load %arg16[%get3A_1382, %get3A_1383, %get3A_1384] {strides = array<i32>} : memref<3x128x128xf32, #tpu.memory_space<vmem>>, vector<16xf32>,
      %get3A_1386 = arith.index_cast %select_n3A_471 : i32 to index
      %get3A_1387 = arith.index_cast %add3A_1316 : i32 to index
      %get3A_1388 = arith.constant 80 : index
      %get3A_1389 = tpu.vector_load %arg17[%get3A_1386, %get3A_1387, %get3A_1388] {strides = array<i32>} : memref<3x128x128xf32, #tpu.memory_space<vmem>>, vector<16xf32>,
      %mul3A_1390 = arith.mulf %get3A_1385, %mul3A_261 : vector<16xf32>
      %add3A_1391 = arith.addf %mul3A_1390, %get3A_283 : vector<16xf32>
      %mul3A_1392 = arith.mulf %get3A_1389, %mul3A_317 : vector<16xf32>
      %add3A_1393 = arith.addf %mul3A_1392, %get3A_339 : vector<16xf32>
      %mul3A_1394 = arith.mulf %add3A_1391, %add3A_1393 : vector<16xf32>
      %get3A_1395 = arith.index_cast %select_n3A_471 : i32 to index
      %get3A_1396 = arith.index_cast %add3A_1316 : i32 to index
      %get3A_1397 = arith.constant 96 : index
      %get3A_1398 = tpu.vector_load %arg16[%get3A_1395, %get3A_1396, %get3A_1397] {strides = array<i32>} : memref<3x128x128xf32, #tpu.memory_space<vmem>>, vector<16xf32>,
      %get3A_1399 = arith.index_cast %select_n3A_471 : i32 to index
      %get3A_1400 = arith.index_cast %add3A_1316 : i32 to index
      %get3A_1401 = arith.constant 96 : index
      %get3A_1402 = tpu.vector_load %arg17[%get3A_1399, %get3A_1400, %get3A_1401] {strides = array<i32>} : memref<3x128x128xf32, #tpu.memory_space<vmem>>, vector<16xf32>,
      %mul3A_1403 = arith.mulf %get3A_1398, %mul3A_266 : vector<16xf32>
      %add3A_1404 = arith.addf %mul3A_1403, %get3A_285 : vector<16xf32>
      %mul3A_1405 = arith.mulf %get3A_1402, %mul3A_322 : vector<16xf32>
      %add3A_1406 = arith.addf %mul3A_1405, %get3A_341 : vector<16xf32>
      %mul3A_1407 = arith.mulf %add3A_1404, %add3A_1406 : vector<16xf32>
      %get3A_1408 = arith.index_cast %select_n3A_471 : i32 to index
      %get3A_1409 = arith.index_cast %add3A_1316 : i32 to index
      %get3A_1410 = arith.constant 112 : index
      %get3A_1411 = tpu.vector_load %arg16[%get3A_1408, %get3A_1409, %get3A_1410] {strides = array<i32>} : memref<3x128x128xf32, #tpu.memory_space<vmem>>, vector<16xf32>,
      %get3A_1412 = arith.index_cast %select_n3A_471 : i32 to index
      %get3A_1413 = arith.index_cast %add3A_1316 : i32 to index
      %get3A_1414 = arith.constant 112 : index
      %get3A_1415 = tpu.vector_load %arg17[%get3A_1412, %get3A_1413, %get3A_1414] {strides = array<i32>} : memref<3x128x128xf32, #tpu.memory_space<vmem>>, vector<16xf32>,
      %mul3A_1416 = arith.mulf %get3A_1411, %mul3A_271 : vector<16xf32>
      %add3A_1417 = arith.addf %mul3A_1416, %get3A_287 : vector<16xf32>
      %mul3A_1418 = arith.mulf %get3A_1415, %mul3A_327 : vector<16xf32>
      %add3A_1419 = arith.addf %mul3A_1418, %get3A_343 : vector<16xf32>
      %mul3A_1420 = arith.mulf %add3A_1417, %add3A_1419 : vector<16xf32>
      %add3A_1421 = arith.addf %mul3A_1329, %mul3A_1342 : vector<16xf32>
      %add3A_1422 = arith.addf %mul3A_1355, %mul3A_1368 : vector<16xf32>
      %add3A_1423 = arith.addf %mul3A_1381, %mul3A_1394 : vector<16xf32>
      %add3A_1424 = arith.addf %mul3A_1407, %mul3A_1420 : vector<16xf32>
      %add3A_1425 = arith.addf %add3A_1421, %add3A_1422 : vector<16xf32>
      %add3A_1426 = arith.addf %add3A_1423, %add3A_1424 : vector<16xf32>
      %add3A_1427 = arith.addf %add3A_1425, %add3A_1426 : vector<16xf32>
      %broadcast_in_dim3A_1428 = vector.shape_cast %and3A_348 : vector<16xi32> to vector<16x1xi32>
      %gather3A_1429 = vector.shape_cast %broadcast_in_dim3A_1428 : vector<16x1xi32> to vector<16xi32>
      %gather3A_1430 = tpu.dynamic_gather %add3A_1314[%gather3A_1429] in [0] : vector<16xf32>, vector<16xi32> -> vector<16xf32>
      %add3A_1431 = arith.addf %add3A_1314, %gather3A_1430 : vector<16xf32>
      %broadcast_in_dim3A_1432 = vector.shape_cast %and3A_371 : vector<16xi32> to vector<16x1xi32>
      %gather3A_1433 = vector.shape_cast %broadcast_in_dim3A_1432 : vector<16x1xi32> to vector<16xi32>
      %gather3A_1434 = tpu.dynamic_gather %add3A_1427[%gather3A_1433] in [0] : vector<16xf32>, vector<16xi32> -> vector<16xf32>
      %add3A_1435 = arith.addf %add3A_1427, %gather3A_1434 : vector<16xf32>
      %select_n3A_1436 = arith.select %lt3A_394, %add3A_1431, %add3A_1435 : vector<16xi1>, vector<16xf32>
      %broadcast_in_dim3A_1437 = vector.shape_cast %and3A_354 : vector<16xi32> to vector<16x1xi32>
      %gather3A_1438 = vector.shape_cast %broadcast_in_dim3A_1437 : vector<16x1xi32> to vector<16xi32>
      %gather3A_1439 = tpu.dynamic_gather %select_n3A_1201[%gather3A_1438] in [0] : vector<16xf32>, vector<16xi32> -> vector<16xf32>
      %add3A_1440 = arith.addf %select_n3A_1201, %gather3A_1439 : vector<16xf32>
      %broadcast_in_dim3A_1441 = vector.shape_cast %and3A_377 : vector<16xi32> to vector<16x1xi32>
      %gather3A_1442 = vector.shape_cast %broadcast_in_dim3A_1441 : vector<16x1xi32> to vector<16xi32>
      %gather3A_1443 = tpu.dynamic_gather %select_n3A_1436[%gather3A_1442] in [0] : vector<16xf32>, vector<16xi32> -> vector<16xf32>
      %add3A_1444 = arith.addf %select_n3A_1436, %gather3A_1443 : vector<16xf32>
      %select_n3A_1445 = arith.select %lt3A_400, %add3A_1440, %add3A_1444 : vector<16xi1>, vector<16xf32>
      %broadcast_in_dim3A_1446 = vector.shape_cast %and3A_360 : vector<16xi32> to vector<16x1xi32>
      %gather3A_1447 = vector.shape_cast %broadcast_in_dim3A_1446 : vector<16x1xi32> to vector<16xi32>
      %gather3A_1448 = tpu.dynamic_gather %select_n3A_966[%gather3A_1447] in [0] : vector<16xf32>, vector<16xi32> -> vector<16xf32>
      %add3A_1449 = arith.addf %select_n3A_966, %gather3A_1448 : vector<16xf32>
      %broadcast_in_dim3A_1450 = vector.shape_cast %and3A_383 : vector<16xi32> to vector<16x1xi32>
      %gather3A_1451 = vector.shape_cast %broadcast_in_dim3A_1450 : vector<16x1xi32> to vector<16xi32>
      %gather3A_1452 = tpu.dynamic_gather %select_n3A_1445[%gather3A_1451] in [0] : vector<16xf32>, vector<16xi32> -> vector<16xf32>
      %add3A_1453 = arith.addf %select_n3A_1445, %gather3A_1452 : vector<16xf32>
      %select_n3A_1454 = arith.select %lt3A_406, %add3A_1449, %add3A_1453 : vector<16xi1>, vector<16xf32>
      %add3A_1455 = arith.constant 8 : i32
      %add3A_1456 = arith.addi %mul3A_489, %add3A_1455 : i32
      %get3A_1457 = arith.index_cast %select_n3A_471 : i32 to index
      %get3A_1458 = arith.index_cast %add3A_1456 : i32 to index
      %get3A_1459 = arith.constant 0 : index
      %get3A_1460 = tpu.vector_load %arg16[%get3A_1457, %get3A_1458, %get3A_1459] {strides = array<i32>} : memref<3x128x128xf32, #tpu.memory_space<vmem>>, vector<16xf32>,
      %get3A_1461 = arith.index_cast %select_n3A_471 : i32 to index
      %get3A_1462 = arith.index_cast %add3A_1456 : i32 to index
      %get3A_1463 = arith.constant 0 : index
      %get3A_1464 = tpu.vector_load %arg17[%get3A_1461, %get3A_1462, %get3A_1463] {strides = array<i32>} : memref<3x128x128xf32, #tpu.memory_space<vmem>>, vector<16xf32>,
      %mul3A_1465 = arith.mulf %get3A_1460, %mul3A_236 : vector<16xf32>
      %add3A_1466 = arith.addf %mul3A_1465, %get3A_273 : vector<16xf32>
      %mul3A_1467 = arith.mulf %get3A_1464, %mul3A_292 : vector<16xf32>
      %add3A_1468 = arith.addf %mul3A_1467, %get3A_329 : vector<16xf32>
      %mul3A_1469 = arith.mulf %add3A_1466, %add3A_1468 : vector<16xf32>
      %get3A_1470 = arith.index_cast %select_n3A_471 : i32 to index
      %get3A_1471 = arith.index_cast %add3A_1456 : i32 to index
      %get3A_1472 = arith.constant 16 : index
      %get3A_1473 = tpu.vector_load %arg16[%get3A_1470, %get3A_1471, %get3A_1472] {strides = array<i32>} : memref<3x128x128xf32, #tpu.memory_space<vmem>>, vector<16xf32>,
      %get3A_1474 = arith.index_cast %select_n3A_471 : i32 to index
      %get3A_1475 = arith.index_cast %add3A_1456 : i32 to index
      %get3A_1476 = arith.constant 16 : index
      %get3A_1477 = tpu.vector_load %arg17[%get3A_1474, %get3A_1475, %get3A_1476] {strides = array<i32>} : memref<3x128x128xf32, #tpu.memory_space<vmem>>, vector<16xf32>,
      %mul3A_1478 = arith.mulf %get3A_1473, %mul3A_241 : vector<16xf32>
      %add3A_1479 = arith.addf %mul3A_1478, %get3A_275 : vector<16xf32>
      %mul3A_1480 = arith.mulf %get3A_1477, %mul3A_297 : vector<16xf32>
      %add3A_1481 = arith.addf %mul3A_1480, %get3A_331 : vector<16xf32>
      %mul3A_1482 = arith.mulf %add3A_1479, %add3A_1481 : vector<16xf32>
      %get3A_1483 = arith.index_cast %select_n3A_471 : i32 to index
      %get3A_1484 = arith.index_cast %add3A_1456 : i32 to index
      %get3A_1485 = arith.constant 32 : index
      %get3A_1486 = tpu.vector_load %arg16[%get3A_1483, %get3A_1484, %get3A_1485] {strides = array<i32>} : memref<3x128x128xf32, #tpu.memory_space<vmem>>, vector<16xf32>,
      %get3A_1487 = arith.index_cast %select_n3A_471 : i32 to index
      %get3A_1488 = arith.index_cast %add3A_1456 : i32 to index
      %get3A_1489 = arith.constant 32 : index
      %get3A_1490 = tpu.vector_load %arg17[%get3A_1487, %get3A_1488, %get3A_1489] {strides = array<i32>} : memref<3x128x128xf32, #tpu.memory_space<vmem>>, vector<16xf32>,
      %mul3A_1491 = arith.mulf %get3A_1486, %mul3A_246 : vector<16xf32>
      %add3A_1492 = arith.addf %mul3A_1491, %get3A_277 : vector<16xf32>
      %mul3A_1493 = arith.mulf %get3A_1490, %mul3A_302 : vector<16xf32>
      %add3A_1494 = arith.addf %mul3A_1493, %get3A_333 : vector<16xf32>
      %mul3A_1495 = arith.mulf %add3A_1492, %add3A_1494 : vector<16xf32>
      %get3A_1496 = arith.index_cast %select_n3A_471 : i32 to index
      %get3A_1497 = arith.index_cast %add3A_1456 : i32 to index
      %get3A_1498 = arith.constant 48 : index
      %get3A_1499 = tpu.vector_load %arg16[%get3A_1496, %get3A_1497, %get3A_1498] {strides = array<i32>} : memref<3x128x128xf32, #tpu.memory_space<vmem>>, vector<16xf32>,
      %get3A_1500 = arith.index_cast %select_n3A_471 : i32 to index
      %get3A_1501 = arith.index_cast %add3A_1456 : i32 to index
      %get3A_1502 = arith.constant 48 : index
      %get3A_1503 = tpu.vector_load %arg17[%get3A_1500, %get3A_1501, %get3A_1502] {strides = array<i32>} : memref<3x128x128xf32, #tpu.memory_space<vmem>>, vector<16xf32>,
      %mul3A_1504 = arith.mulf %get3A_1499, %mul3A_251 : vector<16xf32>
      %add3A_1505 = arith.addf %mul3A_1504, %get3A_279 : vector<16xf32>
      %mul3A_1506 = arith.mulf %get3A_1503, %mul3A_307 : vector<16xf32>
      %add3A_1507 = arith.addf %mul3A_1506, %get3A_335 : vector<16xf32>
      %mul3A_1508 = arith.mulf %add3A_1505, %add3A_1507 : vector<16xf32>
      %get3A_1509 = arith.index_cast %select_n3A_471 : i32 to index
      %get3A_1510 = arith.index_cast %add3A_1456 : i32 to index
      %get3A_1511 = arith.constant 64 : index
      %get3A_1512 = tpu.vector_load %arg16[%get3A_1509, %get3A_1510, %get3A_1511] {strides = array<i32>} : memref<3x128x128xf32, #tpu.memory_space<vmem>>, vector<16xf32>,
      %get3A_1513 = arith.index_cast %select_n3A_471 : i32 to index
      %get3A_1514 = arith.index_cast %add3A_1456 : i32 to index
      %get3A_1515 = arith.constant 64 : index
      %get3A_1516 = tpu.vector_load %arg17[%get3A_1513, %get3A_1514, %get3A_1515] {strides = array<i32>} : memref<3x128x128xf32, #tpu.memory_space<vmem>>, vector<16xf32>,
      %mul3A_1517 = arith.mulf %get3A_1512, %mul3A_256 : vector<16xf32>
      %add3A_1518 = arith.addf %mul3A_1517, %get3A_281 : vector<16xf32>
      %mul3A_1519 = arith.mulf %get3A_1516, %mul3A_312 : vector<16xf32>
      %add3A_1520 = arith.addf %mul3A_1519, %get3A_337 : vector<16xf32>
      %mul3A_1521 = arith.mulf %add3A_1518, %add3A_1520 : vector<16xf32>
      %get3A_1522 = arith.index_cast %select_n3A_471 : i32 to index
      %get3A_1523 = arith.index_cast %add3A_1456 : i32 to index
      %get3A_1524 = arith.constant 80 : index
      %get3A_1525 = tpu.vector_load %arg16[%get3A_1522, %get3A_1523, %get3A_1524] {strides = array<i32>} : memref<3x128x128xf32, #tpu.memory_space<vmem>>, vector<16xf32>,
      %get3A_1526 = arith.index_cast %select_n3A_471 : i32 to index
      %get3A_1527 = arith.index_cast %add3A_1456 : i32 to index
      %get3A_1528 = arith.constant 80 : index
      %get3A_1529 = tpu.vector_load %arg17[%get3A_1526, %get3A_1527, %get3A_1528] {strides = array<i32>} : memref<3x128x128xf32, #tpu.memory_space<vmem>>, vector<16xf32>,
      %mul3A_1530 = arith.mulf %get3A_1525, %mul3A_261 : vector<16xf32>
      %add3A_1531 = arith.addf %mul3A_1530, %get3A_283 : vector<16xf32>
      %mul3A_1532 = arith.mulf %get3A_1529, %mul3A_317 : vector<16xf32>
      %add3A_1533 = arith.addf %mul3A_1532, %get3A_339 : vector<16xf32>
      %mul3A_1534 = arith.mulf %add3A_1531, %add3A_1533 : vector<16xf32>
      %get3A_1535 = arith.index_cast %select_n3A_471 : i32 to index
      %get3A_1536 = arith.index_cast %add3A_1456 : i32 to index
      %get3A_1537 = arith.constant 96 : index
      %get3A_1538 = tpu.vector_load %arg16[%get3A_1535, %get3A_1536, %get3A_1537] {strides = array<i32>} : memref<3x128x128xf32, #tpu.memory_space<vmem>>, vector<16xf32>,
      %get3A_1539 = arith.index_cast %select_n3A_471 : i32 to index
      %get3A_1540 = arith.index_cast %add3A_1456 : i32 to index
      %get3A_1541 = arith.constant 96 : index
      %get3A_1542 = tpu.vector_load %arg17[%get3A_1539, %get3A_1540, %get3A_1541] {strides = array<i32>} : memref<3x128x128xf32, #tpu.memory_space<vmem>>, vector<16xf32>,
      %mul3A_1543 = arith.mulf %get3A_1538, %mul3A_266 : vector<16xf32>
      %add3A_1544 = arith.addf %mul3A_1543, %get3A_285 : vector<16xf32>
      %mul3A_1545 = arith.mulf %get3A_1542, %mul3A_322 : vector<16xf32>
      %add3A_1546 = arith.addf %mul3A_1545, %get3A_341 : vector<16xf32>
      %mul3A_1547 = arith.mulf %add3A_1544, %add3A_1546 : vector<16xf32>
      %get3A_1548 = arith.index_cast %select_n3A_471 : i32 to index
      %get3A_1549 = arith.index_cast %add3A_1456 : i32 to index
      %get3A_1550 = arith.constant 112 : index
      %get3A_1551 = tpu.vector_load %arg16[%get3A_1548, %get3A_1549, %get3A_1550] {strides = array<i32>} : memref<3x128x128xf32, #tpu.memory_space<vmem>>, vector<16xf32>,
      %get3A_1552 = arith.index_cast %select_n3A_471 : i32 to index
      %get3A_1553 = arith.index_cast %add3A_1456 : i32 to index
      %get3A_1554 = arith.constant 112 : index
      %get3A_1555 = tpu.vector_load %arg17[%get3A_1552, %get3A_1553, %get3A_1554] {strides = array<i32>} : memref<3x128x128xf32, #tpu.memory_space<vmem>>, vector<16xf32>,
      %mul3A_1556 = arith.mulf %get3A_1551, %mul3A_271 : vector<16xf32>
      %add3A_1557 = arith.addf %mul3A_1556, %get3A_287 : vector<16xf32>
      %mul3A_1558 = arith.mulf %get3A_1555, %mul3A_327 : vector<16xf32>
      %add3A_1559 = arith.addf %mul3A_1558, %get3A_343 : vector<16xf32>
      %mul3A_1560 = arith.mulf %add3A_1557, %add3A_1559 : vector<16xf32>
      %add3A_1561 = arith.addf %mul3A_1469, %mul3A_1482 : vector<16xf32>
      %add3A_1562 = arith.addf %mul3A_1495, %mul3A_1508 : vector<16xf32>
      %add3A_1563 = arith.addf %mul3A_1521, %mul3A_1534 : vector<16xf32>
      %add3A_1564 = arith.addf %mul3A_1547, %mul3A_1560 : vector<16xf32>
      %add3A_1565 = arith.addf %add3A_1561, %add3A_1562 : vector<16xf32>
      %add3A_1566 = arith.addf %add3A_1563, %add3A_1564 : vector<16xf32>
      %add3A_1567 = arith.addf %add3A_1565, %add3A_1566 : vector<16xf32>
      %add3A_1568 = arith.constant 9 : i32
      %add3A_1569 = arith.addi %mul3A_489, %add3A_1568 : i32
      %get3A_1570 = arith.index_cast %select_n3A_471 : i32 to index
      %get3A_1571 = arith.index_cast %add3A_1569 : i32 to index
      %get3A_1572 = arith.constant 0 : index
      %get3A_1573 = tpu.vector_load %arg16[%get3A_1570, %get3A_1571, %get3A_1572] {strides = array<i32>} : memref<3x128x128xf32, #tpu.memory_space<vmem>>, vector<16xf32>,
      %get3A_1574 = arith.index_cast %select_n3A_471 : i32 to index
      %get3A_1575 = arith.index_cast %add3A_1569 : i32 to index
      %get3A_1576 = arith.constant 0 : index
      %get3A_1577 = tpu.vector_load %arg17[%get3A_1574, %get3A_1575, %get3A_1576] {strides = array<i32>} : memref<3x128x128xf32, #tpu.memory_space<vmem>>, vector<16xf32>,
      %mul3A_1578 = arith.mulf %get3A_1573, %mul3A_236 : vector<16xf32>
      %add3A_1579 = arith.addf %mul3A_1578, %get3A_273 : vector<16xf32>
      %mul3A_1580 = arith.mulf %get3A_1577, %mul3A_292 : vector<16xf32>
      %add3A_1581 = arith.addf %mul3A_1580, %get3A_329 : vector<16xf32>
      %mul3A_1582 = arith.mulf %add3A_1579, %add3A_1581 : vector<16xf32>
      %get3A_1583 = arith.index_cast %select_n3A_471 : i32 to index
      %get3A_1584 = arith.index_cast %add3A_1569 : i32 to index
      %get3A_1585 = arith.constant 16 : index
      %get3A_1586 = tpu.vector_load %arg16[%get3A_1583, %get3A_1584, %get3A_1585] {strides = array<i32>} : memref<3x128x128xf32, #tpu.memory_space<vmem>>, vector<16xf32>,
      %get3A_1587 = arith.index_cast %select_n3A_471 : i32 to index
      %get3A_1588 = arith.index_cast %add3A_1569 : i32 to index
      %get3A_1589 = arith.constant 16 : index
      %get3A_1590 = tpu.vector_load %arg17[%get3A_1587, %get3A_1588, %get3A_1589] {strides = array<i32>} : memref<3x128x128xf32, #tpu.memory_space<vmem>>, vector<16xf32>,
      %mul3A_1591 = arith.mulf %get3A_1586, %mul3A_241 : vector<16xf32>
      %add3A_1592 = arith.addf %mul3A_1591, %get3A_275 : vector<16xf32>
      %mul3A_1593 = arith.mulf %get3A_1590, %mul3A_297 : vector<16xf32>
      %add3A_1594 = arith.addf %mul3A_1593, %get3A_331 : vector<16xf32>
      %mul3A_1595 = arith.mulf %add3A_1592, %add3A_1594 : vector<16xf32>
      %get3A_1596 = arith.index_cast %select_n3A_471 : i32 to index
      %get3A_1597 = arith.index_cast %add3A_1569 : i32 to index
      %get3A_1598 = arith.constant 32 : index
      %get3A_1599 = tpu.vector_load %arg16[%get3A_1596, %get3A_1597, %get3A_1598] {strides = array<i32>} : memref<3x128x128xf32, #tpu.memory_space<vmem>>, vector<16xf32>,
      %get3A_1600 = arith.index_cast %select_n3A_471 : i32 to index
      %get3A_1601 = arith.index_cast %add3A_1569 : i32 to index
      %get3A_1602 = arith.constant 32 : index
      %get3A_1603 = tpu.vector_load %arg17[%get3A_1600, %get3A_1601, %get3A_1602] {strides = array<i32>} : memref<3x128x128xf32, #tpu.memory_space<vmem>>, vector<16xf32>,
      %mul3A_1604 = arith.mulf %get3A_1599, %mul3A_246 : vector<16xf32>
      %add3A_1605 = arith.addf %mul3A_1604, %get3A_277 : vector<16xf32>
      %mul3A_1606 = arith.mulf %get3A_1603, %mul3A_302 : vector<16xf32>
      %add3A_1607 = arith.addf %mul3A_1606, %get3A_333 : vector<16xf32>
      %mul3A_1608 = arith.mulf %add3A_1605, %add3A_1607 : vector<16xf32>
      %get3A_1609 = arith.index_cast %select_n3A_471 : i32 to index
      %get3A_1610 = arith.index_cast %add3A_1569 : i32 to index
      %get3A_1611 = arith.constant 48 : index
      %get3A_1612 = tpu.vector_load %arg16[%get3A_1609, %get3A_1610, %get3A_1611] {strides = array<i32>} : memref<3x128x128xf32, #tpu.memory_space<vmem>>, vector<16xf32>,
      %get3A_1613 = arith.index_cast %select_n3A_471 : i32 to index
      %get3A_1614 = arith.index_cast %add3A_1569 : i32 to index
      %get3A_1615 = arith.constant 48 : index
      %get3A_1616 = tpu.vector_load %arg17[%get3A_1613, %get3A_1614, %get3A_1615] {strides = array<i32>} : memref<3x128x128xf32, #tpu.memory_space<vmem>>, vector<16xf32>,
      %mul3A_1617 = arith.mulf %get3A_1612, %mul3A_251 : vector<16xf32>
      %add3A_1618 = arith.addf %mul3A_1617, %get3A_279 : vector<16xf32>
      %mul3A_1619 = arith.mulf %get3A_1616, %mul3A_307 : vector<16xf32>
      %add3A_1620 = arith.addf %mul3A_1619, %get3A_335 : vector<16xf32>
      %mul3A_1621 = arith.mulf %add3A_1618, %add3A_1620 : vector<16xf32>
      %get3A_1622 = arith.index_cast %select_n3A_471 : i32 to index
      %get3A_1623 = arith.index_cast %add3A_1569 : i32 to index
      %get3A_1624 = arith.constant 64 : index
      %get3A_1625 = tpu.vector_load %arg16[%get3A_1622, %get3A_1623, %get3A_1624] {strides = array<i32>} : memref<3x128x128xf32, #tpu.memory_space<vmem>>, vector<16xf32>,
      %get3A_1626 = arith.index_cast %select_n3A_471 : i32 to index
      %get3A_1627 = arith.index_cast %add3A_1569 : i32 to index
      %get3A_1628 = arith.constant 64 : index
      %get3A_1629 = tpu.vector_load %arg17[%get3A_1626, %get3A_1627, %get3A_1628] {strides = array<i32>} : memref<3x128x128xf32, #tpu.memory_space<vmem>>, vector<16xf32>,
      %mul3A_1630 = arith.mulf %get3A_1625, %mul3A_256 : vector<16xf32>
      %add3A_1631 = arith.addf %mul3A_1630, %get3A_281 : vector<16xf32>
      %mul3A_1632 = arith.mulf %get3A_1629, %mul3A_312 : vector<16xf32>
      %add3A_1633 = arith.addf %mul3A_1632, %get3A_337 : vector<16xf32>
      %mul3A_1634 = arith.mulf %add3A_1631, %add3A_1633 : vector<16xf32>
      %get3A_1635 = arith.index_cast %select_n3A_471 : i32 to index
      %get3A_1636 = arith.index_cast %add3A_1569 : i32 to index
      %get3A_1637 = arith.constant 80 : index
      %get3A_1638 = tpu.vector_load %arg16[%get3A_1635, %get3A_1636, %get3A_1637] {strides = array<i32>} : memref<3x128x128xf32, #tpu.memory_space<vmem>>, vector<16xf32>,
      %get3A_1639 = arith.index_cast %select_n3A_471 : i32 to index
      %get3A_1640 = arith.index_cast %add3A_1569 : i32 to index
      %get3A_1641 = arith.constant 80 : index
      %get3A_1642 = tpu.vector_load %arg17[%get3A_1639, %get3A_1640, %get3A_1641] {strides = array<i32>} : memref<3x128x128xf32, #tpu.memory_space<vmem>>, vector<16xf32>,
      %mul3A_1643 = arith.mulf %get3A_1638, %mul3A_261 : vector<16xf32>
      %add3A_1644 = arith.addf %mul3A_1643, %get3A_283 : vector<16xf32>
      %mul3A_1645 = arith.mulf %get3A_1642, %mul3A_317 : vector<16xf32>
      %add3A_1646 = arith.addf %mul3A_1645, %get3A_339 : vector<16xf32>
      %mul3A_1647 = arith.mulf %add3A_1644, %add3A_1646 : vector<16xf32>
      %get3A_1648 = arith.index_cast %select_n3A_471 : i32 to index
      %get3A_1649 = arith.index_cast %add3A_1569 : i32 to index
      %get3A_1650 = arith.constant 96 : index
      %get3A_1651 = tpu.vector_load %arg16[%get3A_1648, %get3A_1649, %get3A_1650] {strides = array<i32>} : memref<3x128x128xf32, #tpu.memory_space<vmem>>, vector<16xf32>,
      %get3A_1652 = arith.index_cast %select_n3A_471 : i32 to index
      %get3A_1653 = arith.index_cast %add3A_1569 : i32 to index
      %get3A_1654 = arith.constant 96 : index
      %get3A_1655 = tpu.vector_load %arg17[%get3A_1652, %get3A_1653, %get3A_1654] {strides = array<i32>} : memref<3x128x128xf32, #tpu.memory_space<vmem>>, vector<16xf32>,
      %mul3A_1656 = arith.mulf %get3A_1651, %mul3A_266 : vector<16xf32>
      %add3A_1657 = arith.addf %mul3A_1656, %get3A_285 : vector<16xf32>
      %mul3A_1658 = arith.mulf %get3A_1655, %mul3A_322 : vector<16xf32>
      %add3A_1659 = arith.addf %mul3A_1658, %get3A_341 : vector<16xf32>
      %mul3A_1660 = arith.mulf %add3A_1657, %add3A_1659 : vector<16xf32>
      %get3A_1661 = arith.index_cast %select_n3A_471 : i32 to index
      %get3A_1662 = arith.index_cast %add3A_1569 : i32 to index
      %get3A_1663 = arith.constant 112 : index
      %get3A_1664 = tpu.vector_load %arg16[%get3A_1661, %get3A_1662, %get3A_1663] {strides = array<i32>} : memref<3x128x128xf32, #tpu.memory_space<vmem>>, vector<16xf32>,
      %get3A_1665 = arith.index_cast %select_n3A_471 : i32 to index
      %get3A_1666 = arith.index_cast %add3A_1569 : i32 to index
      %get3A_1667 = arith.constant 112 : index
      %get3A_1668 = tpu.vector_load %arg17[%get3A_1665, %get3A_1666, %get3A_1667] {strides = array<i32>} : memref<3x128x128xf32, #tpu.memory_space<vmem>>, vector<16xf32>,
      %mul3A_1669 = arith.mulf %get3A_1664, %mul3A_271 : vector<16xf32>
      %add3A_1670 = arith.addf %mul3A_1669, %get3A_287 : vector<16xf32>
      %mul3A_1671 = arith.mulf %get3A_1668, %mul3A_327 : vector<16xf32>
      %add3A_1672 = arith.addf %mul3A_1671, %get3A_343 : vector<16xf32>
      %mul3A_1673 = arith.mulf %add3A_1670, %add3A_1672 : vector<16xf32>
      %add3A_1674 = arith.addf %mul3A_1582, %mul3A_1595 : vector<16xf32>
      %add3A_1675 = arith.addf %mul3A_1608, %mul3A_1621 : vector<16xf32>
      %add3A_1676 = arith.addf %mul3A_1634, %mul3A_1647 : vector<16xf32>
      %add3A_1677 = arith.addf %mul3A_1660, %mul3A_1673 : vector<16xf32>
      %add3A_1678 = arith.addf %add3A_1674, %add3A_1675 : vector<16xf32>
      %add3A_1679 = arith.addf %add3A_1676, %add3A_1677 : vector<16xf32>
      %add3A_1680 = arith.addf %add3A_1678, %add3A_1679 : vector<16xf32>
      %broadcast_in_dim3A_1681 = vector.shape_cast %and3A_348 : vector<16xi32> to vector<16x1xi32>
      %gather3A_1682 = vector.shape_cast %broadcast_in_dim3A_1681 : vector<16x1xi32> to vector<16xi32>
      %gather3A_1683 = tpu.dynamic_gather %add3A_1567[%gather3A_1682] in [0] : vector<16xf32>, vector<16xi32> -> vector<16xf32>
      %add3A_1684 = arith.addf %add3A_1567, %gather3A_1683 : vector<16xf32>
      %broadcast_in_dim3A_1685 = vector.shape_cast %and3A_371 : vector<16xi32> to vector<16x1xi32>
      %gather3A_1686 = vector.shape_cast %broadcast_in_dim3A_1685 : vector<16x1xi32> to vector<16xi32>
      %gather3A_1687 = tpu.dynamic_gather %add3A_1680[%gather3A_1686] in [0] : vector<16xf32>, vector<16xi32> -> vector<16xf32>
      %add3A_1688 = arith.addf %add3A_1680, %gather3A_1687 : vector<16xf32>
      %select_n3A_1689 = arith.select %lt3A_394, %add3A_1684, %add3A_1688 : vector<16xi1>, vector<16xf32>
      %add3A_1690 = arith.constant 10 : i32
      %add3A_1691 = arith.addi %mul3A_489, %add3A_1690 : i32
      %get3A_1692 = arith.index_cast %select_n3A_471 : i32 to index
      %get3A_1693 = arith.index_cast %add3A_1691 : i32 to index
      %get3A_1694 = arith.constant 0 : index
      %get3A_1695 = tpu.vector_load %arg16[%get3A_1692, %get3A_1693, %get3A_1694] {strides = array<i32>} : memref<3x128x128xf32, #tpu.memory_space<vmem>>, vector<16xf32>,
      %get3A_1696 = arith.index_cast %select_n3A_471 : i32 to index
      %get3A_1697 = arith.index_cast %add3A_1691 : i32 to index
      %get3A_1698 = arith.constant 0 : index
      %get3A_1699 = tpu.vector_load %arg17[%get3A_1696, %get3A_1697, %get3A_1698] {strides = array<i32>} : memref<3x128x128xf32, #tpu.memory_space<vmem>>, vector<16xf32>,
      %mul3A_1700 = arith.mulf %get3A_1695, %mul3A_236 : vector<16xf32>
      %add3A_1701 = arith.addf %mul3A_1700, %get3A_273 : vector<16xf32>
      %mul3A_1702 = arith.mulf %get3A_1699, %mul3A_292 : vector<16xf32>
      %add3A_1703 = arith.addf %mul3A_1702, %get3A_329 : vector<16xf32>
      %mul3A_1704 = arith.mulf %add3A_1701, %add3A_1703 : vector<16xf32>
      %get3A_1705 = arith.index_cast %select_n3A_471 : i32 to index
      %get3A_1706 = arith.index_cast %add3A_1691 : i32 to index
      %get3A_1707 = arith.constant 16 : index
      %get3A_1708 = tpu.vector_load %arg16[%get3A_1705, %get3A_1706, %get3A_1707] {strides = array<i32>} : memref<3x128x128xf32, #tpu.memory_space<vmem>>, vector<16xf32>,
      %get3A_1709 = arith.index_cast %select_n3A_471 : i32 to index
      %get3A_1710 = arith.index_cast %add3A_1691 : i32 to index
      %get3A_1711 = arith.constant 16 : index
      %get3A_1712 = tpu.vector_load %arg17[%get3A_1709, %get3A_1710, %get3A_1711] {strides = array<i32>} : memref<3x128x128xf32, #tpu.memory_space<vmem>>, vector<16xf32>,
      %mul3A_1713 = arith.mulf %get3A_1708, %mul3A_241 : vector<16xf32>
      %add3A_1714 = arith.addf %mul3A_1713, %get3A_275 : vector<16xf32>
      %mul3A_1715 = arith.mulf %get3A_1712, %mul3A_297 : vector<16xf32>
      %add3A_1716 = arith.addf %mul3A_1715, %get3A_331 : vector<16xf32>
      %mul3A_1717 = arith.mulf %add3A_1714, %add3A_1716 : vector<16xf32>
      %get3A_1718 = arith.index_cast %select_n3A_471 : i32 to index
      %get3A_1719 = arith.index_cast %add3A_1691 : i32 to index
      %get3A_1720 = arith.constant 32 : index
      %get3A_1721 = tpu.vector_load %arg16[%get3A_1718, %get3A_1719, %get3A_1720] {strides = array<i32>} : memref<3x128x128xf32, #tpu.memory_space<vmem>>, vector<16xf32>,
      %get3A_1722 = arith.index_cast %select_n3A_471 : i32 to index
      %get3A_1723 = arith.index_cast %add3A_1691 : i32 to index
      %get3A_1724 = arith.constant 32 : index
      %get3A_1725 = tpu.vector_load %arg17[%get3A_1722, %get3A_1723, %get3A_1724] {strides = array<i32>} : memref<3x128x128xf32, #tpu.memory_space<vmem>>, vector<16xf32>,
      %mul3A_1726 = arith.mulf %get3A_1721, %mul3A_246 : vector<16xf32>
      %add3A_1727 = arith.addf %mul3A_1726, %get3A_277 : vector<16xf32>
      %mul3A_1728 = arith.mulf %get3A_1725, %mul3A_302 : vector<16xf32>
      %add3A_1729 = arith.addf %mul3A_1728, %get3A_333 : vector<16xf32>
      %mul3A_1730 = arith.mulf %add3A_1727, %add3A_1729 : vector<16xf32>
      %get3A_1731 = arith.index_cast %select_n3A_471 : i32 to index
      %get3A_1732 = arith.index_cast %add3A_1691 : i32 to index
      %get3A_1733 = arith.constant 48 : index
      %get3A_1734 = tpu.vector_load %arg16[%get3A_1731, %get3A_1732, %get3A_1733] {strides = array<i32>} : memref<3x128x128xf32, #tpu.memory_space<vmem>>, vector<16xf32>,
      %get3A_1735 = arith.index_cast %select_n3A_471 : i32 to index
      %get3A_1736 = arith.index_cast %add3A_1691 : i32 to index
      %get3A_1737 = arith.constant 48 : index
      %get3A_1738 = tpu.vector_load %arg17[%get3A_1735, %get3A_1736, %get3A_1737] {strides = array<i32>} : memref<3x128x128xf32, #tpu.memory_space<vmem>>, vector<16xf32>,
      %mul3A_1739 = arith.mulf %get3A_1734, %mul3A_251 : vector<16xf32>
      %add3A_1740 = arith.addf %mul3A_1739, %get3A_279 : vector<16xf32>
      %mul3A_1741 = arith.mulf %get3A_1738, %mul3A_307 : vector<16xf32>
      %add3A_1742 = arith.addf %mul3A_1741, %get3A_335 : vector<16xf32>
      %mul3A_1743 = arith.mulf %add3A_1740, %add3A_1742 : vector<16xf32>
      %get3A_1744 = arith.index_cast %select_n3A_471 : i32 to index
      %get3A_1745 = arith.index_cast %add3A_1691 : i32 to index
      %get3A_1746 = arith.constant 64 : index
      %get3A_1747 = tpu.vector_load %arg16[%get3A_1744, %get3A_1745, %get3A_1746] {strides = array<i32>} : memref<3x128x128xf32, #tpu.memory_space<vmem>>, vector<16xf32>,
      %get3A_1748 = arith.index_cast %select_n3A_471 : i32 to index
      %get3A_1749 = arith.index_cast %add3A_1691 : i32 to index
      %get3A_1750 = arith.constant 64 : index
      %get3A_1751 = tpu.vector_load %arg17[%get3A_1748, %get3A_1749, %get3A_1750] {strides = array<i32>} : memref<3x128x128xf32, #tpu.memory_space<vmem>>, vector<16xf32>,
      %mul3A_1752 = arith.mulf %get3A_1747, %mul3A_256 : vector<16xf32>
      %add3A_1753 = arith.addf %mul3A_1752, %get3A_281 : vector<16xf32>
      %mul3A_1754 = arith.mulf %get3A_1751, %mul3A_312 : vector<16xf32>
      %add3A_1755 = arith.addf %mul3A_1754, %get3A_337 : vector<16xf32>
      %mul3A_1756 = arith.mulf %add3A_1753, %add3A_1755 : vector<16xf32>
      %get3A_1757 = arith.index_cast %select_n3A_471 : i32 to index
      %get3A_1758 = arith.index_cast %add3A_1691 : i32 to index
      %get3A_1759 = arith.constant 80 : index
      %get3A_1760 = tpu.vector_load %arg16[%get3A_1757, %get3A_1758, %get3A_1759] {strides = array<i32>} : memref<3x128x128xf32, #tpu.memory_space<vmem>>, vector<16xf32>,
      %get3A_1761 = arith.index_cast %select_n3A_471 : i32 to index
      %get3A_1762 = arith.index_cast %add3A_1691 : i32 to index
      %get3A_1763 = arith.constant 80 : index
      %get3A_1764 = tpu.vector_load %arg17[%get3A_1761, %get3A_1762, %get3A_1763] {strides = array<i32>} : memref<3x128x128xf32, #tpu.memory_space<vmem>>, vector<16xf32>,
      %mul3A_1765 = arith.mulf %get3A_1760, %mul3A_261 : vector<16xf32>
      %add3A_1766 = arith.addf %mul3A_1765, %get3A_283 : vector<16xf32>
      %mul3A_1767 = arith.mulf %get3A_1764, %mul3A_317 : vector<16xf32>
      %add3A_1768 = arith.addf %mul3A_1767, %get3A_339 : vector<16xf32>
      %mul3A_1769 = arith.mulf %add3A_1766, %add3A_1768 : vector<16xf32>
      %get3A_1770 = arith.index_cast %select_n3A_471 : i32 to index
      %get3A_1771 = arith.index_cast %add3A_1691 : i32 to index
      %get3A_1772 = arith.constant 96 : index
      %get3A_1773 = tpu.vector_load %arg16[%get3A_1770, %get3A_1771, %get3A_1772] {strides = array<i32>} : memref<3x128x128xf32, #tpu.memory_space<vmem>>, vector<16xf32>,
      %get3A_1774 = arith.index_cast %select_n3A_471 : i32 to index
      %get3A_1775 = arith.index_cast %add3A_1691 : i32 to index
      %get3A_1776 = arith.constant 96 : index
      %get3A_1777 = tpu.vector_load %arg17[%get3A_1774, %get3A_1775, %get3A_1776] {strides = array<i32>} : memref<3x128x128xf32, #tpu.memory_space<vmem>>, vector<16xf32>,
      %mul3A_1778 = arith.mulf %get3A_1773, %mul3A_266 : vector<16xf32>
      %add3A_1779 = arith.addf %mul3A_1778, %get3A_285 : vector<16xf32>
      %mul3A_1780 = arith.mulf %get3A_1777, %mul3A_322 : vector<16xf32>
      %add3A_1781 = arith.addf %mul3A_1780, %get3A_341 : vector<16xf32>
      %mul3A_1782 = arith.mulf %add3A_1779, %add3A_1781 : vector<16xf32>
      %get3A_1783 = arith.index_cast %select_n3A_471 : i32 to index
      %get3A_1784 = arith.index_cast %add3A_1691 : i32 to index
      %get3A_1785 = arith.constant 112 : index
      %get3A_1786 = tpu.vector_load %arg16[%get3A_1783, %get3A_1784, %get3A_1785] {strides = array<i32>} : memref<3x128x128xf32, #tpu.memory_space<vmem>>, vector<16xf32>,
      %get3A_1787 = arith.index_cast %select_n3A_471 : i32 to index
      %get3A_1788 = arith.index_cast %add3A_1691 : i32 to index
      %get3A_1789 = arith.constant 112 : index
      %get3A_1790 = tpu.vector_load %arg17[%get3A_1787, %get3A_1788, %get3A_1789] {strides = array<i32>} : memref<3x128x128xf32, #tpu.memory_space<vmem>>, vector<16xf32>,
      %mul3A_1791 = arith.mulf %get3A_1786, %mul3A_271 : vector<16xf32>
      %add3A_1792 = arith.addf %mul3A_1791, %get3A_287 : vector<16xf32>
      %mul3A_1793 = arith.mulf %get3A_1790, %mul3A_327 : vector<16xf32>
      %add3A_1794 = arith.addf %mul3A_1793, %get3A_343 : vector<16xf32>
      %mul3A_1795 = arith.mulf %add3A_1792, %add3A_1794 : vector<16xf32>
      %add3A_1796 = arith.addf %mul3A_1704, %mul3A_1717 : vector<16xf32>
      %add3A_1797 = arith.addf %mul3A_1730, %mul3A_1743 : vector<16xf32>
      %add3A_1798 = arith.addf %mul3A_1756, %mul3A_1769 : vector<16xf32>
      %add3A_1799 = arith.addf %mul3A_1782, %mul3A_1795 : vector<16xf32>
      %add3A_1800 = arith.addf %add3A_1796, %add3A_1797 : vector<16xf32>
      %add3A_1801 = arith.addf %add3A_1798, %add3A_1799 : vector<16xf32>
      %add3A_1802 = arith.addf %add3A_1800, %add3A_1801 : vector<16xf32>
      %add3A_1803 = arith.constant 11 : i32
      %add3A_1804 = arith.addi %mul3A_489, %add3A_1803 : i32
      %get3A_1805 = arith.index_cast %select_n3A_471 : i32 to index
      %get3A_1806 = arith.index_cast %add3A_1804 : i32 to index
      %get3A_1807 = arith.constant 0 : index
      %get3A_1808 = tpu.vector_load %arg16[%get3A_1805, %get3A_1806, %get3A_1807] {strides = array<i32>} : memref<3x128x128xf32, #tpu.memory_space<vmem>>, vector<16xf32>,
      %get3A_1809 = arith.index_cast %select_n3A_471 : i32 to index
      %get3A_1810 = arith.index_cast %add3A_1804 : i32 to index
      %get3A_1811 = arith.constant 0 : index
      %get3A_1812 = tpu.vector_load %arg17[%get3A_1809, %get3A_1810, %get3A_1811] {strides = array<i32>} : memref<3x128x128xf32, #tpu.memory_space<vmem>>, vector<16xf32>,
      %mul3A_1813 = arith.mulf %get3A_1808, %mul3A_236 : vector<16xf32>
      %add3A_1814 = arith.addf %mul3A_1813, %get3A_273 : vector<16xf32>
      %mul3A_1815 = arith.mulf %get3A_1812, %mul3A_292 : vector<16xf32>
      %add3A_1816 = arith.addf %mul3A_1815, %get3A_329 : vector<16xf32>
      %mul3A_1817 = arith.mulf %add3A_1814, %add3A_1816 : vector<16xf32>
      %get3A_1818 = arith.index_cast %select_n3A_471 : i32 to index
      %get3A_1819 = arith.index_cast %add3A_1804 : i32 to index
      %get3A_1820 = arith.constant 16 : index
      %get3A_1821 = tpu.vector_load %arg16[%get3A_1818, %get3A_1819, %get3A_1820] {strides = array<i32>} : memref<3x128x128xf32, #tpu.memory_space<vmem>>, vector<16xf32>,
      %get3A_1822 = arith.index_cast %select_n3A_471 : i32 to index
      %get3A_1823 = arith.index_cast %add3A_1804 : i32 to index
      %get3A_1824 = arith.constant 16 : index
      %get3A_1825 = tpu.vector_load %arg17[%get3A_1822, %get3A_1823, %get3A_1824] {strides = array<i32>} : memref<3x128x128xf32, #tpu.memory_space<vmem>>, vector<16xf32>,
      %mul3A_1826 = arith.mulf %get3A_1821, %mul3A_241 : vector<16xf32>
      %add3A_1827 = arith.addf %mul3A_1826, %get3A_275 : vector<16xf32>
      %mul3A_1828 = arith.mulf %get3A_1825, %mul3A_297 : vector<16xf32>
      %add3A_1829 = arith.addf %mul3A_1828, %get3A_331 : vector<16xf32>
      %mul3A_1830 = arith.mulf %add3A_1827, %add3A_1829 : vector<16xf32>
      %get3A_1831 = arith.index_cast %select_n3A_471 : i32 to index
      %get3A_1832 = arith.index_cast %add3A_1804 : i32 to index
      %get3A_1833 = arith.constant 32 : index
      %get3A_1834 = tpu.vector_load %arg16[%get3A_1831, %get3A_1832, %get3A_1833] {strides = array<i32>} : memref<3x128x128xf32, #tpu.memory_space<vmem>>, vector<16xf32>,
      %get3A_1835 = arith.index_cast %select_n3A_471 : i32 to index
      %get3A_1836 = arith.index_cast %add3A_1804 : i32 to index
      %get3A_1837 = arith.constant 32 : index
      %get3A_1838 = tpu.vector_load %arg17[%get3A_1835, %get3A_1836, %get3A_1837] {strides = array<i32>} : memref<3x128x128xf32, #tpu.memory_space<vmem>>, vector<16xf32>,
      %mul3A_1839 = arith.mulf %get3A_1834, %mul3A_246 : vector<16xf32>
      %add3A_1840 = arith.addf %mul3A_1839, %get3A_277 : vector<16xf32>
      %mul3A_1841 = arith.mulf %get3A_1838, %mul3A_302 : vector<16xf32>
      %add3A_1842 = arith.addf %mul3A_1841, %get3A_333 : vector<16xf32>
      %mul3A_1843 = arith.mulf %add3A_1840, %add3A_1842 : vector<16xf32>
      %get3A_1844 = arith.index_cast %select_n3A_471 : i32 to index
      %get3A_1845 = arith.index_cast %add3A_1804 : i32 to index
      %get3A_1846 = arith.constant 48 : index
      %get3A_1847 = tpu.vector_load %arg16[%get3A_1844, %get3A_1845, %get3A_1846] {strides = array<i32>} : memref<3x128x128xf32, #tpu.memory_space<vmem>>, vector<16xf32>,
      %get3A_1848 = arith.index_cast %select_n3A_471 : i32 to index
      %get3A_1849 = arith.index_cast %add3A_1804 : i32 to index
      %get3A_1850 = arith.constant 48 : index
      %get3A_1851 = tpu.vector_load %arg17[%get3A_1848, %get3A_1849, %get3A_1850] {strides = array<i32>} : memref<3x128x128xf32, #tpu.memory_space<vmem>>, vector<16xf32>,
      %mul3A_1852 = arith.mulf %get3A_1847, %mul3A_251 : vector<16xf32>
      %add3A_1853 = arith.addf %mul3A_1852, %get3A_279 : vector<16xf32>
      %mul3A_1854 = arith.mulf %get3A_1851, %mul3A_307 : vector<16xf32>
      %add3A_1855 = arith.addf %mul3A_1854, %get3A_335 : vector<16xf32>
      %mul3A_1856 = arith.mulf %add3A_1853, %add3A_1855 : vector<16xf32>
      %get3A_1857 = arith.index_cast %select_n3A_471 : i32 to index
      %get3A_1858 = arith.index_cast %add3A_1804 : i32 to index
      %get3A_1859 = arith.constant 64 : index
      %get3A_1860 = tpu.vector_load %arg16[%get3A_1857, %get3A_1858, %get3A_1859] {strides = array<i32>} : memref<3x128x128xf32, #tpu.memory_space<vmem>>, vector<16xf32>,
      %get3A_1861 = arith.index_cast %select_n3A_471 : i32 to index
      %get3A_1862 = arith.index_cast %add3A_1804 : i32 to index
      %get3A_1863 = arith.constant 64 : index
      %get3A_1864 = tpu.vector_load %arg17[%get3A_1861, %get3A_1862, %get3A_1863] {strides = array<i32>} : memref<3x128x128xf32, #tpu.memory_space<vmem>>, vector<16xf32>,
      %mul3A_1865 = arith.mulf %get3A_1860, %mul3A_256 : vector<16xf32>
      %add3A_1866 = arith.addf %mul3A_1865, %get3A_281 : vector<16xf32>
      %mul3A_1867 = arith.mulf %get3A_1864, %mul3A_312 : vector<16xf32>
      %add3A_1868 = arith.addf %mul3A_1867, %get3A_337 : vector<16xf32>
      %mul3A_1869 = arith.mulf %add3A_1866, %add3A_1868 : vector<16xf32>
      %get3A_1870 = arith.index_cast %select_n3A_471 : i32 to index
      %get3A_1871 = arith.index_cast %add3A_1804 : i32 to index
      %get3A_1872 = arith.constant 80 : index
      %get3A_1873 = tpu.vector_load %arg16[%get3A_1870, %get3A_1871, %get3A_1872] {strides = array<i32>} : memref<3x128x128xf32, #tpu.memory_space<vmem>>, vector<16xf32>,
      %get3A_1874 = arith.index_cast %select_n3A_471 : i32 to index
      %get3A_1875 = arith.index_cast %add3A_1804 : i32 to index
      %get3A_1876 = arith.constant 80 : index
      %get3A_1877 = tpu.vector_load %arg17[%get3A_1874, %get3A_1875, %get3A_1876] {strides = array<i32>} : memref<3x128x128xf32, #tpu.memory_space<vmem>>, vector<16xf32>,
      %mul3A_1878 = arith.mulf %get3A_1873, %mul3A_261 : vector<16xf32>
      %add3A_1879 = arith.addf %mul3A_1878, %get3A_283 : vector<16xf32>
      %mul3A_1880 = arith.mulf %get3A_1877, %mul3A_317 : vector<16xf32>
      %add3A_1881 = arith.addf %mul3A_1880, %get3A_339 : vector<16xf32>
      %mul3A_1882 = arith.mulf %add3A_1879, %add3A_1881 : vector<16xf32>
      %get3A_1883 = arith.index_cast %select_n3A_471 : i32 to index
      %get3A_1884 = arith.index_cast %add3A_1804 : i32 to index
      %get3A_1885 = arith.constant 96 : index
      %get3A_1886 = tpu.vector_load %arg16[%get3A_1883, %get3A_1884, %get3A_1885] {strides = array<i32>} : memref<3x128x128xf32, #tpu.memory_space<vmem>>, vector<16xf32>,
      %get3A_1887 = arith.index_cast %select_n3A_471 : i32 to index
      %get3A_1888 = arith.index_cast %add3A_1804 : i32 to index
      %get3A_1889 = arith.constant 96 : index
      %get3A_1890 = tpu.vector_load %arg17[%get3A_1887, %get3A_1888, %get3A_1889] {strides = array<i32>} : memref<3x128x128xf32, #tpu.memory_space<vmem>>, vector<16xf32>,
      %mul3A_1891 = arith.mulf %get3A_1886, %mul3A_266 : vector<16xf32>
      %add3A_1892 = arith.addf %mul3A_1891, %get3A_285 : vector<16xf32>
      %mul3A_1893 = arith.mulf %get3A_1890, %mul3A_322 : vector<16xf32>
      %add3A_1894 = arith.addf %mul3A_1893, %get3A_341 : vector<16xf32>
      %mul3A_1895 = arith.mulf %add3A_1892, %add3A_1894 : vector<16xf32>
      %get3A_1896 = arith.index_cast %select_n3A_471 : i32 to index
      %get3A_1897 = arith.index_cast %add3A_1804 : i32 to index
      %get3A_1898 = arith.constant 112 : index
      %get3A_1899 = tpu.vector_load %arg16[%get3A_1896, %get3A_1897, %get3A_1898] {strides = array<i32>} : memref<3x128x128xf32, #tpu.memory_space<vmem>>, vector<16xf32>,
      %get3A_1900 = arith.index_cast %select_n3A_471 : i32 to index
      %get3A_1901 = arith.index_cast %add3A_1804 : i32 to index
      %get3A_1902 = arith.constant 112 : index
      %get3A_1903 = tpu.vector_load %arg17[%get3A_1900, %get3A_1901, %get3A_1902] {strides = array<i32>} : memref<3x128x128xf32, #tpu.memory_space<vmem>>, vector<16xf32>,
      %mul3A_1904 = arith.mulf %get3A_1899, %mul3A_271 : vector<16xf32>
      %add3A_1905 = arith.addf %mul3A_1904, %get3A_287 : vector<16xf32>
      %mul3A_1906 = arith.mulf %get3A_1903, %mul3A_327 : vector<16xf32>
      %add3A_1907 = arith.addf %mul3A_1906, %get3A_343 : vector<16xf32>
      %mul3A_1908 = arith.mulf %add3A_1905, %add3A_1907 : vector<16xf32>
      %add3A_1909 = arith.addf %mul3A_1817, %mul3A_1830 : vector<16xf32>
      %add3A_1910 = arith.addf %mul3A_1843, %mul3A_1856 : vector<16xf32>
      %add3A_1911 = arith.addf %mul3A_1869, %mul3A_1882 : vector<16xf32>
      %add3A_1912 = arith.addf %mul3A_1895, %mul3A_1908 : vector<16xf32>
      %add3A_1913 = arith.addf %add3A_1909, %add3A_1910 : vector<16xf32>
      %add3A_1914 = arith.addf %add3A_1911, %add3A_1912 : vector<16xf32>
      %add3A_1915 = arith.addf %add3A_1913, %add3A_1914 : vector<16xf32>
      %broadcast_in_dim3A_1916 = vector.shape_cast %and3A_348 : vector<16xi32> to vector<16x1xi32>
      %gather3A_1917 = vector.shape_cast %broadcast_in_dim3A_1916 : vector<16x1xi32> to vector<16xi32>
      %gather3A_1918 = tpu.dynamic_gather %add3A_1802[%gather3A_1917] in [0] : vector<16xf32>, vector<16xi32> -> vector<16xf32>
      %add3A_1919 = arith.addf %add3A_1802, %gather3A_1918 : vector<16xf32>
      %broadcast_in_dim3A_1920 = vector.shape_cast %and3A_371 : vector<16xi32> to vector<16x1xi32>
      %gather3A_1921 = vector.shape_cast %broadcast_in_dim3A_1920 : vector<16x1xi32> to vector<16xi32>
      %gather3A_1922 = tpu.dynamic_gather %add3A_1915[%gather3A_1921] in [0] : vector<16xf32>, vector<16xi32> -> vector<16xf32>
      %add3A_1923 = arith.addf %add3A_1915, %gather3A_1922 : vector<16xf32>
      %select_n3A_1924 = arith.select %lt3A_394, %add3A_1919, %add3A_1923 : vector<16xi1>, vector<16xf32>
      %broadcast_in_dim3A_1925 = vector.shape_cast %and3A_354 : vector<16xi32> to vector<16x1xi32>
      %gather3A_1926 = vector.shape_cast %broadcast_in_dim3A_1925 : vector<16x1xi32> to vector<16xi32>
      %gather3A_1927 = tpu.dynamic_gather %select_n3A_1689[%gather3A_1926] in [0] : vector<16xf32>, vector<16xi32> -> vector<16xf32>
      %add3A_1928 = arith.addf %select_n3A_1689, %gather3A_1927 : vector<16xf32>
      %broadcast_in_dim3A_1929 = vector.shape_cast %and3A_377 : vector<16xi32> to vector<16x1xi32>
      %gather3A_1930 = vector.shape_cast %broadcast_in_dim3A_1929 : vector<16x1xi32> to vector<16xi32>
      %gather3A_1931 = tpu.dynamic_gather %select_n3A_1924[%gather3A_1930] in [0] : vector<16xf32>, vector<16xi32> -> vector<16xf32>
      %add3A_1932 = arith.addf %select_n3A_1924, %gather3A_1931 : vector<16xf32>
      %select_n3A_1933 = arith.select %lt3A_400, %add3A_1928, %add3A_1932 : vector<16xi1>, vector<16xf32>
      %add3A_1934 = arith.constant 12 : i32
      %add3A_1935 = arith.addi %mul3A_489, %add3A_1934 : i32
      %get3A_1936 = arith.index_cast %select_n3A_471 : i32 to index
      %get3A_1937 = arith.index_cast %add3A_1935 : i32 to index
      %get3A_1938 = arith.constant 0 : index
      %get3A_1939 = tpu.vector_load %arg16[%get3A_1936, %get3A_1937, %get3A_1938] {strides = array<i32>} : memref<3x128x128xf32, #tpu.memory_space<vmem>>, vector<16xf32>,
      %get3A_1940 = arith.index_cast %select_n3A_471 : i32 to index
      %get3A_1941 = arith.index_cast %add3A_1935 : i32 to index
      %get3A_1942 = arith.constant 0 : index
      %get3A_1943 = tpu.vector_load %arg17[%get3A_1940, %get3A_1941, %get3A_1942] {strides = array<i32>} : memref<3x128x128xf32, #tpu.memory_space<vmem>>, vector<16xf32>,
      %mul3A_1944 = arith.mulf %get3A_1939, %mul3A_236 : vector<16xf32>
      %add3A_1945 = arith.addf %mul3A_1944, %get3A_273 : vector<16xf32>
      %mul3A_1946 = arith.mulf %get3A_1943, %mul3A_292 : vector<16xf32>
      %add3A_1947 = arith.addf %mul3A_1946, %get3A_329 : vector<16xf32>
      %mul3A_1948 = arith.mulf %add3A_1945, %add3A_1947 : vector<16xf32>
      %get3A_1949 = arith.index_cast %select_n3A_471 : i32 to index
      %get3A_1950 = arith.index_cast %add3A_1935 : i32 to index
      %get3A_1951 = arith.constant 16 : index
      %get3A_1952 = tpu.vector_load %arg16[%get3A_1949, %get3A_1950, %get3A_1951] {strides = array<i32>} : memref<3x128x128xf32, #tpu.memory_space<vmem>>, vector<16xf32>,
      %get3A_1953 = arith.index_cast %select_n3A_471 : i32 to index
      %get3A_1954 = arith.index_cast %add3A_1935 : i32 to index
      %get3A_1955 = arith.constant 16 : index
      %get3A_1956 = tpu.vector_load %arg17[%get3A_1953, %get3A_1954, %get3A_1955] {strides = array<i32>} : memref<3x128x128xf32, #tpu.memory_space<vmem>>, vector<16xf32>,
      %mul3A_1957 = arith.mulf %get3A_1952, %mul3A_241 : vector<16xf32>
      %add3A_1958 = arith.addf %mul3A_1957, %get3A_275 : vector<16xf32>
      %mul3A_1959 = arith.mulf %get3A_1956, %mul3A_297 : vector<16xf32>
      %add3A_1960 = arith.addf %mul3A_1959, %get3A_331 : vector<16xf32>
      %mul3A_1961 = arith.mulf %add3A_1958, %add3A_1960 : vector<16xf32>
      %get3A_1962 = arith.index_cast %select_n3A_471 : i32 to index
      %get3A_1963 = arith.index_cast %add3A_1935 : i32 to index
      %get3A_1964 = arith.constant 32 : index
      %get3A_1965 = tpu.vector_load %arg16[%get3A_1962, %get3A_1963, %get3A_1964] {strides = array<i32>} : memref<3x128x128xf32, #tpu.memory_space<vmem>>, vector<16xf32>,
      %get3A_1966 = arith.index_cast %select_n3A_471 : i32 to index
      %get3A_1967 = arith.index_cast %add3A_1935 : i32 to index
      %get3A_1968 = arith.constant 32 : index
      %get3A_1969 = tpu.vector_load %arg17[%get3A_1966, %get3A_1967, %get3A_1968] {strides = array<i32>} : memref<3x128x128xf32, #tpu.memory_space<vmem>>, vector<16xf32>,
      %mul3A_1970 = arith.mulf %get3A_1965, %mul3A_246 : vector<16xf32>
      %add3A_1971 = arith.addf %mul3A_1970, %get3A_277 : vector<16xf32>
      %mul3A_1972 = arith.mulf %get3A_1969, %mul3A_302 : vector<16xf32>
      %add3A_1973 = arith.addf %mul3A_1972, %get3A_333 : vector<16xf32>
      %mul3A_1974 = arith.mulf %add3A_1971, %add3A_1973 : vector<16xf32>
      %get3A_1975 = arith.index_cast %select_n3A_471 : i32 to index
      %get3A_1976 = arith.index_cast %add3A_1935 : i32 to index
      %get3A_1977 = arith.constant 48 : index
      %get3A_1978 = tpu.vector_load %arg16[%get3A_1975, %get3A_1976, %get3A_1977] {strides = array<i32>} : memref<3x128x128xf32, #tpu.memory_space<vmem>>, vector<16xf32>,
      %get3A_1979 = arith.index_cast %select_n3A_471 : i32 to index
      %get3A_1980 = arith.index_cast %add3A_1935 : i32 to index
      %get3A_1981 = arith.constant 48 : index
      %get3A_1982 = tpu.vector_load %arg17[%get3A_1979, %get3A_1980, %get3A_1981] {strides = array<i32>} : memref<3x128x128xf32, #tpu.memory_space<vmem>>, vector<16xf32>,
      %mul3A_1983 = arith.mulf %get3A_1978, %mul3A_251 : vector<16xf32>
      %add3A_1984 = arith.addf %mul3A_1983, %get3A_279 : vector<16xf32>
      %mul3A_1985 = arith.mulf %get3A_1982, %mul3A_307 : vector<16xf32>
      %add3A_1986 = arith.addf %mul3A_1985, %get3A_335 : vector<16xf32>
      %mul3A_1987 = arith.mulf %add3A_1984, %add3A_1986 : vector<16xf32>
      %get3A_1988 = arith.index_cast %select_n3A_471 : i32 to index
      %get3A_1989 = arith.index_cast %add3A_1935 : i32 to index
      %get3A_1990 = arith.constant 64 : index
      %get3A_1991 = tpu.vector_load %arg16[%get3A_1988, %get3A_1989, %get3A_1990] {strides = array<i32>} : memref<3x128x128xf32, #tpu.memory_space<vmem>>, vector<16xf32>,
      %get3A_1992 = arith.index_cast %select_n3A_471 : i32 to index
      %get3A_1993 = arith.index_cast %add3A_1935 : i32 to index
      %get3A_1994 = arith.constant 64 : index
      %get3A_1995 = tpu.vector_load %arg17[%get3A_1992, %get3A_1993, %get3A_1994] {strides = array<i32>} : memref<3x128x128xf32, #tpu.memory_space<vmem>>, vector<16xf32>,
      %mul3A_1996 = arith.mulf %get3A_1991, %mul3A_256 : vector<16xf32>
      %add3A_1997 = arith.addf %mul3A_1996, %get3A_281 : vector<16xf32>
      %mul3A_1998 = arith.mulf %get3A_1995, %mul3A_312 : vector<16xf32>
      %add3A_1999 = arith.addf %mul3A_1998, %get3A_337 : vector<16xf32>
      %mul3A_2000 = arith.mulf %add3A_1997, %add3A_1999 : vector<16xf32>
      %get3A_2001 = arith.index_cast %select_n3A_471 : i32 to index
      %get3A_2002 = arith.index_cast %add3A_1935 : i32 to index
      %get3A_2003 = arith.constant 80 : index
      %get3A_2004 = tpu.vector_load %arg16[%get3A_2001, %get3A_2002, %get3A_2003] {strides = array<i32>} : memref<3x128x128xf32, #tpu.memory_space<vmem>>, vector<16xf32>,
      %get3A_2005 = arith.index_cast %select_n3A_471 : i32 to index
      %get3A_2006 = arith.index_cast %add3A_1935 : i32 to index
      %get3A_2007 = arith.constant 80 : index
      %get3A_2008 = tpu.vector_load %arg17[%get3A_2005, %get3A_2006, %get3A_2007] {strides = array<i32>} : memref<3x128x128xf32, #tpu.memory_space<vmem>>, vector<16xf32>,
      %mul3A_2009 = arith.mulf %get3A_2004, %mul3A_261 : vector<16xf32>
      %add3A_2010 = arith.addf %mul3A_2009, %get3A_283 : vector<16xf32>
      %mul3A_2011 = arith.mulf %get3A_2008, %mul3A_317 : vector<16xf32>
      %add3A_2012 = arith.addf %mul3A_2011, %get3A_339 : vector<16xf32>
      %mul3A_2013 = arith.mulf %add3A_2010, %add3A_2012 : vector<16xf32>
      %get3A_2014 = arith.index_cast %select_n3A_471 : i32 to index
      %get3A_2015 = arith.index_cast %add3A_1935 : i32 to index
      %get3A_2016 = arith.constant 96 : index
      %get3A_2017 = tpu.vector_load %arg16[%get3A_2014, %get3A_2015, %get3A_2016] {strides = array<i32>} : memref<3x128x128xf32, #tpu.memory_space<vmem>>, vector<16xf32>,
      %get3A_2018 = arith.index_cast %select_n3A_471 : i32 to index
      %get3A_2019 = arith.index_cast %add3A_1935 : i32 to index
      %get3A_2020 = arith.constant 96 : index
      %get3A_2021 = tpu.vector_load %arg17[%get3A_2018, %get3A_2019, %get3A_2020] {strides = array<i32>} : memref<3x128x128xf32, #tpu.memory_space<vmem>>, vector<16xf32>,
      %mul3A_2022 = arith.mulf %get3A_2017, %mul3A_266 : vector<16xf32>
      %add3A_2023 = arith.addf %mul3A_2022, %get3A_285 : vector<16xf32>
      %mul3A_2024 = arith.mulf %get3A_2021, %mul3A_322 : vector<16xf32>
      %add3A_2025 = arith.addf %mul3A_2024, %get3A_341 : vector<16xf32>
      %mul3A_2026 = arith.mulf %add3A_2023, %add3A_2025 : vector<16xf32>
      %get3A_2027 = arith.index_cast %select_n3A_471 : i32 to index
      %get3A_2028 = arith.index_cast %add3A_1935 : i32 to index
      %get3A_2029 = arith.constant 112 : index
      %get3A_2030 = tpu.vector_load %arg16[%get3A_2027, %get3A_2028, %get3A_2029] {strides = array<i32>} : memref<3x128x128xf32, #tpu.memory_space<vmem>>, vector<16xf32>,
      %get3A_2031 = arith.index_cast %select_n3A_471 : i32 to index
      %get3A_2032 = arith.index_cast %add3A_1935 : i32 to index
      %get3A_2033 = arith.constant 112 : index
      %get3A_2034 = tpu.vector_load %arg17[%get3A_2031, %get3A_2032, %get3A_2033] {strides = array<i32>} : memref<3x128x128xf32, #tpu.memory_space<vmem>>, vector<16xf32>,
      %mul3A_2035 = arith.mulf %get3A_2030, %mul3A_271 : vector<16xf32>
      %add3A_2036 = arith.addf %mul3A_2035, %get3A_287 : vector<16xf32>
      %mul3A_2037 = arith.mulf %get3A_2034, %mul3A_327 : vector<16xf32>
      %add3A_2038 = arith.addf %mul3A_2037, %get3A_343 : vector<16xf32>
      %mul3A_2039 = arith.mulf %add3A_2036, %add3A_2038 : vector<16xf32>
      %add3A_2040 = arith.addf %mul3A_1948, %mul3A_1961 : vector<16xf32>
      %add3A_2041 = arith.addf %mul3A_1974, %mul3A_1987 : vector<16xf32>
      %add3A_2042 = arith.addf %mul3A_2000, %mul3A_2013 : vector<16xf32>
      %add3A_2043 = arith.addf %mul3A_2026, %mul3A_2039 : vector<16xf32>
      %add3A_2044 = arith.addf %add3A_2040, %add3A_2041 : vector<16xf32>
      %add3A_2045 = arith.addf %add3A_2042, %add3A_2043 : vector<16xf32>
      %add3A_2046 = arith.addf %add3A_2044, %add3A_2045 : vector<16xf32>
      %add3A_2047 = arith.constant 13 : i32
      %add3A_2048 = arith.addi %mul3A_489, %add3A_2047 : i32
      %get3A_2049 = arith.index_cast %select_n3A_471 : i32 to index
      %get3A_2050 = arith.index_cast %add3A_2048 : i32 to index
      %get3A_2051 = arith.constant 0 : index
      %get3A_2052 = tpu.vector_load %arg16[%get3A_2049, %get3A_2050, %get3A_2051] {strides = array<i32>} : memref<3x128x128xf32, #tpu.memory_space<vmem>>, vector<16xf32>,
      %get3A_2053 = arith.index_cast %select_n3A_471 : i32 to index
      %get3A_2054 = arith.index_cast %add3A_2048 : i32 to index
      %get3A_2055 = arith.constant 0 : index
      %get3A_2056 = tpu.vector_load %arg17[%get3A_2053, %get3A_2054, %get3A_2055] {strides = array<i32>} : memref<3x128x128xf32, #tpu.memory_space<vmem>>, vector<16xf32>,
      %mul3A_2057 = arith.mulf %get3A_2052, %mul3A_236 : vector<16xf32>
      %add3A_2058 = arith.addf %mul3A_2057, %get3A_273 : vector<16xf32>
      %mul3A_2059 = arith.mulf %get3A_2056, %mul3A_292 : vector<16xf32>
      %add3A_2060 = arith.addf %mul3A_2059, %get3A_329 : vector<16xf32>
      %mul3A_2061 = arith.mulf %add3A_2058, %add3A_2060 : vector<16xf32>
      %get3A_2062 = arith.index_cast %select_n3A_471 : i32 to index
      %get3A_2063 = arith.index_cast %add3A_2048 : i32 to index
      %get3A_2064 = arith.constant 16 : index
      %get3A_2065 = tpu.vector_load %arg16[%get3A_2062, %get3A_2063, %get3A_2064] {strides = array<i32>} : memref<3x128x128xf32, #tpu.memory_space<vmem>>, vector<16xf32>,
      %get3A_2066 = arith.index_cast %select_n3A_471 : i32 to index
      %get3A_2067 = arith.index_cast %add3A_2048 : i32 to index
      %get3A_2068 = arith.constant 16 : index
      %get3A_2069 = tpu.vector_load %arg17[%get3A_2066, %get3A_2067, %get3A_2068] {strides = array<i32>} : memref<3x128x128xf32, #tpu.memory_space<vmem>>, vector<16xf32>,
      %mul3A_2070 = arith.mulf %get3A_2065, %mul3A_241 : vector<16xf32>
      %add3A_2071 = arith.addf %mul3A_2070, %get3A_275 : vector<16xf32>
      %mul3A_2072 = arith.mulf %get3A_2069, %mul3A_297 : vector<16xf32>
      %add3A_2073 = arith.addf %mul3A_2072, %get3A_331 : vector<16xf32>
      %mul3A_2074 = arith.mulf %add3A_2071, %add3A_2073 : vector<16xf32>
      %get3A_2075 = arith.index_cast %select_n3A_471 : i32 to index
      %get3A_2076 = arith.index_cast %add3A_2048 : i32 to index
      %get3A_2077 = arith.constant 32 : index
      %get3A_2078 = tpu.vector_load %arg16[%get3A_2075, %get3A_2076, %get3A_2077] {strides = array<i32>} : memref<3x128x128xf32, #tpu.memory_space<vmem>>, vector<16xf32>,
      %get3A_2079 = arith.index_cast %select_n3A_471 : i32 to index
      %get3A_2080 = arith.index_cast %add3A_2048 : i32 to index
      %get3A_2081 = arith.constant 32 : index
      %get3A_2082 = tpu.vector_load %arg17[%get3A_2079, %get3A_2080, %get3A_2081] {strides = array<i32>} : memref<3x128x128xf32, #tpu.memory_space<vmem>>, vector<16xf32>,
      %mul3A_2083 = arith.mulf %get3A_2078, %mul3A_246 : vector<16xf32>
      %add3A_2084 = arith.addf %mul3A_2083, %get3A_277 : vector<16xf32>
      %mul3A_2085 = arith.mulf %get3A_2082, %mul3A_302 : vector<16xf32>
      %add3A_2086 = arith.addf %mul3A_2085, %get3A_333 : vector<16xf32>
      %mul3A_2087 = arith.mulf %add3A_2084, %add3A_2086 : vector<16xf32>
      %get3A_2088 = arith.index_cast %select_n3A_471 : i32 to index
      %get3A_2089 = arith.index_cast %add3A_2048 : i32 to index
      %get3A_2090 = arith.constant 48 : index
      %get3A_2091 = tpu.vector_load %arg16[%get3A_2088, %get3A_2089, %get3A_2090] {strides = array<i32>} : memref<3x128x128xf32, #tpu.memory_space<vmem>>, vector<16xf32>,
      %get3A_2092 = arith.index_cast %select_n3A_471 : i32 to index
      %get3A_2093 = arith.index_cast %add3A_2048 : i32 to index
      %get3A_2094 = arith.constant 48 : index
      %get3A_2095 = tpu.vector_load %arg17[%get3A_2092, %get3A_2093, %get3A_2094] {strides = array<i32>} : memref<3x128x128xf32, #tpu.memory_space<vmem>>, vector<16xf32>,
      %mul3A_2096 = arith.mulf %get3A_2091, %mul3A_251 : vector<16xf32>
      %add3A_2097 = arith.addf %mul3A_2096, %get3A_279 : vector<16xf32>
      %mul3A_2098 = arith.mulf %get3A_2095, %mul3A_307 : vector<16xf32>
      %add3A_2099 = arith.addf %mul3A_2098, %get3A_335 : vector<16xf32>
      %mul3A_2100 = arith.mulf %add3A_2097, %add3A_2099 : vector<16xf32>
      %get3A_2101 = arith.index_cast %select_n3A_471 : i32 to index
      %get3A_2102 = arith.index_cast %add3A_2048 : i32 to index
      %get3A_2103 = arith.constant 64 : index
      %get3A_2104 = tpu.vector_load %arg16[%get3A_2101, %get3A_2102, %get3A_2103] {strides = array<i32>} : memref<3x128x128xf32, #tpu.memory_space<vmem>>, vector<16xf32>,
      %get3A_2105 = arith.index_cast %select_n3A_471 : i32 to index
      %get3A_2106 = arith.index_cast %add3A_2048 : i32 to index
      %get3A_2107 = arith.constant 64 : index
      %get3A_2108 = tpu.vector_load %arg17[%get3A_2105, %get3A_2106, %get3A_2107] {strides = array<i32>} : memref<3x128x128xf32, #tpu.memory_space<vmem>>, vector<16xf32>,
      %mul3A_2109 = arith.mulf %get3A_2104, %mul3A_256 : vector<16xf32>
      %add3A_2110 = arith.addf %mul3A_2109, %get3A_281 : vector<16xf32>
      %mul3A_2111 = arith.mulf %get3A_2108, %mul3A_312 : vector<16xf32>
      %add3A_2112 = arith.addf %mul3A_2111, %get3A_337 : vector<16xf32>
      %mul3A_2113 = arith.mulf %add3A_2110, %add3A_2112 : vector<16xf32>
      %get3A_2114 = arith.index_cast %select_n3A_471 : i32 to index
      %get3A_2115 = arith.index_cast %add3A_2048 : i32 to index
      %get3A_2116 = arith.constant 80 : index
      %get3A_2117 = tpu.vector_load %arg16[%get3A_2114, %get3A_2115, %get3A_2116] {strides = array<i32>} : memref<3x128x128xf32, #tpu.memory_space<vmem>>, vector<16xf32>,
      %get3A_2118 = arith.index_cast %select_n3A_471 : i32 to index
      %get3A_2119 = arith.index_cast %add3A_2048 : i32 to index
      %get3A_2120 = arith.constant 80 : index
      %get3A_2121 = tpu.vector_load %arg17[%get3A_2118, %get3A_2119, %get3A_2120] {strides = array<i32>} : memref<3x128x128xf32, #tpu.memory_space<vmem>>, vector<16xf32>,
      %mul3A_2122 = arith.mulf %get3A_2117, %mul3A_261 : vector<16xf32>
      %add3A_2123 = arith.addf %mul3A_2122, %get3A_283 : vector<16xf32>
      %mul3A_2124 = arith.mulf %get3A_2121, %mul3A_317 : vector<16xf32>
      %add3A_2125 = arith.addf %mul3A_2124, %get3A_339 : vector<16xf32>
      %mul3A_2126 = arith.mulf %add3A_2123, %add3A_2125 : vector<16xf32>
      %get3A_2127 = arith.index_cast %select_n3A_471 : i32 to index
      %get3A_2128 = arith.index_cast %add3A_2048 : i32 to index
      %get3A_2129 = arith.constant 96 : index
      %get3A_2130 = tpu.vector_load %arg16[%get3A_2127, %get3A_2128, %get3A_2129] {strides = array<i32>} : memref<3x128x128xf32, #tpu.memory_space<vmem>>, vector<16xf32>,
      %get3A_2131 = arith.index_cast %select_n3A_471 : i32 to index
      %get3A_2132 = arith.index_cast %add3A_2048 : i32 to index
      %get3A_2133 = arith.constant 96 : index
      %get3A_2134 = tpu.vector_load %arg17[%get3A_2131, %get3A_2132, %get3A_2133] {strides = array<i32>} : memref<3x128x128xf32, #tpu.memory_space<vmem>>, vector<16xf32>,
      %mul3A_2135 = arith.mulf %get3A_2130, %mul3A_266 : vector<16xf32>
      %add3A_2136 = arith.addf %mul3A_2135, %get3A_285 : vector<16xf32>
      %mul3A_2137 = arith.mulf %get3A_2134, %mul3A_322 : vector<16xf32>
      %add3A_2138 = arith.addf %mul3A_2137, %get3A_341 : vector<16xf32>
      %mul3A_2139 = arith.mulf %add3A_2136, %add3A_2138 : vector<16xf32>
      %get3A_2140 = arith.index_cast %select_n3A_471 : i32 to index
      %get3A_2141 = arith.index_cast %add3A_2048 : i32 to index
      %get3A_2142 = arith.constant 112 : index
      %get3A_2143 = tpu.vector_load %arg16[%get3A_2140, %get3A_2141, %get3A_2142] {strides = array<i32>} : memref<3x128x128xf32, #tpu.memory_space<vmem>>, vector<16xf32>,
      %get3A_2144 = arith.index_cast %select_n3A_471 : i32 to index
      %get3A_2145 = arith.index_cast %add3A_2048 : i32 to index
      %get3A_2146 = arith.constant 112 : index
      %get3A_2147 = tpu.vector_load %arg17[%get3A_2144, %get3A_2145, %get3A_2146] {strides = array<i32>} : memref<3x128x128xf32, #tpu.memory_space<vmem>>, vector<16xf32>,
      %mul3A_2148 = arith.mulf %get3A_2143, %mul3A_271 : vector<16xf32>
      %add3A_2149 = arith.addf %mul3A_2148, %get3A_287 : vector<16xf32>
      %mul3A_2150 = arith.mulf %get3A_2147, %mul3A_327 : vector<16xf32>
      %add3A_2151 = arith.addf %mul3A_2150, %get3A_343 : vector<16xf32>
      %mul3A_2152 = arith.mulf %add3A_2149, %add3A_2151 : vector<16xf32>
      %add3A_2153 = arith.addf %mul3A_2061, %mul3A_2074 : vector<16xf32>
      %add3A_2154 = arith.addf %mul3A_2087, %mul3A_2100 : vector<16xf32>
      %add3A_2155 = arith.addf %mul3A_2113, %mul3A_2126 : vector<16xf32>
      %add3A_2156 = arith.addf %mul3A_2139, %mul3A_2152 : vector<16xf32>
      %add3A_2157 = arith.addf %add3A_2153, %add3A_2154 : vector<16xf32>
      %add3A_2158 = arith.addf %add3A_2155, %add3A_2156 : vector<16xf32>
      %add3A_2159 = arith.addf %add3A_2157, %add3A_2158 : vector<16xf32>
      %broadcast_in_dim3A_2160 = vector.shape_cast %and3A_348 : vector<16xi32> to vector<16x1xi32>
      %gather3A_2161 = vector.shape_cast %broadcast_in_dim3A_2160 : vector<16x1xi32> to vector<16xi32>
      %gather3A_2162 = tpu.dynamic_gather %add3A_2046[%gather3A_2161] in [0] : vector<16xf32>, vector<16xi32> -> vector<16xf32>
      %add3A_2163 = arith.addf %add3A_2046, %gather3A_2162 : vector<16xf32>
      %broadcast_in_dim3A_2164 = vector.shape_cast %and3A_371 : vector<16xi32> to vector<16x1xi32>
      %gather3A_2165 = vector.shape_cast %broadcast_in_dim3A_2164 : vector<16x1xi32> to vector<16xi32>
      %gather3A_2166 = tpu.dynamic_gather %add3A_2159[%gather3A_2165] in [0] : vector<16xf32>, vector<16xi32> -> vector<16xf32>
      %add3A_2167 = arith.addf %add3A_2159, %gather3A_2166 : vector<16xf32>
      %select_n3A_2168 = arith.select %lt3A_394, %add3A_2163, %add3A_2167 : vector<16xi1>, vector<16xf32>
      %add3A_2169 = arith.constant 14 : i32
      %add3A_2170 = arith.addi %mul3A_489, %add3A_2169 : i32
      %get3A_2171 = arith.index_cast %select_n3A_471 : i32 to index
      %get3A_2172 = arith.index_cast %add3A_2170 : i32 to index
      %get3A_2173 = arith.constant 0 : index
      %get3A_2174 = tpu.vector_load %arg16[%get3A_2171, %get3A_2172, %get3A_2173] {strides = array<i32>} : memref<3x128x128xf32, #tpu.memory_space<vmem>>, vector<16xf32>,
      %get3A_2175 = arith.index_cast %select_n3A_471 : i32 to index
      %get3A_2176 = arith.index_cast %add3A_2170 : i32 to index
      %get3A_2177 = arith.constant 0 : index
      %get3A_2178 = tpu.vector_load %arg17[%get3A_2175, %get3A_2176, %get3A_2177] {strides = array<i32>} : memref<3x128x128xf32, #tpu.memory_space<vmem>>, vector<16xf32>,
      %mul3A_2179 = arith.mulf %get3A_2174, %mul3A_236 : vector<16xf32>
      %add3A_2180 = arith.addf %mul3A_2179, %get3A_273 : vector<16xf32>
      %mul3A_2181 = arith.mulf %get3A_2178, %mul3A_292 : vector<16xf32>
      %add3A_2182 = arith.addf %mul3A_2181, %get3A_329 : vector<16xf32>
      %mul3A_2183 = arith.mulf %add3A_2180, %add3A_2182 : vector<16xf32>
      %get3A_2184 = arith.index_cast %select_n3A_471 : i32 to index
      %get3A_2185 = arith.index_cast %add3A_2170 : i32 to index
      %get3A_2186 = arith.constant 16 : index
      %get3A_2187 = tpu.vector_load %arg16[%get3A_2184, %get3A_2185, %get3A_2186] {strides = array<i32>} : memref<3x128x128xf32, #tpu.memory_space<vmem>>, vector<16xf32>,
      %get3A_2188 = arith.index_cast %select_n3A_471 : i32 to index
      %get3A_2189 = arith.index_cast %add3A_2170 : i32 to index
      %get3A_2190 = arith.constant 16 : index
      %get3A_2191 = tpu.vector_load %arg17[%get3A_2188, %get3A_2189, %get3A_2190] {strides = array<i32>} : memref<3x128x128xf32, #tpu.memory_space<vmem>>, vector<16xf32>,
      %mul3A_2192 = arith.mulf %get3A_2187, %mul3A_241 : vector<16xf32>
      %add3A_2193 = arith.addf %mul3A_2192, %get3A_275 : vector<16xf32>
      %mul3A_2194 = arith.mulf %get3A_2191, %mul3A_297 : vector<16xf32>
      %add3A_2195 = arith.addf %mul3A_2194, %get3A_331 : vector<16xf32>
      %mul3A_2196 = arith.mulf %add3A_2193, %add3A_2195 : vector<16xf32>
      %get3A_2197 = arith.index_cast %select_n3A_471 : i32 to index
      %get3A_2198 = arith.index_cast %add3A_2170 : i32 to index
      %get3A_2199 = arith.constant 32 : index
      %get3A_2200 = tpu.vector_load %arg16[%get3A_2197, %get3A_2198, %get3A_2199] {strides = array<i32>} : memref<3x128x128xf32, #tpu.memory_space<vmem>>, vector<16xf32>,
      %get3A_2201 = arith.index_cast %select_n3A_471 : i32 to index
      %get3A_2202 = arith.index_cast %add3A_2170 : i32 to index
      %get3A_2203 = arith.constant 32 : index
      %get3A_2204 = tpu.vector_load %arg17[%get3A_2201, %get3A_2202, %get3A_2203] {strides = array<i32>} : memref<3x128x128xf32, #tpu.memory_space<vmem>>, vector<16xf32>,
      %mul3A_2205 = arith.mulf %get3A_2200, %mul3A_246 : vector<16xf32>
      %add3A_2206 = arith.addf %mul3A_2205, %get3A_277 : vector<16xf32>
      %mul3A_2207 = arith.mulf %get3A_2204, %mul3A_302 : vector<16xf32>
      %add3A_2208 = arith.addf %mul3A_2207, %get3A_333 : vector<16xf32>
      %mul3A_2209 = arith.mulf %add3A_2206, %add3A_2208 : vector<16xf32>
      %get3A_2210 = arith.index_cast %select_n3A_471 : i32 to index
      %get3A_2211 = arith.index_cast %add3A_2170 : i32 to index
      %get3A_2212 = arith.constant 48 : index
      %get3A_2213 = tpu.vector_load %arg16[%get3A_2210, %get3A_2211, %get3A_2212] {strides = array<i32>} : memref<3x128x128xf32, #tpu.memory_space<vmem>>, vector<16xf32>,
      %get3A_2214 = arith.index_cast %select_n3A_471 : i32 to index
      %get3A_2215 = arith.index_cast %add3A_2170 : i32 to index
      %get3A_2216 = arith.constant 48 : index
      %get3A_2217 = tpu.vector_load %arg17[%get3A_2214, %get3A_2215, %get3A_2216] {strides = array<i32>} : memref<3x128x128xf32, #tpu.memory_space<vmem>>, vector<16xf32>,
      %mul3A_2218 = arith.mulf %get3A_2213, %mul3A_251 : vector<16xf32>
      %add3A_2219 = arith.addf %mul3A_2218, %get3A_279 : vector<16xf32>
      %mul3A_2220 = arith.mulf %get3A_2217, %mul3A_307 : vector<16xf32>
      %add3A_2221 = arith.addf %mul3A_2220, %get3A_335 : vector<16xf32>
      %mul3A_2222 = arith.mulf %add3A_2219, %add3A_2221 : vector<16xf32>
      %get3A_2223 = arith.index_cast %select_n3A_471 : i32 to index
      %get3A_2224 = arith.index_cast %add3A_2170 : i32 to index
      %get3A_2225 = arith.constant 64 : index
      %get3A_2226 = tpu.vector_load %arg16[%get3A_2223, %get3A_2224, %get3A_2225] {strides = array<i32>} : memref<3x128x128xf32, #tpu.memory_space<vmem>>, vector<16xf32>,
      %get3A_2227 = arith.index_cast %select_n3A_471 : i32 to index
      %get3A_2228 = arith.index_cast %add3A_2170 : i32 to index
      %get3A_2229 = arith.constant 64 : index
      %get3A_2230 = tpu.vector_load %arg17[%get3A_2227, %get3A_2228, %get3A_2229] {strides = array<i32>} : memref<3x128x128xf32, #tpu.memory_space<vmem>>, vector<16xf32>,
      %mul3A_2231 = arith.mulf %get3A_2226, %mul3A_256 : vector<16xf32>
      %add3A_2232 = arith.addf %mul3A_2231, %get3A_281 : vector<16xf32>
      %mul3A_2233 = arith.mulf %get3A_2230, %mul3A_312 : vector<16xf32>
      %add3A_2234 = arith.addf %mul3A_2233, %get3A_337 : vector<16xf32>
      %mul3A_2235 = arith.mulf %add3A_2232, %add3A_2234 : vector<16xf32>
      %get3A_2236 = arith.index_cast %select_n3A_471 : i32 to index
      %get3A_2237 = arith.index_cast %add3A_2170 : i32 to index
      %get3A_2238 = arith.constant 80 : index
      %get3A_2239 = tpu.vector_load %arg16[%get3A_2236, %get3A_2237, %get3A_2238] {strides = array<i32>} : memref<3x128x128xf32, #tpu.memory_space<vmem>>, vector<16xf32>,
      %get3A_2240 = arith.index_cast %select_n3A_471 : i32 to index
      %get3A_2241 = arith.index_cast %add3A_2170 : i32 to index
      %get3A_2242 = arith.constant 80 : index
      %get3A_2243 = tpu.vector_load %arg17[%get3A_2240, %get3A_2241, %get3A_2242] {strides = array<i32>} : memref<3x128x128xf32, #tpu.memory_space<vmem>>, vector<16xf32>,
      %mul3A_2244 = arith.mulf %get3A_2239, %mul3A_261 : vector<16xf32>
      %add3A_2245 = arith.addf %mul3A_2244, %get3A_283 : vector<16xf32>
      %mul3A_2246 = arith.mulf %get3A_2243, %mul3A_317 : vector<16xf32>
      %add3A_2247 = arith.addf %mul3A_2246, %get3A_339 : vector<16xf32>
      %mul3A_2248 = arith.mulf %add3A_2245, %add3A_2247 : vector<16xf32>
      %get3A_2249 = arith.index_cast %select_n3A_471 : i32 to index
      %get3A_2250 = arith.index_cast %add3A_2170 : i32 to index
      %get3A_2251 = arith.constant 96 : index
      %get3A_2252 = tpu.vector_load %arg16[%get3A_2249, %get3A_2250, %get3A_2251] {strides = array<i32>} : memref<3x128x128xf32, #tpu.memory_space<vmem>>, vector<16xf32>,
      %get3A_2253 = arith.index_cast %select_n3A_471 : i32 to index
      %get3A_2254 = arith.index_cast %add3A_2170 : i32 to index
      %get3A_2255 = arith.constant 96 : index
      %get3A_2256 = tpu.vector_load %arg17[%get3A_2253, %get3A_2254, %get3A_2255] {strides = array<i32>} : memref<3x128x128xf32, #tpu.memory_space<vmem>>, vector<16xf32>,
      %mul3A_2257 = arith.mulf %get3A_2252, %mul3A_266 : vector<16xf32>
      %add3A_2258 = arith.addf %mul3A_2257, %get3A_285 : vector<16xf32>
      %mul3A_2259 = arith.mulf %get3A_2256, %mul3A_322 : vector<16xf32>
      %add3A_2260 = arith.addf %mul3A_2259, %get3A_341 : vector<16xf32>
      %mul3A_2261 = arith.mulf %add3A_2258, %add3A_2260 : vector<16xf32>
      %get3A_2262 = arith.index_cast %select_n3A_471 : i32 to index
      %get3A_2263 = arith.index_cast %add3A_2170 : i32 to index
      %get3A_2264 = arith.constant 112 : index
      %get3A_2265 = tpu.vector_load %arg16[%get3A_2262, %get3A_2263, %get3A_2264] {strides = array<i32>} : memref<3x128x128xf32, #tpu.memory_space<vmem>>, vector<16xf32>,
      %get3A_2266 = arith.index_cast %select_n3A_471 : i32 to index
      %get3A_2267 = arith.index_cast %add3A_2170 : i32 to index
      %get3A_2268 = arith.constant 112 : index
      %get3A_2269 = tpu.vector_load %arg17[%get3A_2266, %get3A_2267, %get3A_2268] {strides = array<i32>} : memref<3x128x128xf32, #tpu.memory_space<vmem>>, vector<16xf32>,
      %mul3A_2270 = arith.mulf %get3A_2265, %mul3A_271 : vector<16xf32>
      %add3A_2271 = arith.addf %mul3A_2270, %get3A_287 : vector<16xf32>
      %mul3A_2272 = arith.mulf %get3A_2269, %mul3A_327 : vector<16xf32>
      %add3A_2273 = arith.addf %mul3A_2272, %get3A_343 : vector<16xf32>
      %mul3A_2274 = arith.mulf %add3A_2271, %add3A_2273 : vector<16xf32>
      %add3A_2275 = arith.addf %mul3A_2183, %mul3A_2196 : vector<16xf32>
      %add3A_2276 = arith.addf %mul3A_2209, %mul3A_2222 : vector<16xf32>
      %add3A_2277 = arith.addf %mul3A_2235, %mul3A_2248 : vector<16xf32>
      %add3A_2278 = arith.addf %mul3A_2261, %mul3A_2274 : vector<16xf32>
      %add3A_2279 = arith.addf %add3A_2275, %add3A_2276 : vector<16xf32>
      %add3A_2280 = arith.addf %add3A_2277, %add3A_2278 : vector<16xf32>
      %add3A_2281 = arith.addf %add3A_2279, %add3A_2280 : vector<16xf32>
      %add3A_2282 = arith.constant 15 : i32
      %add3A_2283 = arith.addi %mul3A_489, %add3A_2282 : i32
      %get3A_2284 = arith.index_cast %select_n3A_471 : i32 to index
      %get3A_2285 = arith.index_cast %add3A_2283 : i32 to index
      %get3A_2286 = arith.constant 0 : index
      %get3A_2287 = tpu.vector_load %arg16[%get3A_2284, %get3A_2285, %get3A_2286] {strides = array<i32>} : memref<3x128x128xf32, #tpu.memory_space<vmem>>, vector<16xf32>,
      %get3A_2288 = arith.index_cast %select_n3A_471 : i32 to index
      %get3A_2289 = arith.index_cast %add3A_2283 : i32 to index
      %get3A_2290 = arith.constant 0 : index
      %get3A_2291 = tpu.vector_load %arg17[%get3A_2288, %get3A_2289, %get3A_2290] {strides = array<i32>} : memref<3x128x128xf32, #tpu.memory_space<vmem>>, vector<16xf32>,
      %mul3A_2292 = arith.mulf %get3A_2287, %mul3A_236 : vector<16xf32>
      %add3A_2293 = arith.addf %mul3A_2292, %get3A_273 : vector<16xf32>
      %mul3A_2294 = arith.mulf %get3A_2291, %mul3A_292 : vector<16xf32>
      %add3A_2295 = arith.addf %mul3A_2294, %get3A_329 : vector<16xf32>
      %mul3A_2296 = arith.mulf %add3A_2293, %add3A_2295 : vector<16xf32>
      %get3A_2297 = arith.index_cast %select_n3A_471 : i32 to index
      %get3A_2298 = arith.index_cast %add3A_2283 : i32 to index
      %get3A_2299 = arith.constant 16 : index
      %get3A_2300 = tpu.vector_load %arg16[%get3A_2297, %get3A_2298, %get3A_2299] {strides = array<i32>} : memref<3x128x128xf32, #tpu.memory_space<vmem>>, vector<16xf32>,
      %get3A_2301 = arith.index_cast %select_n3A_471 : i32 to index
      %get3A_2302 = arith.index_cast %add3A_2283 : i32 to index
      %get3A_2303 = arith.constant 16 : index
      %get3A_2304 = tpu.vector_load %arg17[%get3A_2301, %get3A_2302, %get3A_2303] {strides = array<i32>} : memref<3x128x128xf32, #tpu.memory_space<vmem>>, vector<16xf32>,
      %mul3A_2305 = arith.mulf %get3A_2300, %mul3A_241 : vector<16xf32>
      %add3A_2306 = arith.addf %mul3A_2305, %get3A_275 : vector<16xf32>
      %mul3A_2307 = arith.mulf %get3A_2304, %mul3A_297 : vector<16xf32>
      %add3A_2308 = arith.addf %mul3A_2307, %get3A_331 : vector<16xf32>
      %mul3A_2309 = arith.mulf %add3A_2306, %add3A_2308 : vector<16xf32>
      %get3A_2310 = arith.index_cast %select_n3A_471 : i32 to index
      %get3A_2311 = arith.index_cast %add3A_2283 : i32 to index
      %get3A_2312 = arith.constant 32 : index
      %get3A_2313 = tpu.vector_load %arg16[%get3A_2310, %get3A_2311, %get3A_2312] {strides = array<i32>} : memref<3x128x128xf32, #tpu.memory_space<vmem>>, vector<16xf32>,
      %get3A_2314 = arith.index_cast %select_n3A_471 : i32 to index
      %get3A_2315 = arith.index_cast %add3A_2283 : i32 to index
      %get3A_2316 = arith.constant 32 : index
      %get3A_2317 = tpu.vector_load %arg17[%get3A_2314, %get3A_2315, %get3A_2316] {strides = array<i32>} : memref<3x128x128xf32, #tpu.memory_space<vmem>>, vector<16xf32>,
      %mul3A_2318 = arith.mulf %get3A_2313, %mul3A_246 : vector<16xf32>
      %add3A_2319 = arith.addf %mul3A_2318, %get3A_277 : vector<16xf32>
      %mul3A_2320 = arith.mulf %get3A_2317, %mul3A_302 : vector<16xf32>
      %add3A_2321 = arith.addf %mul3A_2320, %get3A_333 : vector<16xf32>
      %mul3A_2322 = arith.mulf %add3A_2319, %add3A_2321 : vector<16xf32>
      %get3A_2323 = arith.index_cast %select_n3A_471 : i32 to index
      %get3A_2324 = arith.index_cast %add3A_2283 : i32 to index
      %get3A_2325 = arith.constant 48 : index
      %get3A_2326 = tpu.vector_load %arg16[%get3A_2323, %get3A_2324, %get3A_2325] {strides = array<i32>} : memref<3x128x128xf32, #tpu.memory_space<vmem>>, vector<16xf32>,
      %get3A_2327 = arith.index_cast %select_n3A_471 : i32 to index
      %get3A_2328 = arith.index_cast %add3A_2283 : i32 to index
      %get3A_2329 = arith.constant 48 : index
      %get3A_2330 = tpu.vector_load %arg17[%get3A_2327, %get3A_2328, %get3A_2329] {strides = array<i32>} : memref<3x128x128xf32, #tpu.memory_space<vmem>>, vector<16xf32>,
      %mul3A_2331 = arith.mulf %get3A_2326, %mul3A_251 : vector<16xf32>
      %add3A_2332 = arith.addf %mul3A_2331, %get3A_279 : vector<16xf32>
      %mul3A_2333 = arith.mulf %get3A_2330, %mul3A_307 : vector<16xf32>
      %add3A_2334 = arith.addf %mul3A_2333, %get3A_335 : vector<16xf32>
      %mul3A_2335 = arith.mulf %add3A_2332, %add3A_2334 : vector<16xf32>
      %get3A_2336 = arith.index_cast %select_n3A_471 : i32 to index
      %get3A_2337 = arith.index_cast %add3A_2283 : i32 to index
      %get3A_2338 = arith.constant 64 : index
      %get3A_2339 = tpu.vector_load %arg16[%get3A_2336, %get3A_2337, %get3A_2338] {strides = array<i32>} : memref<3x128x128xf32, #tpu.memory_space<vmem>>, vector<16xf32>,
      %get3A_2340 = arith.index_cast %select_n3A_471 : i32 to index
      %get3A_2341 = arith.index_cast %add3A_2283 : i32 to index
      %get3A_2342 = arith.constant 64 : index
      %get3A_2343 = tpu.vector_load %arg17[%get3A_2340, %get3A_2341, %get3A_2342] {strides = array<i32>} : memref<3x128x128xf32, #tpu.memory_space<vmem>>, vector<16xf32>,
      %mul3A_2344 = arith.mulf %get3A_2339, %mul3A_256 : vector<16xf32>
      %add3A_2345 = arith.addf %mul3A_2344, %get3A_281 : vector<16xf32>
      %mul3A_2346 = arith.mulf %get3A_2343, %mul3A_312 : vector<16xf32>
      %add3A_2347 = arith.addf %mul3A_2346, %get3A_337 : vector<16xf32>
      %mul3A_2348 = arith.mulf %add3A_2345, %add3A_2347 : vector<16xf32>
      %get3A_2349 = arith.index_cast %select_n3A_471 : i32 to index
      %get3A_2350 = arith.index_cast %add3A_2283 : i32 to index
      %get3A_2351 = arith.constant 80 : index
      %get3A_2352 = tpu.vector_load %arg16[%get3A_2349, %get3A_2350, %get3A_2351] {strides = array<i32>} : memref<3x128x128xf32, #tpu.memory_space<vmem>>, vector<16xf32>,
      %get3A_2353 = arith.index_cast %select_n3A_471 : i32 to index
      %get3A_2354 = arith.index_cast %add3A_2283 : i32 to index
      %get3A_2355 = arith.constant 80 : index
      %get3A_2356 = tpu.vector_load %arg17[%get3A_2353, %get3A_2354, %get3A_2355] {strides = array<i32>} : memref<3x128x128xf32, #tpu.memory_space<vmem>>, vector<16xf32>,
      %mul3A_2357 = arith.mulf %get3A_2352, %mul3A_261 : vector<16xf32>
      %add3A_2358 = arith.addf %mul3A_2357, %get3A_283 : vector<16xf32>
      %mul3A_2359 = arith.mulf %get3A_2356, %mul3A_317 : vector<16xf32>
      %add3A_2360 = arith.addf %mul3A_2359, %get3A_339 : vector<16xf32>
      %mul3A_2361 = arith.mulf %add3A_2358, %add3A_2360 : vector<16xf32>
      %get3A_2362 = arith.index_cast %select_n3A_471 : i32 to index
      %get3A_2363 = arith.index_cast %add3A_2283 : i32 to index
      %get3A_2364 = arith.constant 96 : index
      %get3A_2365 = tpu.vector_load %arg16[%get3A_2362, %get3A_2363, %get3A_2364] {strides = array<i32>} : memref<3x128x128xf32, #tpu.memory_space<vmem>>, vector<16xf32>,
      %get3A_2366 = arith.index_cast %select_n3A_471 : i32 to index
      %get3A_2367 = arith.index_cast %add3A_2283 : i32 to index
      %get3A_2368 = arith.constant 96 : index
      %get3A_2369 = tpu.vector_load %arg17[%get3A_2366, %get3A_2367, %get3A_2368] {strides = array<i32>} : memref<3x128x128xf32, #tpu.memory_space<vmem>>, vector<16xf32>,
      %mul3A_2370 = arith.mulf %get3A_2365, %mul3A_266 : vector<16xf32>
      %add3A_2371 = arith.addf %mul3A_2370, %get3A_285 : vector<16xf32>
      %mul3A_2372 = arith.mulf %get3A_2369, %mul3A_322 : vector<16xf32>
      %add3A_2373 = arith.addf %mul3A_2372, %get3A_341 : vector<16xf32>
      %mul3A_2374 = arith.mulf %add3A_2371, %add3A_2373 : vector<16xf32>
      %get3A_2375 = arith.index_cast %select_n3A_471 : i32 to index
      %get3A_2376 = arith.index_cast %add3A_2283 : i32 to index
      %get3A_2377 = arith.constant 112 : index
      %get3A_2378 = tpu.vector_load %arg16[%get3A_2375, %get3A_2376, %get3A_2377] {strides = array<i32>} : memref<3x128x128xf32, #tpu.memory_space<vmem>>, vector<16xf32>,
      %get3A_2379 = arith.index_cast %select_n3A_471 : i32 to index
      %get3A_2380 = arith.index_cast %add3A_2283 : i32 to index
      %get3A_2381 = arith.constant 112 : index
      %get3A_2382 = tpu.vector_load %arg17[%get3A_2379, %get3A_2380, %get3A_2381] {strides = array<i32>} : memref<3x128x128xf32, #tpu.memory_space<vmem>>, vector<16xf32>,
      %mul3A_2383 = arith.mulf %get3A_2378, %mul3A_271 : vector<16xf32>
      %add3A_2384 = arith.addf %mul3A_2383, %get3A_287 : vector<16xf32>
      %mul3A_2385 = arith.mulf %get3A_2382, %mul3A_327 : vector<16xf32>
      %add3A_2386 = arith.addf %mul3A_2385, %get3A_343 : vector<16xf32>
      %mul3A_2387 = arith.mulf %add3A_2384, %add3A_2386 : vector<16xf32>
      %add3A_2388 = arith.addf %mul3A_2296, %mul3A_2309 : vector<16xf32>
      %add3A_2389 = arith.addf %mul3A_2322, %mul3A_2335 : vector<16xf32>
      %add3A_2390 = arith.addf %mul3A_2348, %mul3A_2361 : vector<16xf32>
      %add3A_2391 = arith.addf %mul3A_2374, %mul3A_2387 : vector<16xf32>
      %add3A_2392 = arith.addf %add3A_2388, %add3A_2389 : vector<16xf32>
      %add3A_2393 = arith.addf %add3A_2390, %add3A_2391 : vector<16xf32>
      %add3A_2394 = arith.addf %add3A_2392, %add3A_2393 : vector<16xf32>
      %broadcast_in_dim3A_2395 = vector.shape_cast %and3A_348 : vector<16xi32> to vector<16x1xi32>
      %gather3A_2396 = vector.shape_cast %broadcast_in_dim3A_2395 : vector<16x1xi32> to vector<16xi32>
      %gather3A_2397 = tpu.dynamic_gather %add3A_2281[%gather3A_2396] in [0] : vector<16xf32>, vector<16xi32> -> vector<16xf32>
      %add3A_2398 = arith.addf %add3A_2281, %gather3A_2397 : vector<16xf32>
      %broadcast_in_dim3A_2399 = vector.shape_cast %and3A_371 : vector<16xi32> to vector<16x1xi32>
      %gather3A_2400 = vector.shape_cast %broadcast_in_dim3A_2399 : vector<16x1xi32> to vector<16xi32>
      %gather3A_2401 = tpu.dynamic_gather %add3A_2394[%gather3A_2400] in [0] : vector<16xf32>, vector<16xi32> -> vector<16xf32>
      %add3A_2402 = arith.addf %add3A_2394, %gather3A_2401 : vector<16xf32>
      %select_n3A_2403 = arith.select %lt3A_394, %add3A_2398, %add3A_2402 : vector<16xi1>, vector<16xf32>
      %broadcast_in_dim3A_2404 = vector.shape_cast %and3A_354 : vector<16xi32> to vector<16x1xi32>
      %gather3A_2405 = vector.shape_cast %broadcast_in_dim3A_2404 : vector<16x1xi32> to vector<16xi32>
      %gather3A_2406 = tpu.dynamic_gather %select_n3A_2168[%gather3A_2405] in [0] : vector<16xf32>, vector<16xi32> -> vector<16xf32>
      %add3A_2407 = arith.addf %select_n3A_2168, %gather3A_2406 : vector<16xf32>
      %broadcast_in_dim3A_2408 = vector.shape_cast %and3A_377 : vector<16xi32> to vector<16x1xi32>
      %gather3A_2409 = vector.shape_cast %broadcast_in_dim3A_2408 : vector<16x1xi32> to vector<16xi32>
      %gather3A_2410 = tpu.dynamic_gather %select_n3A_2403[%gather3A_2409] in [0] : vector<16xf32>, vector<16xi32> -> vector<16xf32>
      %add3A_2411 = arith.addf %select_n3A_2403, %gather3A_2410 : vector<16xf32>
      %select_n3A_2412 = arith.select %lt3A_400, %add3A_2407, %add3A_2411 : vector<16xi1>, vector<16xf32>
      %broadcast_in_dim3A_2413 = vector.shape_cast %and3A_360 : vector<16xi32> to vector<16x1xi32>
      %gather3A_2414 = vector.shape_cast %broadcast_in_dim3A_2413 : vector<16x1xi32> to vector<16xi32>
      %gather3A_2415 = tpu.dynamic_gather %select_n3A_1933[%gather3A_2414] in [0] : vector<16xf32>, vector<16xi32> -> vector<16xf32>
      %add3A_2416 = arith.addf %select_n3A_1933, %gather3A_2415 : vector<16xf32>
      %broadcast_in_dim3A_2417 = vector.shape_cast %and3A_383 : vector<16xi32> to vector<16x1xi32>
      %gather3A_2418 = vector.shape_cast %broadcast_in_dim3A_2417 : vector<16x1xi32> to vector<16xi32>
      %gather3A_2419 = tpu.dynamic_gather %select_n3A_2412[%gather3A_2418] in [0] : vector<16xf32>, vector<16xi32> -> vector<16xf32>
      %add3A_2420 = arith.addf %select_n3A_2412, %gather3A_2419 : vector<16xf32>
      %select_n3A_2421 = arith.select %lt3A_406, %add3A_2416, %add3A_2420 : vector<16xi1>, vector<16xf32>
      %broadcast_in_dim3A_2422 = vector.shape_cast %and3A_366 : vector<16xi32> to vector<16x1xi32>
      %gather3A_2423 = vector.shape_cast %broadcast_in_dim3A_2422 : vector<16x1xi32> to vector<16xi32>
      %gather3A_2424 = tpu.dynamic_gather %select_n3A_1454[%gather3A_2423] in [0] : vector<16xf32>, vector<16xi32> -> vector<16xf32>
      %add3A_2425 = arith.addf %select_n3A_1454, %gather3A_2424 : vector<16xf32>
      %broadcast_in_dim3A_2426 = vector.shape_cast %and3A_389 : vector<16xi32> to vector<16x1xi32>
      %gather3A_2427 = vector.shape_cast %broadcast_in_dim3A_2426 : vector<16x1xi32> to vector<16xi32>
      %gather3A_2428 = tpu.dynamic_gather %select_n3A_2421[%gather3A_2427] in [0] : vector<16xf32>, vector<16xi32> -> vector<16xf32>
      %add3A_2429 = arith.addf %select_n3A_2421, %gather3A_2428 : vector<16xf32>
      %select_n3A_2430 = arith.select %lt3A_412, %add3A_2425, %add3A_2429 : vector<16xi1>, vector<16xf32>
      %mul3A_2431 = arith.constant 16 : i32
      %mul3A_2432 = arith.muli %scan3A_420, %mul3A_2431 : i32
      %get3A_2433 = arith.index_cast %mul3A_2432 : i32 to index
      %get3A_2434 = tpu.vector_load %arg19[%get3A_2433] {strides = array<i32>} : memref<512xf32, #tpu.memory_space<vmem>>, vector<16xf32>,
      %add3A_2435 = arith.addf %select_n3A_2430, %get3A_2434 : vector<16xf32>
      %get3A_2436 = arith.index_cast %mul3A_2432 : i32 to index
      %get3A_2437 = tpu.vector_load %arg20[%get3A_2436] {strides = array<i32>} : memref<512xf32, #tpu.memory_space<vmem>>, vector<16xf32>,
      %add3A_2438 = arith.addf %add3A_2435, %get3A_2437 : vector<16xf32>
      %add3A_2439 = arith.addf %add3A_2438, %get3A_414 : vector<16xf32>
      %swap3A = arith.index_cast %mul3A_2432 : i32 to index
      %swap3A_2440 = tpu.vector_load %arg18[%swap3A] {strides = array<i32>} : memref<512xf32, #tpu.memory_space<vmem>>, vector<16xf32>,
      tpu.vector_store %arg18[%swap3A], %add3A_2439 {strides = array<i32>} : memref<512xf32, #tpu.memory_space<vmem>>, vector<16xf32>,
      %eq3A_2441 = arith.constant 7 : i32
      %eq3A_2442 = arith.cmpi eq, %scan3A_420, %eq3A_2441 : i32
      %convert_element_type3A_2443 = arith.extui %eq3A_2442 : i1 to i32
      %cond3A_2444 = arith.constant 0 : i32
      %cond3A_2445 = arith.cmpi ne, %convert_element_type3A_2443, %cond3A_2444 : i32
      scf.if %cond3A_2445 {
        %dma_start3A_2446 = arith.constant 3 : i32
        %dma_start3A_2447 = arith.constant 0 : i32
        %dma_start3A_2448 = arith.constant 0 : i32
        %dma_start3A_2449 = arith.constant 0 : i32
        %dma_start3A_2450 = tpu.memref_slice %arg16[%dma_start3A_2447, %dma_start3A_2448, %dma_start3A_2449] : memref<3x128x128xf32, #tpu.memory_space<vmem>> -> memref<1x128x128xf32, #tpu.memory_space<vmem>>
        %dma_start3A_2451 = tpu.memref_squeeze %dma_start3A_2450 : memref<1x128x128xf32, #tpu.memory_space<vmem>> -> memref<128x128xf32, #tpu.memory_space<vmem>>
        %dma_start3A_2452 = arith.constant 0 : i32
        %dma_start3A_2453 = tpu.memref_slice %arg14[%dma_start3A_2446, %dma_start3A_2452] : memref<4x128xi32, #tpu.memory_space<vmem>> -> memref<1x128xi32, #tpu.memory_space<vmem>>
        %dma_start3A_2454 = tpu.memref_squeeze %dma_start3A_2453 : memref<1x128xi32, #tpu.memory_space<vmem>> -> memref<128xi32, #tpu.memory_space<vmem>>
        %dma_start3A_2455 = arith.constant 0 : i32
        %dma_start3A_2456 = arith.constant 0 : i32
        %dma_start3A_2457 = tpu.memref_slice %arg4[%dma_start3A_2455, %dma_start3A_2456] : memref<16384x128xf32, #tpu.memory_space<hbm>> -> memref<16384x128xf32, #tpu.memory_space<hbm>>
        tpu.enqueue_indirect_dma source(%dma_start3A_2457 : memref<16384x128xf32, #tpu.memory_space<hbm>>) target(%dma_start3A_2451 : memref<128x128xf32, #tpu.memory_space<vmem>>) offsets(%dma_start3A_2454 : memref<128xi32, #tpu.memory_space<vmem>>) semaphore(%arg26 : memref<!tpu.dma_semaphore, #tpu.memory_space<semaphore_mem>>)
        %dma_start3A_2458 = arith.constant 3 : i32
        %dma_start3A_2459 = arith.constant 0 : i32
        %dma_start3A_2460 = arith.constant 0 : i32
        %dma_start3A_2461 = arith.constant 0 : i32
        %dma_start3A_2462 = tpu.memref_slice %arg17[%dma_start3A_2459, %dma_start3A_2460, %dma_start3A_2461] : memref<3x128x128xf32, #tpu.memory_space<vmem>> -> memref<1x128x128xf32, #tpu.memory_space<vmem>>
        %dma_start3A_2463 = tpu.memref_squeeze %dma_start3A_2462 : memref<1x128x128xf32, #tpu.memory_space<vmem>> -> memref<128x128xf32, #tpu.memory_space<vmem>>
        %dma_start3A_2464 = arith.constant 0 : i32
        %dma_start3A_2465 = tpu.memref_slice %arg15[%dma_start3A_2458, %dma_start3A_2464] : memref<4x128xi32, #tpu.memory_space<vmem>> -> memref<1x128xi32, #tpu.memory_space<vmem>>
        %dma_start3A_2466 = tpu.memref_squeeze %dma_start3A_2465 : memref<1x128xi32, #tpu.memory_space<vmem>> -> memref<128xi32, #tpu.memory_space<vmem>>
        %dma_start3A_2467 = arith.constant 0 : i32
        %dma_start3A_2468 = arith.constant 0 : i32
        %dma_start3A_2469 = tpu.memref_slice %arg5[%dma_start3A_2467, %dma_start3A_2468] : memref<16384x128xf32, #tpu.memory_space<hbm>> -> memref<16384x128xf32, #tpu.memory_space<hbm>>
        tpu.enqueue_indirect_dma source(%dma_start3A_2469 : memref<16384x128xf32, #tpu.memory_space<hbm>>) target(%dma_start3A_2463 : memref<128x128xf32, #tpu.memory_space<vmem>>) offsets(%dma_start3A_2466 : memref<128xi32, #tpu.memory_space<vmem>>) semaphore(%arg30 : memref<!tpu.dma_semaphore, #tpu.memory_space<semaphore_mem>>)
      } else {
      }
    }
    %scan3A_419 = arith.constant 32 : i32
    "tpu.region"() ({
      %run_scoped3A = tpu.sem_alloc : memref<!tpu.dma_semaphore, #tpu.memory_space<semaphore_mem>>
      %dma_start3A_420 = tpu.memref_slice %arg13[%mul3A_2] : memref<16384xf32, #tpu.memory_space<hbm>> -> memref<512xf32, #tpu.memory_space<hbm>>
      %dma_start3A_421 = tpu.memref_slice %arg13[%mul3A_2] : memref<16384xf32, #tpu.memory_space<hbm>> -> memref<512xf32, #tpu.memory_space<hbm>>
      tpu.enqueue_dma source(%arg18 : memref<512xf32, #tpu.memory_space<vmem>>) target(%dma_start3A_421 : memref<512xf32, #tpu.memory_space<hbm>>) target_semaphore(%run_scoped3A : memref<!tpu.dma_semaphore, #tpu.memory_space<semaphore_mem>>)
      %dma_wait3A_422 = tpu.memref_slice %arg13[%mul3A_2] : memref<16384xf32, #tpu.memory_space<hbm>> -> memref<512xf32, #tpu.memory_space<hbm>>
      %dma_wait3A_423 = tpu.memref_slice %arg13[%mul3A_2] : memref<16384xf32, #tpu.memory_space<hbm>> -> memref<512xf32, #tpu.memory_space<hbm>>
      tpu.wait_dma2 semaphore(%run_scoped3A : memref<!tpu.dma_semaphore, #tpu.memory_space<semaphore_mem>>) src(%arg18 : memref<512xf32, #tpu.memory_space<vmem>>) dst(%dma_wait3A_423 : memref<512xf32, #tpu.memory_space<hbm>>)
      tpu.yield
    }) : () -> ()
    return
  }
}

</mosaic_0001>

<sc_bundles>
// kernel: kernel.3.cloned.1.call-start
scs
__scs_entry_jumppad:
0x0: {  	(pc) =	sbr.rel $0x88, $3  }
0x1: {  	(tag) =	ssettag $0x0;
	lr =	simm.s32 $0x1  }
0x2: {  	[smem:$0x3F96] =	sst lr;
	_ =	strace $0xD0000000  }
0x3: {  	_ = 	snop  }
0x4: {  	_ = 	snop  }
0x5: {  	_ = 	snop  }
0x6: {  	_ = 	snop  }
0x7: {  	_ = 	snop  }
__scs_overlays_trampoline_lowered:
0x8: {  	[smem:$0x3FA5] =	sst s0  }
0x9: {  	[smem:$0x3FA6] =	sst s1  }
0xa: {  	[smem:$0x3FA7] =	sst s2  }
0xb: {  	[smem:$0x3FA8] =	sst s3  }
0xc: {  	[smem:$0x3FA9] =	sst s4  }
0xd: {  	[smem:$0x3FAA] =	sst s5  }
0xe: {  	[smem:$0x3FAB] =	sst s6  }
0xf: {  	[smem:$0x3FAC] =	sst s7  }
0x10: {  	[smem:$0x3FAD] =	sst s8  }
0x11: {  	[smem:$0x3FAE] =	sst s9;
	s0 =	simm.s32 @!p0 $0x0  }
0x12: {  	s1 =	sld [smem:$0x3F94];
	s0 =	simm.s32 @p0 $0x1  }
0x13: {  	[smem:$0x3FAF] =	sst s0;
	s0 =	simm.s32 @!p1 $0x0  }
0x14: {  	s2 =	sld [smem:$0x3F93];
	s0 =	simm.s32 @p1 $0x1  }
0x15: {  	[smem:$0x3FB0] =	sst s0;
	s0 =	simm.s32 @!p2 $0x0  }
0x16: {  	s3 =	sld [smem:$0x3FDB];
	s0 =	simm.s32 @p2 $0x1  }
0x17: {  	s4 =	simm.s32 $0x1BF5;
	[smem:$0x3FB2] =	sst s0  }
0x18: {  	s0 =	sld [smem:$0x3F95];
	_ =	swait.ge [sflag:s4], $0x0  }
0x19: {  	s7 =	sld [smem:$0x3F96]  }
0x1a: {  	s8 =	sadd.s32 $0xFFFFE003, lr  }
0x1b: {  	s9 =	sadd.s32 $0xFFFFFEF7, lr;
	s5 =	simm.s32 $0xFFFFFFFF;
	p2 =	slt.u32 s8, $0xFFFFF086  }
0x1c: {  	p1 =	slt.u32 s9, $0xF7A;
	s5 =	simm.s32 @!p2 $0x0  }
0x1d: {  	s5 =	simm.s32 @p1 $0x1;
	p0 =	seq.s32 s7, s2  }
0x1e: {  	s7 =	smul.u32 @!p0 $0xF7A, s2;
	p2 =	seq.s32 @!p0 s5, $0x0  }
0x1f: {  	s9 =	smul.u32 $0xF7A, s1;
	s8 =	simm.s32 @!p0 $0x1BF5;
	p2 =	por !p2, p0  }
0x20: {  	[sflag:s8] =	ssyncset.s32 @!p0 $0xFFFFF086;
	s6 =	sadd.s32 @!p0 s3, s7;
	s7 =	simm.s32 @!p0 $0x108  }
0x21: {  	s3 =	sadd.s32 s3, s9;
	s6 =	sadd.s32 @!p0 $0x88, s6;
	s7 =	simm.s32 @p2 $0x1082  }
0x22: {  	[simem:s7], [sflag:s8] =	dma.local @!p0 [hbm:s6], $0xF7A  }
0x23: {  	s9 =	sor.u32 $0xD0000000, s2;
	s6 =	simm.s32 $0x108;
	_ =	swait.ge @!p0 [sflag:s8], $0x0  }
0x24: {  	s3 =	sadd.s32 $0x88, s3;
	s6 =	simm.s32 @!p1 $0x1082;
	[sflag:s4] =	ssyncset.s32 $0xFFFFF086  }
0x25: {  	[simem:s6], [sflag:s4] =	dma.local [hbm:s3], $0xF7A  }
0x26: {  	[smem:$0x3F96] =	sst s1;
	(tag) =	ssettag s2;
	_ =	strace s9  }
0x27: {  	s1 =	sld [smem:$0x3FA6]  }
0x28: {  	s2 =	sld [smem:$0x3FA7]  }
0x29: {  	s4 =	sld [smem:$0x3FA9]  }
0x2a: {  	p0 =	seq.s32 s5, $0x0;
	s5 =	sld [smem:$0x3FAA]  }
0x2b: {  	s6 =	sld [smem:$0x3FAB]  }
0x2c: {  	s7 =	sld [smem:$0x3FAC]  }
0x2d: {  	s3 =	simm.s32 $0x108;
	s8 =	sld [smem:$0x3FAD]  }
0x2e: {  	s3 =	simm.s32 @!p0 $0x1082;
	s9 =	sld [smem:$0x3FAE]  }
0x2f: {  	lr =	sadd.s32 s0, s3;
	s0 =	sld [smem:$0x3FA5]  }
0x30: {  	s3 =	sld [smem:$0x3FA8]  }
0x31: {  	[smem:$0x3FB1] =	sst s10  }
0x32: {  	s10 =	sld [smem:$0x3FAF];
	_ =	sdelay $0x3  }
0x33: {  	p0 =	seq.s32 s10, $0x1;
	s10 =	sld [smem:$0x3FB1];
	_ =	sdelay $0x3  }
0x34: {  	[smem:$0x3FB1] =	sst s10  }
0x35: {  	s10 =	sld [smem:$0x3FB0];
	_ =	sdelay $0x3  }
0x36: {  	p1 =	seq.s32 s10, $0x1;
	s10 =	sld [smem:$0x3FB1];
	_ =	sdelay $0x3  }
0x37: {  	[smem:$0x3FB1] =	sst s10  }
0x38: {  	s10 =	sld [smem:$0x3FB2]  }
0x39: {  	_ = 	snop;
	(pc) =	sbr.ind lr, $3  }
0x3a: {  	_ = 	snop  }
0x3b: {  	_ = 	snop  }
0x3c: {  	p2 =	seq.s32 s10, $0x1;
	s10 =	sld [smem:$0x3FB1]  }
0x3d: {  	_ =	shalt  }
0x3e: {  	_ =	shalt  }
0x3f: {  	_ =	shalt  }
0x40: {  	_ =	shalt  }
0x41: {  	_ =	shalt  }
0x42: {  	_ =	shalt  }
0x43: {  	_ =	shalt  }
0x44: {  	_ =	shalt  }
0x45: {  	_ =	shalt  }
0x46: {  	_ =	shalt  }
0x47: {  	_ =	shalt  }
0x48: {  	_ =	shalt  }
0x49: {  	_ =	shalt  }
0x4a: {  	_ =	shalt  }
0x4b: {  	_ =	shalt  }
0x4c: {  	_ =	shalt  }
0x4d: {  	_ =	shalt  }
0x4e: {  	_ =	shalt  }
0x4f: {  	_ =	shalt  }
0x50: {  	_ =	shalt  }
0x51: {  	_ =	shalt  }
0x52: {  	_ =	shalt  }
0x53: {  	_ =	shalt  }
0x54: {  	_ =	shalt  }
0x55: {  	_ =	shalt  }
0x56: {  	_ =	shalt  }
0x57: {  	_ =	shalt  }
0x58: {  	_ =	shalt  }
0x59: {  	_ =	shalt  }
0x5a: {  	_ =	shalt  }
0x5b: {  	_ =	shalt  }
0x5c: {  	_ =	shalt  }
0x5d: {  	_ =	shalt  }
0x5e: {  	_ =	shalt  }
0x5f: {  	_ =	shalt  }
0x60: {  	_ =	shalt  }
0x61: {  	_ =	shalt  }
0x62: {  	_ =	shalt  }
0x63: {  	_ =	shalt  }
0x64: {  	_ =	shalt  }
0x65: {  	_ =	shalt  }
0x66: {  	_ =	shalt  }
0x67: {  	_ =	shalt  }
0x68: {  	_ =	shalt  }
0x69: {  	_ =	shalt  }
0x6a: {  	_ =	shalt  }
0x6b: {  	_ =	shalt  }
0x6c: {  	_ =	shalt  }
0x6d: {  	_ =	shalt  }
0x6e: {  	_ =	shalt  }
0x6f: {  	_ =	shalt  }
0x70: {  	_ =	shalt  }
0x71: {  	_ =	shalt  }
0x72: {  	_ =	shalt  }
0x73: {  	_ =	shalt  }
0x74: {  	_ =	shalt  }
0x75: {  	_ =	shalt  }
0x76: {  	_ =	shalt  }
0x77: {  	_ =	shalt  }
0x78: {  	_ =	shalt  }
0x79: {  	_ =	shalt  }
0x7a: {  	_ =	shalt  }
0x7b: {  	_ =	shalt  }
0x7c: {  	_ =	shalt  }
0x7d: {  	_ =	shalt  }
0x7e: {  	_ =	shalt  }
0x7f: {  	_ =	shalt  }
0x80: {  	_ =	shalt  }
0x81: {  	_ =	shalt  }
0x82: {  	_ =	shalt  }
0x83: {  	_ =	shalt  }
0x84: {  	_ =	shalt  }
0x85: {  	_ =	shalt  }
0x86: {  	_ =	shalt  }
0x87: {  	_ =	shalt  }
.Lfunc_end0:
.L_simem_size_0:
called_computation_lowered:
.L_overlay_start_0:
0x88: {  	s2 =	sld [smem:$0x3FD9]  }
0x89: {  	s3 =	sld [smem:$0x3FFE];
	_ =	sdelay $0x1  }
0x8a: {  	s1 =	srdreg.scid  }
0x8b: {  	s0 =	sand.u32 $0x1, s1  }
0x8c: {  	s17 =	sshll.u32 s0, $0xA;
	s2 =	sadd.s32 s3, s2  }
0x8d: {  	s2 =	sadd.s32 s2, s17  }
0x8e: {  	[smem:$0x3FBD] =	sst s2  }
0x8f: {  	_ = 	snop  }
0x90: {  	s2 =	sld [smem:$0x3FC9]  }
0x91: {  	s18 =	sld [smem:$0x3FC8]  }
0x92: {  	s4 =	sld [smem:$0x3FC7]  }
0x93: {  	s5 =	sld [smem:$0x3FC6]  }
0x94: {  	s6 =	sld [smem:$0x3FC5]  }
0x95: {  	s7 =	sld [smem:$0x3FC4]  }
0x96: {  	s8 =	sld [smem:$0x3FC3]  }
0x97: {  	s9 =	sld [smem:$0x3FC2]  }
0x98: {  	s10 =	sld [smem:$0x3FC0]  }
0x99: {  	s11 =	sld [smem:$0x3FBF]  }
0x9a: {  	s12 =	sld [smem:$0x3FD0];
	(tm) =	ssettm $0x1  }
0x9b: {  	s13 =	sld [smem:$0x3FFB];
	_ =	sdelay $0x3  }
0x9c: {  	_ =	strace s13  }
0x9d: {  	s13 =	sld [smem:$0x3FFC];
	_ =	sdelay $0x3  }
0x9e: {  	_ =	strace s13  }
0x9f: {  	s13 =	sld [smem:$0x3FFD];
	_ =	sdelay $0x3  }
0xa0: {  	_ =	strace s13  }
0xa1: {  	_ =	strace $0x8FFFFFFF  }
0xa2: {  	s19 =	sld [smem:$0x3FDB];
	_ =	sdelay $0x1  }
0xa3: {  	s14 =	simm.s32 $_scs_section_size  }
0xa4: {  	s15 =	simm.s32 $_size__tile_overlayer_lowered;
	s16 =	simm.s32 $_tile_overlayer_lowered  }
0xa5: {  	s22 =	simm.s32 $0x1BFF;
	s21 =	sshll.u32 s16, $0x1;
	s13 =	sadd.s32 s14, s19  }
0xa6: {  	s20 =	sshll.u32 s15, $0x1;
	s17 =	simm.s32 $0x0;
	s15 =	sadd.s32 s21, s13  }
0xa7: {  	[timem:s17], [sflag:s22] =	dma.local [hbm:s15], s20  }
0xa8: {  	_ =	swait.ge [sflag:s22], s20  }
0xa9: {  	s14 =	ssub.s32 $0x0, s20;
	[sflag:s22] =	ssyncset.done $0x0  }
0xaa: {  	[sflag:s22] =	ssyncadd.s32 s14;
	_ =	sdelay $0x1  }
0xab: {  	s23 =	simm.s32 $0x1B8B  }
0xac: {  	_ =	swait.ge [sflag:s23], $0x1  }
0xad: {  	[sflag:s23] =	ssyncset.done $0x0  }
0xae: {  	s25 =	simm.s32 $0x1B8E;
	s24 =	sld [smem:$0x3FFE];
	[sflag:s23] =	ssyncadd.s32 $0xFFFFFFFF  }
0xaf: {  	s26 =	simm.s32 $execute0_lowered;
	[smem:$0x3FD2] =	sst s25  }
0xb0: {  	s15 =	sshll.u32 s26, $0x1;
	_ =	strace $0x80000046;
	[dreg:$0x1] =	wrdreg $0xFFFFFFFF  }
0xb1: {  	s28 =	simm.s32 $_size_execute0_lowered;
	s13 =	sadd.s32 s13, s15;
	[dreg:$0x0] =	wrdreg $0x0  }
0xb2: {  	s15 =	sshll.u32 s28, $0x1;
	[dreg:$0x2] =	wrdreg s13  }
0xb3: {  	[dreg:$0x3] =	wrdreg s15  }
0xb4: {  	[dreg:$0x4] =	wrdreg $0xC0  }
0xb5: {  	_ =	task [dreg:s17], $0x5FFFF  }
0xb6: {  	[dreg:$0x1] =	wrdreg $0xFFFFFFFF  }
0xb7: {  	[dreg:$0x0] =	wrdreg $0x60  }
0xb8: {  	[dreg:$0x2] =	wrdreg s2  }
0xb9: {  	[dreg:$0x3] =	wrdreg s18  }
0xba: {  	[dreg:$0x4] =	wrdreg s4  }
0xbb: {  	[dreg:$0x5] =	wrdreg s5  }
0xbc: {  	[dreg:$0x6] =	wrdreg s6  }
0xbd: {  	[dreg:$0x7] =	wrdreg s7  }
0xbe: {  	[dreg:$0x8] =	wrdreg s8  }
0xbf: {  	[dreg:$0x9] =	wrdreg s9  }
0xc0: {  	[dreg:$0xa] =	wrdreg s24  }
0xc1: {  	[dreg:$0xb] =	wrdreg s10  }
0xc2: {  	[dreg:$0xc] =	wrdreg s11  }
0xc3: {  	[dreg:$0xd] =	wrdreg s12  }
0xc4: {  	[dreg:$0xe] =	wrdreg $0x9  }
0xc5: {  	_ =	task.clear_ibuf [dreg:s17], $0xFFFFF;
	_ =	strace $0x90000046  }
0xc6: {  	s29 =	simm.s32 $0x9;
	_ =	strace $0x80000048  }
0xc7: {  	_ =	swait.ge [sflag:s29], $0x1  }
0xc8: {  	[sflag:s29] =	ssyncadd.s32 $0xFFFFFFFF  }
0xc9: {  	_ =	strace $0x90000048  }
0xca: {  	_ =	sfence  }
0xcb: {  	s30 =	sld [smem:$0x0];
	_ =	sdelay $0x2  }
0xcc: {  	s31 =	sshll.u32 s1, $0xD;
	s1 =	sshrl.u32 s1, $0x2  }
0xcd: {  	s3 =	sand.u32 $0x4000, s31;
	s1 =	sadd.s32 s1, s30  }
0xce: {  	s0 =	sor.u32 s3, s0;
	s1 =	sshll.u32 s1, $0x11  }
0xcf: {  	s0 =	sor.u32 s1, s0  }
0xd0: {  	s0 =	sadd.s32 $0x8F2B, s0  }
0xd1: {  	[sflag:s0] =	ssyncadd.remote.s32 $0x1  }
0xd2: {  	_ =	sfence.sel $0xFFFF  }
0xd3: {  	[dreg:$0x0] =	wrdreg $0xFFFFFFFF;
	(pc) =	sbr.abs _section_cstart, $3  }
0xd4: {  	[dreg:$0x1] =	wrdreg $0xFFFFFFFF  }
0xd5: {  	_ =	task.clear_ibuf [dreg:s17], $0x2FFFF;
	_ =	strace $0x9FFFFFFF  }
0xd6: {  	(tm) =	ssettm $0x7FFFFFFF  }
0xd7: {  	_ =	shalt  }
tec
execute0_lowered:
.L_overlay_start_1:
0x0: {  	(tag) =	ssettag $0x1  }
0x1: {  	v0 =	vimm.s32 $0xFEDCBA9;
	v1 =	vimm.s32 $0x87654321  }
0x2: {  	v2 =	vimm.s32 $0xEDCBA987;
	vm0 =	vcmask $0xB08;
	vm1 =	vcmask $0x300  }
0x3: {  	v3 =	vimm.s32 $0x6543210F;
	v4 =	vimm.s32 $0x10FEDCBA;
	v5 =	vimm.s32 $0x98765432  }
0x4: {  	v51 =	vimm.s32 $0xDCBA9876;
	v52 =	vimm.s32 $0x543210FE;
	v55 =	vimm.s32 $0x3210FEDC  }
0x5: {  	v6 =	vimm.s32 $0xBA987654;
	vm2 =	vcmask $0x700;
	v7 =	vimm.s32 $0xFEDCBA98  }
0x6: {  	v57 =	vimm.s32 $0x76543210;
	v0 =	vunpack.c.l.s4.s8 v0;
	v1 =	vunpack.c.l.s4.s8 v1  }
0x7: {  	s2 =	rddreg [dreg:$0x0];
	v2 =	vunpack.c.l.s4.s8 v2;
	vm0 =	vmor vm1, vm0;
	vm1 =	vcmask $0x1310  }
0x8: {  	s3 =	rddreg [dreg:$0x1];
	v3 =	vunpack.c.l.s4.s8 v3;
	v4 =	vunpack.c.l.s4.s8 v4;
	v5 =	vunpack.c.l.s4.s8 v5  }
0x9: {  	s0 =	rddreg [dreg:$0x2];
	v53 =	vunpack.c.l.s4.s8 v51;
	v54 =	vunpack.c.l.s4.s8 v52;
	v6 =	vunpack.c.l.s4.s8 v6  }
0xa: {  	s1 =	rddreg [dreg:$0x3];
	v7 =	vunpack.c.l.s4.s8 v7;
	vm0 =	vmor vm0, vm1;
	vm1 =	vcmask $0x1B18  }
0xb: {  	s4 =	rddreg [dreg:$0x8];
	v0 =	vunpack.c.0.s8.s32 v0;
	v1 =	vunpack.c.0.s8.s32 v1;
	v2 =	vunpack.c.0.s8.s32 v2  }
0xc: {  	s5 =	rddreg [dreg:$0x9];
	vm0 =	vmor vm0, vm1;
	vm1 =	vcmask $0x2320;
	v3 =	vunpack.c.0.s8.s32 v3  }
0xd: {  	s6 =	rddreg [dreg:$0xa];
	v49 =	vunpack.c.0.s8.s32 v4;
	v50 =	vunpack.c.0.s8.s32 v5;
	v5 =	vunpack.c.l.s4.s8 v55  }
0xe: {  	s8 =	rddreg [dreg:$0xb];
	s7 =	simm.s32 $0x0;
	s9 =	srdreg.scid;
	v4 =	vunpack.c.0.s8.s32 v54;
	vm0 =	vmor vm0, vm1;
	vm1 =	vcmask $0x2B28  }
0xf: {  	s12 =	stileid.u32;
	s22 =	simm.s32 $0x200;
	s23 =	simm.s32 $0x80;
	v6 =	vunpack.c.0.s8.s32 v6;
	vm0 =	vmor vm0, vm1;
	vm1 =	vcmask $0x3330  }
0x10: {  	s24 =	simm.s32 $0x280;
	s25 =	simm.s32 $0x100;
	s26 =	simm.s32 $0x300;
	v0 =	vcombine.low v1, v0;
	v48 =	vcombine.low v3, v2;
	v3 =	vunpack.c.0.s8.s32 v53  }
0x11: {  	s30 =	simm.s32 $0x7;
	s28 =	simm.s32 $0x8;
	[smem:$0x7FF] =	sst s7;
	v5 =	vunpack.c.0.s8.s32 v5;
	vm0 =	vmor vm0, vm1;
	vm1 =	vcmask $0x3B38  }
0x12: {  	s9 =	sand.u32 $0x1, s9;
	s12 =	sshll.u32 s12, $0x7;
	_ =	strace $0x80000047;
	v2 =	vcombine.low v50, v49;
	vm0 =	vmor vm0, vm1;
	vm1 =	vcmask $0x1710  }
0x13: {  	s10 =	ssub.s32 $0x2, s9;
	s13 =	sshll.u32 s9, $0x6;
	s9 =	sadd.s32 $0x400, s4;
	v3 =	vcombine.low v4, v3;
	v56 =	vcombine.low v6, v5;
	v0 =	vand.u32 $0xF, v0  }
0x14: {  	s4 =	simm.s32 $0x18400;
	s11 =	sshrl.u32 s10, $0x1;
	s20 =	sor.u32 s13, s12;
	v5 =	vcombine.low v5, v6;
	v6 =	vunpack.c.l.s4.s8 v57;
	v58 =	vand.u32 $0xF, v48;
	[tilespmem:$0x1FF90] =	vst v0  }
0x15: {  	v7 =	vunpack.c.0.s8.s32 v7;
	s31 =	ssub.s32 s10, s11;
	s10 =	sadd.s32 s2, s20;
	s11 =	sadd.s32 s3, s20;
	v59 =	vand.u32 $0xF, v2;
	vm1 =	vmor vm2, vm1;
	[tilespmem:$0x1FFA0] =	vst v58  }
.Ltmp0:
0x16: {  	s13 =	sor.u32 $0x10, s20;
	s15 =	sor.u32 $0x20, s20;
	vm2 =	vcmask $0x2720;
	[tilespmem:$0x1FFB0] =	vst v59;
	v6 =	vunpack.c.0.s8.s32 v6;
	v60 =	vand.u32 $0xF, v3;
	(pc) =	sbr.rel .LBB2_1-.Ltmp0, $4  }
0x17: {  	s17 =	sor.u32 $0x30, s20;
	s18 =	sadd.s32 s5, s20;
	s19 =	sadd.s32 s6, s20;
	v7 =	vand.u32 $0xF, v7;
	vm1 =	vmor vm1, vm2;
	v61 =	vand.u32 $0xF, v56;
	[tilespmem:$0x1FFC0] =	vst v60  }
0x18: {  	s20 =	sadd.s32 s8, s20;
	s5 =	simm.s32 $0x0;
	s12 =	sadd.s32 s2, s13;
	vm2 =	vcmask $0x3730;
	v62 =	vand.u32 $0xF, v5;
	[tilespmem:$0x1FFD0] =	vst v61;
	v63 =	vcombine.low v7, v6  }
0x19: {  	vm3 =	vcmask $0xF00;
	s13 =	sadd.s32 s3, s13;
	s14 =	sadd.s32 s2, s15;
	s15 =	sadd.s32 s3, s15;
	vm1 =	vmor vm1, vm2;
	vm2 =	vcmask $0x2F20;
	[tilespmem:$0x1FFE0] =	vst v62  }
0x1a: {  	s16 =	sadd.s32 s2, s17;
	s17 =	sadd.s32 s3, s17;
	s21 =	smax.u32 s31, $0x1;
	vm2 =	vmor vm3, vm2;
	vm3 =	vmmov $0xff;
	[tilespmem:$0x1FFF0] =	vst v63  }
.LBB2_11:
0x1b: {  	s5 =	sadd.s32 $0x1, s5  }
0x1c: {  	p0 =	sne.s32 s5, s21  }
.Ltmp1:
0x1d: {  	_ = 	snop;
	(pc) =	sbr.rel @!p0 .LBB2_12-.Ltmp1, $4  }
0x1e: {  	[hbm4b:s20+s7] =	stream.linear.scatter [tilespmem:s4], [sflag:$0x8], $0x200, $0x38;
	[tilespmem:$0x18C80] =	vst v63  }
0x1f: {  	_ =	swait.ge [sflag:s28], $0x200  }
0x20: {  	[sflag:s28] =	ssyncset.done $0x0  }
0x21: {  	[sflag:s28] =	ssyncadd.s32 $0xFFFFFE00  }
.LBB2_1:
0x22: {  	[tilespmem:s7], [sflag:$0x7] =	stream.linear.gather [hbm4b:s10+s7], $0x80, $0x38;
	[tilespmem:$0x18C80] =	vst v63  }
0x23: {  	_ = 	snop  }
0x24: {  	[tilespmem:s22], [sflag:$0x7] =	stream.linear.gather [hbm4b:s11+s7], $0x80, $0x38;
	[tilespmem:$0x18C80] =	vst v63  }
0x25: {  	_ = 	snop  }
0x26: {  	[tilespmem:s23], [sflag:$0x7] =	stream.linear.gather [hbm4b:s12+s7], $0x80, $0x38;
	[tilespmem:$0x18C80] =	vst v63  }
0x27: {  	_ = 	snop  }
0x28: {  	[tilespmem:s24], [sflag:$0x7] =	stream.linear.gather [hbm4b:s13+s7], $0x80, $0x38;
	[tilespmem:$0x18C80] =	vst v63  }
0x29: {  	_ = 	snop  }
0x2a: {  	[tilespmem:s25], [sflag:$0x7] =	stream.linear.gather [hbm4b:s14+s7], $0x80, $0x38;
	[tilespmem:$0x18C80] =	vst v63  }
0x2b: {  	_ = 	snop  }
0x2c: {  	[tilespmem:s26], [sflag:$0x7] =	stream.linear.gather [hbm4b:s15+s7], $0x80, $0x38;
	[tilespmem:$0x18C80] =	vst v63  }
0x2d: {  	s2 =	simm.s32 $0x180  }
0x2e: {  	[tilespmem:s2], [sflag:$0x7] =	stream.linear.gather [hbm4b:s16+s7], $0x80, $0x38;
	[tilespmem:$0x18C80] =	vst v63  }
0x2f: {  	s6 =	simm.s32 $0x380  }
0x30: {  	[tilespmem:s6], [sflag:$0x7] =	stream.linear.gather [hbm4b:s17+s7], $0x80, $0x38;
	[tilespmem:$0x18C80] =	vst v63  }
0x31: {  	_ =	swait.ge [sflag:s30], $0x80  }
0x32: {  	[sflag:s30] =	ssyncset.done $0x0  }
0x33: {  	[sflag:s30] =	ssyncadd.s32 $0xFFFFFF80  }
0x34: {  	_ =	swait.ge [sflag:s30], $0x80  }
0x35: {  	[sflag:s30] =	ssyncset.done $0x0  }
0x36: {  	[sflag:s30] =	ssyncadd.s32 $0xFFFFFF80  }
0x37: {  	_ =	swait.ge [sflag:s30], $0x80  }
0x38: {  	[sflag:s30] =	ssyncset.done $0x0  }
0x39: {  	[sflag:s30] =	ssyncadd.s32 $0xFFFFFF80  }
0x3a: {  	_ =	swait.ge [sflag:s30], $0x80  }
0x3b: {  	[sflag:s30] =	ssyncset.done $0x0  }
0x3c: {  	[sflag:s30] =	ssyncadd.s32 $0xFFFFFF80  }
0x3d: {  	_ =	swait.ge [sflag:s30], $0x80  }
0x3e: {  	[sflag:s30] =	ssyncset.done $0x0  }
0x3f: {  	[sflag:s30] =	ssyncadd.s32 $0xFFFFFF80  }
0x40: {  	_ =	swait.ge [sflag:s30], $0x80  }
0x41: {  	[sflag:s30] =	ssyncset.done $0x0  }
0x42: {  	[sflag:s30] =	ssyncadd.s32 $0xFFFFFF80  }
0x43: {  	_ =	swait.ge [sflag:s30], $0x80  }
0x44: {  	[sflag:s30] =	ssyncset.done $0x0  }
0x45: {  	[sflag:s30] =	ssyncadd.s32 $0xFFFFFF80  }
0x46: {  	_ =	swait.ge [sflag:s30], $0x80  }
0x47: {  	[sflag:s30] =	ssyncset.done $0x0  }
0x48: {  	s8 =	simm.s32 $0x400;
	[sflag:s30] =	ssyncadd.s32 $0xFFFFFF80  }
0x49: {  	[tilespmem:s8], [sflag:$0x1] =	stream.indirect.gather [hbm4b:s0+s23], $0x80, s7, s23, $0xb8;
	[tilespmem:$0x18C80] =	vst v63  }
0x4a: {  	s3 =	simm.s32 $0xC400  }
0x4b: {  	[tilespmem:s3], [sflag:$0x4] =	stream.indirect.gather [hbm4b:s1+s23], $0x80, s22, s23, $0xb8;
	[tilespmem:$0x18C80] =	vst v63  }
0x4c: {  	s6 =	simm.s32 $0x4400  }
0x4d: {  	[tilespmem:s6], [sflag:$0x2] =	stream.indirect.gather [hbm4b:s0+s23], $0x80, s23, s23, $0xb8;
	[tilespmem:$0x18C80] =	vst v63  }
0x4e: {  	s8 =	simm.s32 $0x10400  }
0x4f: {  	[tilespmem:s8], [sflag:$0x5] =	stream.indirect.gather [hbm4b:s1+s23], $0x80, s24, s23, $0xb8;
	[tilespmem:$0x18C80] =	vst v63  }
0x50: {  	s3 =	simm.s32 $0x8400  }
0x51: {  	[tilespmem:s3], [sflag:$0x3] =	stream.indirect.gather [hbm4b:s0+s23], $0x80, s25, s23, $0xb8;
	[tilespmem:$0x18C80] =	vst v63  }
0x52: {  	s6 =	simm.s32 $0x14400  }
0x53: {  	[tilespmem:s6], [sflag:$0x6] =	stream.indirect.gather [hbm4b:s1+s23], $0x80, s26, s23, $0xb8;
	[tilespmem:$0x18C80] =	vst v63  }
0x54: {  	s8 =	rddreg [dreg:$0x4];
	s3 =	simm.s32 $0x18A80  }
0x55: {  	[tilespmem:s3], [sflag:$0x8] =	stream.linear.gather [hbm4b:s8+s7], $0x80, $0x38;
	[tilespmem:$0x18C80] =	vst v63  }
0x56: {  	_ =	swait.ge [sflag:s28], $0x80  }
0x57: {  	[sflag:s28] =	ssyncset.done $0x0  }
0x58: {  	[sflag:s28] =	ssyncadd.s32 $0xFFFFFF80  }
0x59: {  	s8 =	simm.s32 $0x18B00;
	s6 =	rddreg [dreg:$0x5]  }
0x5a: {  	[tilespmem:s8], [sflag:$0x8] =	stream.linear.gather [hbm4b:s6+s7], $0x80, $0x38;
	[tilespmem:$0x18C80] =	vst v63  }
0x5b: {  	_ =	swait.ge [sflag:s28], $0x80  }
0x5c: {  	[sflag:s28] =	ssyncset.done $0x0  }
0x5d: {  	[sflag:s28] =	ssyncadd.s32 $0xFFFFFF80  }
0x5e: {  	s8 =	simm.s32 $0x18B80;
	s6 =	rddreg [dreg:$0x6]  }
0x5f: {  	[tilespmem:s8], [sflag:$0x8] =	stream.linear.gather [hbm4b:s6+s7], $0x80, $0x38;
	[tilespmem:$0x18C80] =	vst v63  }
0x60: {  	_ =	swait.ge [sflag:s28], $0x80  }
0x61: {  	[sflag:s28] =	ssyncset.done $0x0  }
0x62: {  	[sflag:s28] =	ssyncadd.s32 $0xFFFFFF80  }
0x63: {  	s8 =	simm.s32 $0x18C00;
	s6 =	rddreg [dreg:$0x7]  }
0x64: {  	[tilespmem:s8], [sflag:$0x8] =	stream.linear.gather [hbm4b:s6+s7], $0x80, $0x38;
	[tilespmem:$0x18C80] =	vst v63  }
0x65: {  	_ =	swait.ge [sflag:s28], $0x80  }
0x66: {  	[sflag:s28] =	ssyncset.done $0x0  }
0x67: {  	s3 =	simm.s32 $0x18600;
	[sflag:s28] =	ssyncadd.s32 $0xFFFFFF80  }
0x68: {  	[tilespmem:s3], [sflag:$0x8] =	stream.linear.gather [hbm4b:s18+s7], $0x200, $0x38;
	[tilespmem:$0x18C80] =	vst v63  }
0x69: {  	_ =	swait.ge [sflag:s28], $0x200  }
0x6a: {  	[sflag:s28] =	ssyncset.done $0x0  }
0x6b: {  	s6 =	simm.s32 $0x18800;
	[sflag:s28] =	ssyncadd.s32 $0xFFFFFE00  }
0x6c: {  	[tilespmem:s6], [sflag:$0x8] =	stream.linear.gather [hbm4b:s19+s7], $0x200, $0x38;
	[tilespmem:$0x18C80] =	vst v63  }
0x6d: {  	_ =	swait.ge [sflag:s28], $0x200  }
0x6e: {  	[sflag:s28] =	ssyncset.done $0x0  }
0x6f: {  	s8 =	simm.s32 $0x18A00;
	[sflag:s28] =	ssyncadd.s32 $0xFFFFFE00  }
0x70: {  	[tilespmem:s8], [sflag:$0x8] =	stream.linear.gather [hbm4b:s9+s7], $0x80, $0x38;
	[tilespmem:$0x18C80] =	vst v63  }
0x71: {  	_ =	swait.ge [sflag:s28], $0x80  }
0x72: {  	[sflag:s28] =	ssyncset.done $0x0  }
0x73: {  	[sflag:s28] =	ssyncadd.s32 $0xFFFFFF80  }
0x74: {  	v16 =	vld [tilespmem:$0x18A80]  }
0x75: {  	v17 =	vld [tilespmem:$0x18A90]  }
0x76: {  	v0 =	vld [tilespmem:$0x18B00]  }
0x77: {  	v32 =	vld [tilespmem:$0x18B10]  }
0x78: {  	v33 =	vld [tilespmem:$0x18B20]  }
0x79: {  	v34 =	vld [tilespmem:$0x18B30]  }
0x7a: {  	v35 =	vld [tilespmem:$0x18B40]  }
0x7b: {  	v36 =	vld [tilespmem:$0x18B50];
	[tilespmem:$0x1FD80] =	vst v0  }
0x7c: {  	v37 =	vld [tilespmem:$0x18B60];
	[tilespmem:$0x1FD90] =	vst v32  }
0x7d: {  	v38 =	vld [tilespmem:$0x18B70];
	[tilespmem:$0x1FDA0] =	vst v33  }
0x7e: {  	v39 =	vld [tilespmem:$0x18C00];
	[tilespmem:$0x1FDB0] =	vst v34  }
0x7f: {  	v42 =	vld [tilespmem:$0x18C10];
	[tilespmem:$0x1FDC0] =	vst v35  }
0x80: {  	v45 =	vld [tilespmem:$0x18C20];
	[tilespmem:$0x1FDD0] =	vst v36  }
0x81: {  	v48 =	vld [tilespmem:$0x18C30];
	[tilespmem:$0x1FDE0] =	vst v37  }
0x82: {  	v51 =	vld [tilespmem:$0x18C40];
	[tilespmem:$0x1FDF0] =	vst v38  }
0x83: {  	v54 =	vld [tilespmem:$0x18C50];
	[tilespmem:$0x1FE00] =	vst v39  }
0x84: {  	v57 =	vld [tilespmem:$0x18C60];
	[tilespmem:$0x1FE30] =	vst v42  }
0x85: {  	v60 =	vld [tilespmem:$0x18C70];
	[tilespmem:$0x1FE60] =	vst v45  }
0x86: {  	v63 =	vld [tilespmem:$0x18A00];
	[tilespmem:$0x1FE90] =	vst v48  }
0x87: {  	v19 =	vld [tilespmem:$0x18AA0];
	[tilespmem:$0x1FEC0] =	vst v51  }
0x88: {  	v20 =	vld [tilespmem:$0x18AB0];
	[tilespmem:$0x1FEF0] =	vst v54  }
0x89: {  	v22 =	vld [tilespmem:$0x18AC0];
	[tilespmem:$0x1FF20] =	vst v57  }
0x8a: {  	v23 =	vld [tilespmem:$0x18AD0];
	v40 =	vmul.f32 $9.999949930e-01, v16;
	[tilespmem:$0x1FF50] =	vst v60  }
0x8b: {  	v25 =	vld [tilespmem:$0x18AE0];
	v41 =	vmul.f32 $9.999949930e-01, v17;
	[tilespmem:$0x1FF80] =	vst v63  }
0x8c: {  	v26 =	vld [tilespmem:$0x18AF0];
	v43 =	vmul.f32 $9.999949930e-01, v19;
	[tilespmem:$0x1FE10] =	vst v40  }
0x8d: {  	v28 =	vld [tilespmem:$0x18B80];
	v44 =	vmul.f32 $9.999949930e-01, v20;
	[tilespmem:$0x1FE20] =	vst v41  }
0x8e: {  	v29 =	vld [tilespmem:$0x18B90];
	v46 =	vmul.f32 $9.999949930e-01, v22;
	[tilespmem:$0x1FE40] =	vst v43  }
0x8f: {  	v31 =	vld [tilespmem:$0x18BA0];
	v47 =	vmul.f32 $9.999949930e-01, v23;
	[tilespmem:$0x1FE50] =	vst v44  }
0x90: {  	v32 =	vld [tilespmem:$0x18BB0];
	v49 =	vmul.f32 $9.999949930e-01, v25;
	[tilespmem:$0x1FE70] =	vst v46  }
0x91: {  	v34 =	vld [tilespmem:$0x18BC0];
	v50 =	vmul.f32 $9.999949930e-01, v26;
	[tilespmem:$0x1FE80] =	vst v47  }
0x92: {  	v35 =	vld [tilespmem:$0x18BD0];
	v52 =	vmul.f32 $9.999949930e-01, v28;
	[tilespmem:$0x1FEA0] =	vst v49  }
0x93: {  	v37 =	vld [tilespmem:$0x18BE0];
	v53 =	vmul.f32 $9.999949930e-01, v29;
	[tilespmem:$0x1FEB0] =	vst v50  }
0x94: {  	v38 =	vld [tilespmem:$0x18BF0];
	v55 =	vmul.f32 $9.999949930e-01, v31;
	[tilespmem:$0x1FED0] =	vst v52  }
0x95: {  	[tilespmem:$0x1FEE0] =	vst v53;
	v56 =	vmul.f32 $9.999949930e-01, v32  }
0x96: {  	[tilespmem:$0x1FF00] =	vst v55;
	v58 =	vmul.f32 $9.999949930e-01, v34  }
.Ltmp2:
0x97: {  	v59 =	vmul.f32 $9.999949930e-01, v35;
	[tilespmem:$0x1FF10] =	vst v56;
	(pc) =	sbr.rel .LBB2_2-.Ltmp2, $4  }
0x98: {  	v61 =	vmul.f32 $9.999949930e-01, v37;
	[tilespmem:$0x1FF30] =	vst v58  }
0x99: {  	v62 =	vmul.f32 $9.999949930e-01, v38;
	[tilespmem:$0x1FF40] =	vst v59  }
0x9a: {  	[tilespmem:$0x1FF60] =	vst v61  }
0x9b: {  	s29 =	simm.s32 $0x0;
	s31 =	simm.s32 $0x0;
	s6 =	simm.s32 $0x0;
	[tilespmem:$0x1FF70] =	vst v62  }
.LBB2_8:
0x9c: {  	s8 =	simm.s32 $0x6;
	s2 =	simm.s32 $0x3  }
.LBB2_9:
0x9d: {  	_ =	swait.ge [sflag:s2], $0x4000  }
0x9e: {  	[sflag:s2] =	ssyncset.done $0x0  }
0x9f: {  	[sflag:s2] =	ssyncadd.s32 $0xFFFFC000  }
0xa0: {  	_ =	swait.ge [sflag:s8], $0x4000  }
0xa1: {  	[sflag:s8] =	ssyncset.done $0x0  }
0xa2: {  	[sflag:s8] =	ssyncadd.s32 $0xFFFFC000  }
.LBB2_10:
0xa3: {  	v18 =	vld [tilespmem:$0x1FE10]  }
0xa4: {  	v30 =	vld [tilespmem:$0x1FED0]  }
0xa5: {  	v21 =	vld [tilespmem:$0x1FD80]  }
0xa6: {  	v19 =	vld [tilespmem:$0x1FE20]  }
0xa7: {  	v31 =	vld [tilespmem:$0x1FEE0]  }
0xa8: {  	v17 =	vld [tilespmem:$0x1FE00]  }
0xa9: {  	v33 =	vld [tilespmem:$0x1FE40]  }
0xaa: {  	v1 =	vld [tilespmem:$0x1FF00]  }
0xab: {  	v11 =	vld [tilespmem:$0x1FD90]  }
0xac: {  	v20 =	vld [tilespmem:$0x1FE30]  }
0xad: {  	v23 =	vld [tilespmem:$0x1FDA0]  }
0xae: {  	v0 =	vld [tilespmem:$0x1FE60]  }
0xaf: {  	v22 =	vld [tilespmem:$0x1FE50]  }
0xb0: {  	v34 =	vld [tilespmem:$0x1FF10]  }
0xb1: {  	v24 =	vld [tilespmem:$0x1FE70]  }
0xb2: {  	v36 =	vld [tilespmem:$0x1FF30]  }
0xb3: {  	v12 =	vld [tilespmem:$0x1FDB0]  }
0xb4: {  	v26 =	vld [tilespmem:$0x1FE90]  }
0xb5: {  	v25 =	vld [tilespmem:$0x1FE80]  }
0xb6: {  	v13 =	vld [tilespmem:$0x1FDC0]  }
0xb7: {  	v29 =	vld [tilespmem:$0x1FEC0]  }
0xb8: {  	v37 =	vld [tilespmem:$0x1FF40]  }
0xb9: {  	v14 =	vld [tilespmem:$0x1FDD0]  }
0xba: {  	v27 =	vld [tilespmem:$0x1FEA0]  }
0xbb: {  	v10 =	vld [tilespmem:$0x1FF60]  }
0xbc: {  	v32 =	vld [tilespmem:$0x1FEF0]  }
0xbd: {  	v28 =	vld [tilespmem:$0x1FEB0]  }
0xbe: {  	v9 =	vld [tilespmem:$0x1FF70]  }
0xbf: {  	s2 =	sand.u32 $0xC000, s29;
	v15 =	vld [tilespmem:$0x1FDE0]  }
0xc0: {  	p0 =	slt.u32 s6, $0x18;
	v35 =	vld [tilespmem:$0x1FF20];
	s8 =	sadd.s32 $0xFFFF4000, s2  }
0xc1: {  	s3 =	sand.u32 $0x3800, s29;
	v16 =	vld [tilespmem:$0x1FDF0];
	s8 =	smov.u32 @p0 s2  }
0xc2: {  	v38 =	vld [tilespmem:$0x1FF50];
	s8 =	sor.u32 s3, s8  }
0xc3: {  	v40 =	vld [tilespmem:s8+$0x400]  }
0xc4: {  	v41 =	vld [tilespmem:s8+$0xC400]  }
0xc5: {  	v42 =	vld [tilespmem:s8+$0x410]  }
0xc6: {  	v43 =	vld [tilespmem:s8+$0xC410]  }
0xc7: {  	v44 =	vld [tilespmem:s8+$0x420]  }
0xc8: {  	v45 =	vld [tilespmem:s8+$0xC420]  }
0xc9: {  	v46 =	vld [tilespmem:s8+$0x430]  }
0xca: {  	v47 =	vld [tilespmem:s8+$0xC430]  }
0xcb: {  	v48 =	vld [tilespmem:s8+$0x440]  }
0xcc: {  	v49 =	vld [tilespmem:s8+$0xC440]  }
0xcd: {  	v50 =	vld [tilespmem:s8+$0x450]  }
0xce: {  	v51 =	vld [tilespmem:s8+$0xC450]  }
0xcf: {  	v52 =	vld [tilespmem:s8+$0x460]  }
0xd0: {  	v53 =	vld [tilespmem:s8+$0xC460];
	v40 =	vmul.f32 v40, v18;
	v41 =	vmul.f32 v41, v30  }
0xd1: {  	v54 =	vld [tilespmem:s8+$0x470];
	v42 =	vmul.f32 v42, v19;
	v43 =	vmul.f32 v43, v31  }
0xd2: {  	v4 =	vld [tilespmem:s8+$0xC470];
	v44 =	vmul.f32 v44, v33;
	v45 =	vmul.f32 v45, v1  }
0xd3: {  	v7 =	vld [tilespmem:s8+$0x480];
	v58 =	vmul.f32 v46, v22;
	v59 =	vmul.f32 v47, v34  }
0xd4: {  	v57 =	vld [tilespmem:s8+$0x4A0];
	v48 =	vmul.f32 v48, v24;
	v49 =	vmul.f32 v49, v36  }
0xd5: {  	v60 =	vld [tilespmem:s8+$0xC480];
	v50 =	vmul.f32 v50, v25;
	v51 =	vmul.f32 v51, v37  }
0xd6: {  	v55 =	vld [tilespmem:s8+$0x490];
	v52 =	vmul.f32 v52, v27;
	v53 =	vmul.f32 v53, v10  }
0xd7: {  	v63 =	vld [tilespmem:s8+$0xC4B0];
	v54 =	vmul.f32 v54, v28;
	v40 =	vadd.f32 v40, v21;
	v41 =	vadd.f32 v41, v17  }
0xd8: {  	v56 =	vld [tilespmem:s8+$0xC490];
	v7 =	vmul.f32 v7, v18;
	v42 =	vadd.f32 v42, v11;
	v43 =	vadd.f32 v43, v20  }
0xd9: {  	v2 =	vmul.f32 v57, v33;
	v57 =	vld [tilespmem:s8+$0x560];
	v44 =	vadd.f32 v44, v23;
	v45 =	vadd.f32 v45, v0  }
0xda: {  	v47 =	vmul.f32 v60, v30;
	v46 =	vadd.f32 v59, v26;
	v48 =	vadd.f32 v48, v13;
	v59 =	vld [tilespmem:s8+$0x4B0]  }
0xdb: {  	v60 =	vmul.f32 v55, v19;
	v50 =	vadd.f32 v50, v14;
	v6 =	vadd.f32 v54, v16;
	v54 =	vld [tilespmem:s8+$0x4C0]  }
0xdc: {  	v63 =	vmul.f32 v63, v34;
	v51 =	vadd.f32 v51, v32;
	v62 =	vadd.f32 v53, v35;
	v53 =	vld [tilespmem:s8+$0x530]  }
0xdd: {  	v49 =	vadd.f32 v49, v29;
	v5 =	vmul.f32 v45, v44;
	v45 =	vadd.f32 v58, v12;
	v58 =	vld [tilespmem:s8+$0xC4A0]  }
0xde: {  	v61 =	vadd.f32 v52, v15;
	v40 =	vmul.f32 v41, v40;
	v50 =	vmul.f32 v51, v50;
	v51 =	vld [tilespmem:s8+$0xC4C0]  }
0xdf: {  	v47 =	vadd.f32 v47, v17;
	v42 =	vmul.f32 v43, v42;
	v41 =	vmul.f32 v4, v9;
	v44 =	vld [tilespmem:s8+$0x4D0]  }
0xe0: {  	v48 =	vmul.f32 v49, v48;
	v4 =	vadd.f32 v60, v11;
	v49 =	vld [tilespmem:s8+$0xC500];
	v57 =	vmul.f32 v57, v27  }
0xe1: {  	v60 =	vld [tilespmem:s8+$0xC520];
	v45 =	vmul.f32 v46, v45;
	v41 =	vadd.f32 v41, v38;
	v46 =	vmul.f32 v62, v61  }
0xe2: {  	v40 =	vadd.f32 v42, v40;
	v8 =	vadd.f32 v50, v48;
	v48 =	vld [tilespmem:s8+$0xC4D0];
	v61 =	vmul.f32 v56, v31  }
0xe3: {  	v42 =	vadd.f32 v7, v21;
	v62 =	vld [tilespmem:s8+$0xC4E0];
	v7 =	vmul.f32 v59, v22;
	v54 =	vmul.f32 v54, v24  }
0xe4: {  	v56 =	vld [tilespmem:s8+$0x4F0];
	v53 =	vmul.f32 v53, v22;
	v41 =	vmul.f32 v41, v6  }
0xe5: {  	v59 =	vld [tilespmem:s8+$0xC560];
	v43 =	vadd.f32 v45, v5;
	v42 =	vmul.f32 v47, v42;
	v5 =	vadd.f32 v61, v20  }
0xe6: {  	v6 =	vld [tilespmem:s8+$0xC4F0];
	v47 =	vadd.f32 v63, v26;
	v3 =	vmul.f32 v58, v1;
	v51 =	vmul.f32 v51, v36  }
0xe7: {  	v61 =	vld [tilespmem:s8+$0xC530];
	v44 =	vmul.f32 v44, v25;
	v54 =	vadd.f32 v54, v13;
	v41 =	vadd.f32 v41, v46  }
0xe8: {  	v58 =	vld [tilespmem:s8+$0x500];
	v39 =	vmul.f32 v49, v30;
	v40 =	vadd.f32 v43, v40;
	v43 =	vadd.f32 v2, v23  }
0xe9: {  	v46 =	vld [tilespmem:s8+$0x4E0];
	v2 =	vadd.f32 v7, v12;
	v55 =	vadd.f32 v3, v0;
	v48 =	vmul.f32 v48, v37  }
0xea: {  	v3 =	vld [tilespmem:s8+$0x510];
	v51 =	vadd.f32 v51, v29;
	v44 =	vadd.f32 v44, v14;
	v52 =	vmul.f32 v62, v10  }
0xeb: {  	v56 =	vmul.f32 v56, v28;
	v41 =	vadd.f32 v41, v8;
	v8 =	vmul.f32 v5, v4;
	v4 =	vld [tilespmem:s8+$0xC510]  }
0xec: {  	v5 =	vld [tilespmem:s8+$0x520];
	v47 =	vmul.f32 v47, v2;
	v43 =	vmul.f32 v55, v43;
	v48 =	vadd.f32 v48, v32  }
0xed: {  	v52 =	vadd.f32 v52, v35;
	v50 =	vmul.f32 v6, v9;
	v6 =	vmul.f32 v51, v54;
	v54 =	vld [tilespmem:s8+$0xC550]  }
0xee: {  	v7 =	vadd.f32 v56, v16;
	v55 =	vld [tilespmem:s8+$0xC580];
	v42 =	vadd.f32 v8, v42;
	v8 =	vmul.f32 v58, v18  }
0xef: {  	v51 =	vld [tilespmem:s8+$0xC590];
	v40 =	vadd.f32 v41, v40;
	v46 =	vmul.f32 v46, v27;
	v44 =	vmul.f32 v48, v44  }
0xf0: {  	v48 =	vld [tilespmem:s8+$0x540];
	v50 =	vadd.f32 v50, v38;
	v43 =	vadd.f32 v47, v43;
	v62 =	vmul.f32 v3, v19  }
0xf1: {  	v47 =	vld [tilespmem:s8+$0x550];
	v45 =	vadd.f32 v8, v21;
	v3 =	vmul.f32 v60, v1;
	v46 =	vadd.f32 v46, v15  }
0xf2: {  	v8 =	vld [tilespmem:s8+$0xC570];
	v41 =	vadd.f32 v44, v6;
	v63 =	vmul.f32 v4, v31;
	v2 =	vmul.f32 v5, v33  }
0xf3: {  	v60 =	vld [tilespmem:s8+$0x5C0];
	v44 =	vadd.f32 v39, v17;
	v50 =	vmul.f32 v50, v7;
	v7 =	vmul.f32 v61, v34  }
0xf4: {  	v6 =	vld [tilespmem:s8+$0x570];
	v42 =	vadd.f32 v43, v42;
	v58 =	vadd.f32 v3, v0;
	v3 =	vmul.f32 v54, v37  }
0xf5: {  	v61 =	vld [tilespmem:s8+$0x5B0];
	v49 =	vadd.f32 v62, v11;
	v51 =	vmul.f32 v51, v31;
	v46 =	vmul.f32 v52, v46  }
0xf6: {  	v54 =	vld [tilespmem:s8+$0x5A0];
	v4 =	vadd.f32 v63, v20;
	v5 =	vadd.f32 v2, v23;
	v44 =	vmul.f32 v44, v45  }
0xf7: {  	v52 =	vld [tilespmem:s8+$0xC540];
	v62 =	vadd.f32 v7, v26;
	v63 =	vmul.f32 v48, v24;
	v47 =	vmul.f32 v47, v25  }
0xf8: {  	v46 =	vadd.f32 v50, v46;
	v45 =	vmul.f32 v4, v49;
	v49 =	vld [tilespmem:s8+$0x580];
	v50 =	vmul.f32 v58, v5  }
0xf9: {  	v58 =	vadd.f32 v53, v12;
	v4 =	vmul.f32 v59, v10;
	v59 =	vld [tilespmem:s8+$0xC5A0];
	v53 =	vadd.f32 v3, v32  }
0xfa: {  	v5 =	vmul.f32 v8, v9;
	v3 =	vmul.f32 v55, v30;
	v55 =	vld [tilespmem:s8+$0xC5C0];
	v43 =	vadd.f32 v63, v13  }
0xfb: {  	v56 =	vmul.f32 v6, v28;
	v41 =	vadd.f32 v46, v41;
	v46 =	vmul.f32 v62, v58;
	v58 =	vld [tilespmem:s8+$0xC5B0]  }
0xfc: {  	v47 =	vadd.f32 v47, v14;
	v39 =	vadd.f32 v5, v38;
	v5 =	vld [tilespmem:s8+$0x5D0];
	v2 =	vmul.f32 v52, v36  }
0xfd: {  	v60 =	vmul.f32 v60, v24;
	v6 =	vadd.f32 v57, v15;
	v62 =	vld [tilespmem:s8+$0xC600];
	v8 =	vadd.f32 v56, v16  }
0xfe: {  	v7 =	vadd.f32 v4, v35;
	v52 =	vld [tilespmem:s8+$0x590];
	v47 =	vmul.f32 v53, v47;
	v48 =	vadd.f32 v2, v29  }
0xff: {  	v44 =	vadd.f32 v45, v44;
	v2 =	vmul.f32 v49, v18;
	v53 =	vmul.f32 v39, v8;
	v39 =	vld [tilespmem:s8+$0xC5E0]  }
0x100: {  	v60 =	vadd.f32 v60, v13;
	v43 =	vmul.f32 v48, v43;
	v48 =	vmul.f32 v7, v6;
	v6 =	vld [tilespmem:s8+$0xC5D0]  }
0x101: {  	v46 =	vadd.f32 v46, v50;
	v49 =	vadd.f32 v3, v17;
	v3 =	vmul.f32 v61, v22;
	v7 =	vld [tilespmem:s8+$0x5E0]  }
0x102: {  	v8 =	vmul.f32 v54, v33;
	v55 =	vmul.f32 v55, v36;
	v45 =	vadd.f32 v2, v21;
	v2 =	vld [tilespmem:s8+$0x5F0]  }
0x103: {  	v63 =	vmul.f32 v59, v1;
	v54 =	vadd.f32 v3, v12;
	v3 =	vld [tilespmem:$0x1FFA0];
	v4 =	vmul.f32 v52, v19  }
0x104: {  	v55 =	vadd.f32 v55, v29;
	v52 =	vmul.f32 v5, v25;
	v5 =	vld [tilespmem:s8+$0x600];
	v43 =	vadd.f32 v47, v43  }
0x105: {  	v45 =	vmul.f32 v49, v45;
	v48 =	vadd.f32 v53, v48;
	v50 =	vadd.f32 v4, v11;
	v4 =	vld [tilespmem:s8+$0xC5F0]  }
0x106: {  	v51 =	vadd.f32 v51, v20;
	v49 =	vmul.f32 v39, v10;
	v39 =	vmul.f32 v55, v60;
	v55 =	vld [tilespmem:s8+$0x620]  }
0x107: {  	v44 =	vadd.f32 v46, v44;
	v43 =	vadd.f32 v48, v43;
	v53 =	vmul.f32 v2, v28;
	v2 =	vld [tilespmem:s8+$0x670]  }
0x108: {  	v50 =	vmul.f32 v51, v50;
	v51 =	vadd.f32 v63, v0;
	v63 =	vmul.f32 v62, v30;
	v62 =	vld [tilespmem:s8+$0x6E0]  }
0x109: {  	v58 =	vmul.f32 v58, v34;
	v56 =	vmul.f32 v7, v27;
	v43 =	vadd.f32 v43, v44;
	v44 =	vld [tilespmem:s8+$0x640]  }
0x10a: {  	v41 =	vadd.f32 v41, v42;
	v47 =	vadd.f32 v8, v23;
	v61 =	vmul.f32 v5, v18;
	v5 =	vld [tilespmem:s8+$0x680]  }
0x10b: {  	v58 =	vadd.f32 v58, v26;
	v57 =	vmul.f32 v6, v37;
	v7 =	vadd.f32 v56, v15;
	v56 =	vld [tilespmem:s8+$0x610]  }
0x10c: {  	v52 =	vadd.f32 v52, v14;
	v6 =	vperm.xlane v41, v3;
	v47 =	vmul.f32 v51, v47;
	v51 =	vld [tilespmem:s8+$0xC620]  }
0x10d: {  	v49 =	vadd.f32 v49, v35;
	v45 =	vadd.f32 v50, v45;
	v50 =	vld [tilespmem:s8+$0x630]  }
0x10e: {  	v54 =	vmul.f32 v58, v54;
	v57 =	vadd.f32 v57, v32;
	v41 =	vadd.f32 v41, v6;
	v6 =	vld [tilespmem:s8+$0xC680]  }
0x10f: {  	v53 =	vadd.f32 v53, v16;
	v59 =	vmul.f32 v4, v9;
	v55 =	vmul.f32 v55, v33;
	v4 =	vld [tilespmem:s8+$0xC670]  }
0x110: {  	v42 =	vadd.f32 v61, v21;
	v52 =	vmul.f32 v57, v52;
	v57 =	vmul.f32 v49, v7;
	v49 =	vld [tilespmem:s8+$0xC630]  }
0x111: {  	v47 =	vadd.f32 v54, v47;
	v54 =	vld [tilespmem:s8+$0xC650];
	v8 =	vadd.f32 v59, v38;
	v2 =	vmul.f32 v2, v28  }
0x112: {  	v59 =	vld [tilespmem:s8+$0xC610];
	v55 =	vadd.f32 v55, v23;
	v62 =	vmul.f32 v62, v27;
	v44 =	vmul.f32 v44, v24  }
0x113: {  	v45 =	vadd.f32 v47, v45;
	v47 =	vld [tilespmem:s8+$0xC640];
	v5 =	vmul.f32 v5, v18;
	v58 =	vmul.f32 v8, v53  }
0x114: {  	v46 =	vadd.f32 v52, v39;
	v52 =	vld [tilespmem:s8+$0x650];
	v56 =	vmul.f32 v56, v19;
	v51 =	vmul.f32 v51, v1  }
0x115: {  	v8 =	vld [tilespmem:$0x1FF90];
	v50 =	vmul.f32 v50, v22;
	v6 =	vmul.f32 v6, v30;
	v44 =	vadd.f32 v44, v13  }
0x116: {  	v4 =	vmul.f32 v4, v9;
	v48 =	vadd.f32 v58, v57;
	v39 =	vadd.f32 v56, v11  }
0x117: {  	v49 =	vmul.f32 v49, v34;
	v51 =	vadd.f32 v51, v0;
	v50 =	vadd.f32 v50, v12  }
0x118: {  	v54 =	vmul.f32 v54, v37;
	v7 =	vmul.f32 v59, v31;
	v56 =	vadd.f32 v4, v38  }
0x119: {  	v57 =	vld [tilespmem:s8+$0x660];
	v46 =	vadd.f32 v48, v46;
	v48 =	vadd.f32 v63, v17;
	v47 =	vmul.f32 v47, v36  }
0x11a: {  	v59 =	vld [tilespmem:s8+$0xC660];
	v49 =	vadd.f32 v49, v26;
	v52 =	vmul.f32 v52, v25;
	v60 =	vperm.xlane v40, v8  }
0x11b: {  	v61 =	vld [tilespmem:s8+$0xC6C0];
	v58 =	vadd.f32 v7, v20;
	v45 =	vadd.f32 v46, v45;
	v46 =	vperm.xlane v43, v8  }
0x11c: {  	v63 =	vld [tilespmem:s8+$0xC690];
	v42 =	vmul.f32 v48, v42;
	v47 =	vadd.f32 v47, v29;
	v49 =	vmul.f32 v49, v50  }
0x11d: {  	v50 =	vld [tilespmem:s8+$0x6A0];
	v7 =	vadd.f32 v52, v14;
	v40 =	vadd.f32 v60, v40;
	v48 =	vmul.f32 v58, v39  }
0x11e: {  	v52 =	vld [tilespmem:s8+$0xC6A0];
	v39 =	vadd.f32 v54, v32;
	v57 =	vmul.f32 v57, v27;
	v53 =	vperm.xlane v45, v3  }
0x11f: {  	v58 =	vld [tilespmem:s8+$0x690];
	v44 =	vmul.f32 v47, v44;
	v43 =	vadd.f32 v46, v43;
	v59 =	vmul.f32 v59, v10  }
0x120: {  	v60 =	vld [tilespmem:s8+$0xC6D0];
	v40 =	vsel vm0, v40, v41;
	v41 =	vmul.f32 v51, v55;
	v46 =	vadd.f32 v57, v15  }
0x121: {  	v55 =	vld [tilespmem:s8+$0x6B0];
	v47 =	vmul.f32 v39, v7;
	v51 =	vadd.f32 v2, v16;
	v39 =	vadd.f32 v5, v21  }
0x122: {  	v57 =	vld [tilespmem:s8+$0x6C0];
	v7 =	vmul.f32 v63, v31;
	v2 =	vadd.f32 v6, v17;
	v48 =	vadd.f32 v48, v42  }
0x123: {  	v63 =	vld [tilespmem:s8+$0x6D0];
	v45 =	vadd.f32 v45, v53;
	v54 =	vadd.f32 v59, v35;
	v51 =	vmul.f32 v56, v51  }
0x124: {  	v53 =	vld [tilespmem:s8+$0xC6B0];
	v5 =	vadd.f32 v7, v20;
	v42 =	vmul.f32 v2, v39;
	v50 =	vmul.f32 v50, v33  }
0x125: {  	v49 =	vadd.f32 v49, v41;
	v6 =	vmul.f32 v52, v1;
	v7 =	vld [tilespmem:s8+$0x6F0];
	v44 =	vadd.f32 v47, v44  }
0x126: {  	v2 =	vld [tilespmem:s8+$0xC6F0];
	v58 =	vmul.f32 v58, v19;
	v46 =	vmul.f32 v54, v46;
	v50 =	vadd.f32 v50, v23  }
0x127: {  	v39 =	vld [tilespmem:s8+$0xC700];
	v60 =	vmul.f32 v60, v37;
	v41 =	vadd.f32 v6, v0;
	v6 =	vadd.f32 v62, v15  }
0x128: {  	v54 =	vld [tilespmem:s8+$0xC6E0];
	v48 =	vadd.f32 v49, v48;
	v4 =	vadd.f32 v58, v11;
	v55 =	vmul.f32 v55, v22  }
0x129: {  	v62 =	vld [tilespmem:s8+$0xC710];
	v57 =	vmul.f32 v57, v24;
	v60 =	vadd.f32 v60, v32;
	v53 =	vmul.f32 v53, v34  }
0x12a: {  	v49 =	vld [tilespmem:s8+$0x750];
	v46 =	vadd.f32 v51, v46;
	v50 =	vmul.f32 v41, v50;
	v56 =	vmul.f32 v5, v4  }
0x12b: {  	v4 =	vmul.f32 v61, v36;
	v55 =	vadd.f32 v55, v12;
	v5 =	vmul.f32 v63, v25;
	v63 =	vld [tilespmem:s8+$0x700]  }
0x12c: {  	v57 =	vadd.f32 v57, v13;
	v58 =	vmul.f32 v2, v9;
	v44 =	vadd.f32 v46, v44;
	v46 =	vld [tilespmem:s8+$0xC740]  }
0x12d: {  	v52 =	vmul.f32 v7, v28;
	v53 =	vadd.f32 v53, v26;
	v59 =	vadd.f32 v4, v29;
	v4 =	vld [tilespmem:s8+$0x710]  }
0x12e: {  	v54 =	vmul.f32 v54, v10;
	v61 =	vadd.f32 v5, v14;
	v7 =	vadd.f32 v58, v38;
	v58 =	vld [tilespmem:s8+$0x720]  }
0x12f: {  	v39 =	vmul.f32 v39, v30;
	v52 =	vadd.f32 v52, v16;
	v44 =	vadd.f32 v44, v48;
	v48 =	vld [tilespmem:s8+$0xC750]  }
0x130: {  	v49 =	vmul.f32 v49, v25;
	v54 =	vadd.f32 v54, v35;
	v47 =	vmul.f32 v59, v57;
	v59 =	vld [tilespmem:s8+$0xC720]  }
0x131: {  	v5 =	vsel vm0, v43, v45;
	v53 =	vmul.f32 v53, v55;
	v52 =	vmul.f32 v7, v52;
	v7 =	vld [tilespmem:$0x1FFB0]  }
0x132: {  	v39 =	vadd.f32 v39, v17;
	v2 =	vmul.f32 v60, v61;
	v60 =	vmul.f32 v54, v6;
	v54 =	vld [tilespmem:s8+$0x730]  }
0x133: {  	v61 =	vadd.f32 v56, v42;
	v55 =	vperm.xlane v44, v8;
	v56 =	vadd.f32 v53, v50;
	v50 =	vld [tilespmem:s8+$0xC730]  }
0x134: {  	v49 =	vadd.f32 v49, v14;
	v46 =	vmul.f32 v46, v36;
	v47 =	vadd.f32 v2, v47;
	v2 =	vld [tilespmem:$0x1FFC0]  }
0x135: {  	v44 =	vadd.f32 v55, v44;
	v55 =	vld [tilespmem:s8+$0xC780];
	v43 =	vadd.f32 v56, v61;
	v61 =	vmul.f32 v63, v18  }
0x136: {  	v51 =	vadd.f32 v52, v60;
	v52 =	vld [tilespmem:s8+$0x740];
	v4 =	vmul.f32 v4, v19;
	v63 =	vmul.f32 v62, v31  }
0x137: {  	v56 =	vld [tilespmem:s8+$0xC760];
	v57 =	vmul.f32 v58, v33;
	v48 =	vmul.f32 v48, v37;
	v46 =	vadd.f32 v46, v29  }
0x138: {  	v53 =	vperm.xlane v40, v7;
	v60 =	vadd.f32 v51, v47;
	v45 =	vadd.f32 v61, v21;
	v51 =	vld [tilespmem:s8+$0x760]  }
0x139: {  	v4 =	vadd.f32 v4, v11;
	v47 =	vadd.f32 v63, v20;
	v58 =	vmul.f32 v59, v1;
	v59 =	vld [tilespmem:s8+$0x770]  }
0x13a: {  	v61 =	vadd.f32 v57, v23;
	v57 =	vld [tilespmem:s8+$0x790];
	v54 =	vmul.f32 v54, v22;
	v50 =	vmul.f32 v50, v34  }
0x13b: {  	v48 =	vadd.f32 v48, v32;
	v2 =	vperm.xlane v5, v2;
	v39 =	vmul.f32 v39, v45;
	v45 =	vld [tilespmem:s8+$0xC770]  }
0x13c: {  	v43 =	vadd.f32 v60, v43;
	v4 =	vmul.f32 v47, v4;
	v62 =	vadd.f32 v58, v0;
	v58 =	vld [tilespmem:s8+$0x780]  }
0x13d: {  	[tilespmem:$0x1FD40] =	vst v5;
	v60 =	vld [tilespmem:s8+$0xC790];
	v5 =	vadd.f32 v53, v40;
	v52 =	vmul.f32 v52, v24;
	v54 =	vadd.f32 v54, v12  }
0x13e: {  	v53 =	vld [tilespmem:s8+$0x7D0];
	v50 =	vadd.f32 v50, v26;
	v56 =	vmul.f32 v56, v10;
	[tilespmem:$0x1FD30] =	vst v2;
	v2 =	vperm.xlane v43, v3  }
0x13f: {  	v47 =	vmul.f32 v62, v61;
	v61 =	vld [tilespmem:s8+$0x7A0];
	v4 =	vadd.f32 v4, v39;
	v52 =	vadd.f32 v52, v13  }
0x140: {  	v62 =	vld [tilespmem:s8+$0xC7A0];
	v51 =	vmul.f32 v51, v27;
	v50 =	vmul.f32 v50, v54;
	v63 =	vadd.f32 v56, v35  }
0x141: {  	v54 =	vld [tilespmem:s8+$0x7B0];
	v6 =	vmul.f32 v59, v28;
	v43 =	vadd.f32 v43, v2;
	v46 =	vmul.f32 v46, v52  }
0x142: {  	v56 =	vld [tilespmem:s8+$0xC7B0];
	v51 =	vadd.f32 v51, v15;
	v45 =	vmul.f32 v45, v9;
	v2 =	vmul.f32 v58, v18  }
0x143: {  	v42 =	vmovc v3;
	v59 =	vld [tilespmem:s8+$0x7C0];
	v39 =	vadd.f32 v50, v47;
	v3 =	vmul.f32 v60, v31;
	v53 =	vmul.f32 v53, v25  }
0x144: {  	v50 =	vld [tilespmem:s8+$0xC7D0];
	v44 =	vsel vm0, v44, v43;
	v43 =	vmul.f32 v48, v49;
	v48 =	vmul.f32 v63, v51  }
0x145: {  	v60 =	vld [tilespmem:s8+$0x7F0];
	v63 =	vadd.f32 v6, v16;
	v45 =	vadd.f32 v45, v38;
	v6 =	vmul.f32 v55, v30  }
0x146: {  	[tilespmem:$0x1FD60] =	vst v5;
	v52 =	vld [tilespmem:s8+$0xC800];
	v40 =	vadd.f32 v2, v21;
	v2 =	vmul.f32 v57, v19;
	v5 =	vmul.f32 v61, v33  }
0x147: {  	v49 =	vld [tilespmem:s8+$0xC7C0];
	v4 =	vadd.f32 v39, v4;
	v53 =	vadd.f32 v53, v14;
	v54 =	vmul.f32 v54, v22  }
0x148: {  	v51 =	vld [tilespmem:s8+$0x7E0];
	v45 =	vmul.f32 v45, v63;
	v47 =	vadd.f32 v6, v17;
	v6 =	vmul.f32 v62, v1  }
0x149: {  	v57 =	vld [tilespmem:s8+$0xC7E0];
	v43 =	vadd.f32 v43, v46;
	v62 =	vmul.f32 v56, v34;
	v63 =	vmul.f32 v59, v24  }
0x14a: {  	v61 =	vld [tilespmem:s8+$0x800];
	v54 =	vadd.f32 v54, v12;
	v50 =	vmul.f32 v50, v37;
	v60 =	vmul.f32 v60, v28  }
0x14b: {  	v59 =	vld [tilespmem:s8+$0xC810];
	v45 =	vadd.f32 v45, v48;
	v46 =	vmul.f32 v47, v40;
	v47 =	vadd.f32 v2, v11  }
0x14c: {  	v52 =	vmul.f32 v52, v30;
	v40 =	vadd.f32 v3, v20;
	v2 =	vld [tilespmem:s8+$0xC7F0];
	v48 =	vadd.f32 v5, v23  }
0x14d: {  	v58 =	vadd.f32 v6, v0;
	v49 =	vmul.f32 v49, v36;
	v56 =	vadd.f32 v63, v13;
	v63 =	vld [tilespmem:s8+$0xC820]  }
0x14e: {  	v5 =	vld [tilespmem:s8+$0xC830];
	v51 =	vmul.f32 v51, v27;
	v57 =	vmul.f32 v57, v10;
	v50 =	vadd.f32 v50, v32  }
0x14f: {  	v6 =	vadd.f32 v60, v16;
	v60 =	vmul.f32 v61, v18;
	v48 =	vmul.f32 v58, v48;
	v58 =	vld [tilespmem:s8+$0x810]  }
0x150: {  	v61 =	vadd.f32 v52, v17;
	v39 =	vmul.f32 v40, v47;
	v47 =	vadd.f32 v62, v26;
	v62 =	vld [tilespmem:s8+$0x820]  }
0x151: {  	v49 =	vadd.f32 v49, v29;
	v43 =	vadd.f32 v45, v43;
	v3 =	vmul.f32 v50, v53;
	v50 =	vld [tilespmem:s8+$0x840]  }
0x152: {  	v51 =	vadd.f32 v51, v15;
	v57 =	vadd.f32 v57, v35;
	v47 =	vmul.f32 v47, v54;
	v54 =	vld [tilespmem:s8+$0x830]  }
0x153: {  	v39 =	vadd.f32 v39, v46;
	v46 =	vadd.f32 v60, v21;
	v60 =	vld [tilespmem:s8+$0xC870];
	v55 =	vmul.f32 v2, v9  }
0x154: {  	v4 =	vadd.f32 v43, v4;
	v2 =	vmul.f32 v49, v56;
	v51 =	vmul.f32 v57, v51;
	v56 =	vld [tilespmem:s8+$0xC840]  }
0x155: {  	v57 =	vld [tilespmem:s8+$0x850];
	v5 =	vmul.f32 v5, v34;
	v47 =	vadd.f32 v47, v48;
	v46 =	vmul.f32 v61, v46  }
0x156: {  	v48 =	vld [tilespmem:s8+$0xC850];
	v55 =	vadd.f32 v55, v38;
	v45 =	vadd.f32 v3, v2;
	v2 =	vmul.f32 v58, v19  }
0x157: {  	v61 =	vld [tilespmem:s8+$0x880];
	v3 =	vmul.f32 v59, v31;
	v5 =	vadd.f32 v5, v26;
	v39 =	vadd.f32 v47, v39  }
0x158: {  	v58 =	vld [tilespmem:s8+$0x870];
	v50 =	vmul.f32 v50, v24;
	v53 =	vmul.f32 v55, v6;
	v49 =	vadd.f32 v2, v11  }
0x159: {  	v55 =	vld [tilespmem:s8+$0x860];
	v6 =	vmul.f32 v62, v33;
	v47 =	vadd.f32 v3, v20;
	v2 =	vmul.f32 v63, v1  }
0x15a: {  	v54 =	vmul.f32 v54, v22;
	v62 =	vld [tilespmem:s8+$0xC880];
	v56 =	vmul.f32 v56, v36;
	v51 =	vadd.f32 v53, v51  }
0x15b: {  	v63 =	vld [tilespmem:s8+$0xC890];
	v57 =	vmul.f32 v57, v25;
	v52 =	vadd.f32 v6, v23;
	v59 =	vadd.f32 v2, v0  }
0x15c: {  	v53 =	vld [tilespmem:s8+$0xC860];
	v54 =	vadd.f32 v54, v12;
	v47 =	vmul.f32 v47, v49;
	v2 =	vadd.f32 v50, v13  }
0x15d: {  	v50 =	vld [tilespmem:s8+$0x890];
	v48 =	vmul.f32 v48, v37;
	v56 =	vadd.f32 v56, v29;
	v6 =	vmul.f32 v58, v28  }
0x15e: {  	v58 =	vld [tilespmem:s8+$0x8C0];
	v45 =	vadd.f32 v51, v45;
	v51 =	vmul.f32 v59, v52;
	v5 =	vmul.f32 v5, v54  }
0x15f: {  	v52 =	vld [tilespmem:s8+$0x8A0];
	v48 =	vadd.f32 v48, v32;
	v49 =	vmul.f32 v56, v2;
	v2 =	vadd.f32 v57, v14  }
0x160: {  	v54 =	vld [tilespmem:s8+$0xC8B0];
	v46 =	vadd.f32 v47, v46;
	v3 =	vmul.f32 v55, v27;
	v39 =	vadd.f32 v45, v39  }
0x161: {  	v56 =	vld [tilespmem:s8+$0xC8A0];
	v5 =	vadd.f32 v5, v51;
	v53 =	vmul.f32 v53, v10;
	v45 =	vmul.f32 v48, v2  }
0x162: {  	v55 =	vld [tilespmem:s8+$0x8B0];
	v43 =	vadd.f32 v3, v15;
	v2 =	vmul.f32 v60, v9;
	v3 =	vmul.f32 v61, v18  }
0x163: {  	v48 =	vadd.f32 v6, v16;
	v6 =	vmul.f32 v62, v30;
	v61 =	vld [tilespmem:s8+$0xC8C0];
	v50 =	vmul.f32 v50, v19  }
0x164: {  	v60 =	vld [tilespmem:s8+$0xC8D0];
	v58 =	vmul.f32 v58, v24;
	v5 =	vadd.f32 v5, v46;
	v53 =	vadd.f32 v53, v35  }
0x165: {  	v62 =	vld [tilespmem:s8+$0x8E0];
	v57 =	vadd.f32 v2, v38;
	v2 =	vmul.f32 v63, v31;
	v3 =	vadd.f32 v3, v21  }
0x166: {  	v63 =	vld [tilespmem:s8+$0x8D0];
	v6 =	vadd.f32 v6, v17;
	v50 =	vadd.f32 v50, v11;
	v52 =	vmul.f32 v52, v33  }
0x167: {  	v54 =	vmul.f32 v54, v34;
	v45 =	vadd.f32 v45, v49;
	v43 =	vmul.f32 v53, v43;
	v53 =	vld [tilespmem:s8+$0xC8E0]  }
0x168: {  	v2 =	vadd.f32 v2, v20;
	v47 =	vmul.f32 v6, v3;
	v6 =	vmul.f32 v56, v1;
	v56 =	vld [tilespmem:s8+$0x8F0]  }
0x169: {  	v58 =	vadd.f32 v58, v13;
	v48 =	vmul.f32 v57, v48;
	v52 =	vadd.f32 v52, v23;
	v57 =	vld [tilespmem:s8+$0xC8F0]  }
0x16a: {  	v50 =	vmul.f32 v2, v50;
	v51 =	vadd.f32 v6, v0;
	v2 =	vmul.f32 v61, v36;
	v6 =	vld [tilespmem:s8+$0xC900]  }
0x16b: {  	v54 =	vadd.f32 v54, v26;
	v62 =	vmul.f32 v62, v27;
	v3 =	vmul.f32 v63, v25;
	v63 =	vld [tilespmem:s8+$0x900]  }
0x16c: {  	v55 =	vmul.f32 v55, v22;
	v43 =	vadd.f32 v48, v43;
	v59 =	vadd.f32 v2, v29;
	v2 =	vld [tilespmem:s8+$0x910]  }
0x16d: {  	v60 =	vmul.f32 v60, v37;
	v51 =	vmul.f32 v51, v52;
	v52 =	vadd.f32 v62, v15;
	v62 =	vld [tilespmem:s8+$0x920]  }
0x16e: {  	v55 =	vadd.f32 v55, v12;
	v43 =	vadd.f32 v43, v45;
	v45 =	vld [tilespmem:s8+$0x950]  }
0x16f: {  	v60 =	vadd.f32 v60, v32;
	v47 =	vadd.f32 v50, v47;
	v50 =	vld [tilespmem:s8+$0x960];
	v53 =	vmul.f32 v53, v10  }
0x170: {  	v61 =	vadd.f32 v3, v14;
	v56 =	vmul.f32 v56, v28;
	v57 =	vmul.f32 v57, v9;
	v3 =	vld [tilespmem:s8+$0xC910]  }
0x171: {  	v54 =	vmul.f32 v54, v55;
	v49 =	vmul.f32 v59, v58;
	v59 =	vld [tilespmem:s8+$0x930];
	v53 =	vadd.f32 v53, v35  }
0x172: {  	v55 =	vadd.f32 v56, v16;
	v56 =	vadd.f32 v57, v38;
	v57 =	vld [tilespmem:s8+$0xC920]  }
0x173: {  	v58 =	vmul.f32 v60, v61;
	v61 =	vadd.f32 v54, v51;
	v51 =	vld [tilespmem:s8+$0x940];
	v54 =	vperm.xlane v39, v42  }
0x174: {  	v6 =	vmul.f32 v6, v30;
	v48 =	vmul.f32 v53, v52;
	v53 =	vld [tilespmem:s8+$0xC930]  }
0x175: {  	v5 =	vadd.f32 v43, v5;
	v60 =	vmul.f32 v56, v55;
	v55 =	vperm.xlane v4, v8;
	v52 =	vld [tilespmem:s8+$0xC940]  }
0x176: {  	v49 =	vadd.f32 v58, v49;
	v58 =	vadd.f32 v61, v47;
	v61 =	vmul.f32 v63, v18;
	v47 =	vld [tilespmem:s8+$0xC960]  }
0x177: {  	v56 =	vperm.xlane v44, v7;
	v2 =	vmul.f32 v2, v19;
	v6 =	vadd.f32 v6, v17;
	v63 =	vld [tilespmem:$0x1FD40]  }
0x178: {  	v45 =	vmul.f32 v45, v25;
	v48 =	vadd.f32 v60, v48;
	v43 =	vadd.f32 v61, v21;
	v61 =	vld [tilespmem:s8+$0xC970]  }
0x179: {  	v50 =	vmul.f32 v50, v27;
	v3 =	vmul.f32 v3, v31;
	v7 =	vadd.f32 v55, v4;
	v55 =	vld [tilespmem:s8+$0x990]  }
0x17a: {  	v57 =	vmul.f32 v57, v1;
	v60 =	vadd.f32 v48, v49;
	v49 =	vld [tilespmem:s8+$0xC950];
	v48 =	vperm.xlane v5, v8  }
0x17b: {  	v2 =	vadd.f32 v2, v11;
	v8 =	vmul.f32 v59, v22;
	v59 =	vmul.f32 v51, v24;
	v51 =	vld [tilespmem:s8+$0xC990]  }
0x17c: {  	v3 =	vadd.f32 v3, v20;
	v6 =	vmul.f32 v6, v43;
	v43 =	vadd.f32 v39, v54;
	v54 =	vld [tilespmem:s8+$0x9A0]  }
0x17d: {  	v41 =	vmov v0;
	v57 =	vadd.f32 v57, v0;
	v0 =	vadd.f32 v45, v14;
	v45 =	vld [tilespmem:s8+$0xC9B0]  }
0x17e: {  	v50 =	vadd.f32 v50, v15;
	v2 =	vmul.f32 v3, v2;
	v46 =	vadd.f32 v60, v58;
	v58 =	vld [tilespmem:s8+$0x970]  }
0x17f: {  	v44 =	vadd.f32 v56, v44;
	v52 =	vmul.f32 v52, v36;
	v60 =	vmul.f32 v62, v33;
	v62 =	vld [tilespmem:$0x1FD30]  }
0x180: {  	v53 =	vmul.f32 v53, v34;
	v47 =	vmul.f32 v47, v10;
	v39 =	vadd.f32 v59, v13;
	v59 =	vld [tilespmem:s8+$0x9B0]  }
0x181: {  	v4 =	vadd.f32 v8, v12;
	v52 =	vadd.f32 v52, v29;
	v8 =	vmul.f32 v61, v9;
	v61 =	vld [tilespmem:s8+$0xC9C0]  }
0x182: {  	v5 =	vadd.f32 v48, v5;
	v55 =	vmul.f32 v55, v19;
	v3 =	vadd.f32 v60, v23;
	v60 =	vld [tilespmem:s8+$0xC980]  }
0x183: {  	v53 =	vadd.f32 v53, v26;
	v49 =	vmul.f32 v49, v37;
	v39 =	vmul.f32 v52, v39;
	v52 =	vld [tilespmem:s8+$0x9C0]  }
0x184: {  	v47 =	vadd.f32 v47, v35;
	v54 =	vmul.f32 v54, v33;
	v3 =	vmul.f32 v57, v3;
	v57 =	vld [tilespmem:s8+$0xC9A0]  }
0x185: {  	v40 =	vmovc v1;
	v4 =	vmul.f32 v53, v4;
	v53 =	vadd.f32 v8, v38;
	v1 =	vadd.f32 v63, v62;
	v63 =	vld [tilespmem:s8+$0x980]  }
0x186: {  	v51 =	vmul.f32 v51, v31;
	v49 =	vadd.f32 v49, v32;
	v8 =	vadd.f32 v54, v23;
	v54 =	vld [tilespmem:s8+$0xA10]  }
0x187: {  	[tilespmem:$0x1FD50] =	vst v7;
	v2 =	vadd.f32 v2, v6;
	v45 =	vmul.f32 v45, v34;
	v7 =	vmul.f32 v59, v22;
	v59 =	vld [tilespmem:s8+$0xCA20]  }
0x188: {  	v62 =	vperm.xlane v46, v42;
	v3 =	vadd.f32 v4, v3;
	v48 =	vmul.f32 v49, v0;
	v49 =	vld [tilespmem:s8+$0x9D0]  }
0x189: {  	v51 =	vadd.f32 v51, v20;
	v45 =	vadd.f32 v45, v26;
	[tilespmem:$0x1FD70] =	vst v1;
	v1 =	vmul.f32 v58, v28;
	v58 =	vld [tilespmem:s8+$0xC9D0]  }
0x18a: {  	v6 =	vmul.f32 v60, v30;
	v60 =	vld [tilespmem:s8+$0x9E0];
	v2 =	vadd.f32 v3, v2;
	v3 =	vadd.f32 v7, v12  }
0x18b: {  	v47 =	vmul.f32 v47, v50;
	v50 =	vadd.f32 v1, v16;
	v1 =	vadd.f32 v55, v11;
	v55 =	vld [tilespmem:s8+$0x9F0]  }
0x18c: {  	v46 =	vadd.f32 v46, v62;
	v57 =	vmul.f32 v57, v40;
	v56 =	vmul.f32 v63, v18;
	v63 =	vld [tilespmem:s8+$0xC9F0]  }
0x18d: {  	v6 =	vadd.f32 v6, v17;
	v3 =	vmul.f32 v45, v3;
	v62 =	vmul.f32 v54, v19;
	v54 =	vld [tilespmem:s8+$0xA60]  }
0x18e: {  	v39 =	vadd.f32 v48, v39;
	v59 =	vmul.f32 v59, v40;
	v50 =	vmul.f32 v53, v50;
	v53 =	vld [tilespmem:s8+$0xCA00]  }
0x18f: {  	v48 =	vmul.f32 v51, v1;
	v57 =	vadd.f32 v57, v41;
	v51 =	vld [tilespmem:s8+$0xCA10];
	v1 =	vmul.f32 v61, v36  }
0x190: {  	v61 =	vld [tilespmem:s8+$0xA30];
	v0 =	vadd.f32 v56, v21;
	v49 =	vmul.f32 v49, v25;
	v58 =	vmul.f32 v58, v37  }
0x191: {  	v56 =	vld [tilespmem:s8+$0xC9E0];
	v60 =	vmul.f32 v60, v27;
	v47 =	vadd.f32 v50, v47;
	v50 =	vmul.f32 v57, v8  }
0x192: {  	v8 =	vmul.f32 v52, v24;
	v57 =	vld [tilespmem:s8+$0xA20];
	v52 =	vadd.f32 v1, v29;
	v45 =	vadd.f32 v49, v14  }
0x193: {  	v1 =	vld [tilespmem:s8+$0xAC0];
	v4 =	vmul.f32 v6, v0;
	v7 =	vadd.f32 v58, v32;
	v60 =	vadd.f32 v60, v15  }
0x194: {  	v6 =	vld [tilespmem:s8+$0xA00];
	v55 =	vmul.f32 v55, v28;
	v39 =	vadd.f32 v47, v39;
	v47 =	vadd.f32 v8, v13  }
0x195: {  	v58 =	vld [tilespmem:s8+$0xCA30];
	v8 =	vmul.f32 v63, v9;
	v3 =	vadd.f32 v3, v50;
	v54 =	vmul.f32 v54, v27  }
0x196: {  	v0 =	vld [tilespmem:s8+$0xA40];
	v49 =	vadd.f32 v55, v16;
	v4 =	vadd.f32 v48, v4;
	v61 =	vmul.f32 v61, v22  }
0x197: {  	v63 =	vld [tilespmem:s8+$0xCA40];
	v56 =	vmul.f32 v56, v10;
	v52 =	vmul.f32 v52, v47;
	v47 =	vadd.f32 v39, v2  }
0x198: {  	v2 =	vmul.f32 v7, v45;
	v45 =	vld [tilespmem:s8+$0xA50];
	v55 =	vadd.f32 v8, v38;
	v7 =	vmul.f32 v51, v31  }
0x199: {  	v51 =	vld [tilespmem:s8+$0xCA60];
	v8 =	vadd.f32 v59, v41;
	v54 =	vadd.f32 v54, v15;
	v57 =	vmul.f32 v57, v33  }
0x19a: {  	v59 =	vld [tilespmem:s8+$0xAA0];
	v3 =	vadd.f32 v3, v4;
	v4 =	vadd.f32 v61, v12;
	v1 =	vmul.f32 v1, v24  }
0x19b: {  	v61 =	vld [tilespmem:s8+$0xCAA0];
	v56 =	vadd.f32 v56, v35;
	v6 =	vmul.f32 v6, v18;
	v49 =	vmul.f32 v55, v49  }
0x19c: {  	v55 =	vld [tilespmem:s8+$0xA70];
	v50 =	vadd.f32 v7, v20;
	v2 =	vadd.f32 v2, v52;
	v0 =	vmul.f32 v0, v24  }
0x19d: {  	v52 =	vld [tilespmem:s8+$0xCA90];
	v1 =	vadd.f32 v1, v13;
	v39 =	vmul.f32 v56, v60;
	v60 =	vmul.f32 v53, v30  }
0x19e: {  	v56 =	vld [tilespmem:s8+$0xCA50];
	v6 =	vadd.f32 v6, v21;
	v53 =	vadd.f32 v62, v11;
	v62 =	vmul.f32 v58, v34  }
0x19f: {  	v58 =	vld [tilespmem:s8+$0xA90];
	v0 =	vadd.f32 v0, v13;
	v45 =	vmul.f32 v45, v25;
	v51 =	vmul.f32 v51, v10  }
0x1a0: {  	v48 =	vadd.f32 v60, v17;
	v60 =	vld [tilespmem:s8+$0xCA70];
	v39 =	vadd.f32 v49, v39;
	v50 =	vmul.f32 v50, v53  }
0x1a1: {  	v49 =	vld [tilespmem:s8+$0xA80];
	v7 =	vadd.f32 v62, v26;
	v45 =	vadd.f32 v45, v14;
	v55 =	vmul.f32 v55, v28  }
0x1a2: {  	v53 =	vld [tilespmem:s8+$0xCA80];
	v51 =	vadd.f32 v51, v35;
	v52 =	vmul.f32 v52, v31;
	v6 =	vmul.f32 v48, v6  }
0x1a3: {  	v62 =	vld [tilespmem:s8+$0xAB0];
	v48 =	vadd.f32 v57, v23;
	v2 =	vadd.f32 v39, v2;
	v4 =	vmul.f32 v7, v4  }
0x1a4: {  	v56 =	vmul.f32 v56, v37;
	v51 =	vmul.f32 v51, v54;
	v54 =	vadd.f32 v55, v16;
	v55 =	vld [tilespmem:s8+$0xAD0]  }
0x1a5: {  	v52 =	vadd.f32 v52, v20;
	v39 =	vmul.f32 v8, v48;
	v8 =	vmul.f32 v63, v36;
	v63 =	vld [tilespmem:s8+$0xCAB0]  }
0x1a6: {  	v48 =	vadd.f32 v2, v3;
	v3 =	vld [tilespmem:s8+$0xCAC0];
	v6 =	vadd.f32 v50, v6;
	v7 =	vmul.f32 v60, v9  }
0x1a7: {  	v50 =	vld [tilespmem:s8+$0xCAD0];
	v56 =	vadd.f32 v56, v32;
	v49 =	vmul.f32 v49, v18;
	v60 =	vmul.f32 v58, v19  }
0x1a8: {  	v58 =	vld [tilespmem:s8+$0xCAE0];
	v57 =	vadd.f32 v8, v29;
	v4 =	vadd.f32 v4, v39;
	v8 =	vmul.f32 v53, v30  }
0x1a9: {  	v45 =	vmul.f32 v56, v45;
	v2 =	vadd.f32 v7, v38;
	v56 =	vld [tilespmem:s8+$0xAE0];
	v49 =	vadd.f32 v49, v21  }
0x1aa: {  	v7 =	vmul.f32 v59, v33;
	v53 =	vadd.f32 v60, v11;
	v60 =	vld [tilespmem:s8+$0xAF0];
	v0 =	vmul.f32 v57, v0  }
0x1ab: {  	v39 =	vadd.f32 v8, v17;
	v8 =	vmul.f32 v61, v40;
	v57 =	vld [tilespmem:s8+$0xCAF0];
	v2 =	vmul.f32 v2, v54  }
0x1ac: {  	v61 =	vld [tilespmem:s8+$0xB10];
	v54 =	vadd.f32 v7, v23;
	v7 =	vmul.f32 v62, v22;
	v3 =	vmul.f32 v3, v36  }
0x1ad: {  	v62 =	vmul.f32 v55, v25;
	v50 =	vmul.f32 v50, v37;
	v55 =	vld [tilespmem:s8+$0xCB20];
	v59 =	vadd.f32 v8, v41  }
0x1ae: {  	v8 =	vmul.f32 v63, v34;
	v63 =	vld [tilespmem:s8+$0xB00];
	v0 =	vadd.f32 v45, v0;
	v39 =	vmul.f32 v39, v49  }
0x1af: {  	v45 =	vmul.f32 v52, v53;
	v52 =	vld [tilespmem:s8+$0xCB00];
	v49 =	vadd.f32 v4, v6;
	v7 =	vadd.f32 v7, v12  }
0x1b0: {  	v58 =	vmul.f32 v58, v10;
	v2 =	vadd.f32 v2, v51;
	v51 =	vld [tilespmem:s8+$0xCB10];
	v3 =	vadd.f32 v3, v29  }
0x1b1: {  	v6 =	vadd.f32 v62, v14;
	v50 =	vadd.f32 v50, v32;
	v62 =	vld [tilespmem:s8+$0xCB30];
	v53 =	vmul.f32 v59, v54  }
0x1b2: {  	v8 =	vadd.f32 v8, v26;
	v54 =	vld [tilespmem:s8+$0xB20];
	v56 =	vmul.f32 v56, v27;
	v60 =	vmul.f32 v60, v28  }
0x1b3: {  	v59 =	vld [tilespmem:s8+$0xB30];
	v39 =	vadd.f32 v45, v39;
	v57 =	vmul.f32 v57, v9;
	v1 =	vmul.f32 v3, v1  }
0x1b4: {  	v45 =	vld [tilespmem:s8+$0xCB50];
	v6 =	vmul.f32 v50, v6;
	v0 =	vadd.f32 v2, v0;
	v61 =	vmul.f32 v61, v19  }
0x1b5: {  	v4 =	vmul.f32 v8, v7;
	v3 =	vadd.f32 v56, v15;
	v56 =	vadd.f32 v58, v35;
	v58 =	vld [tilespmem:s8+$0xB40]  }
0x1b6: {  	v7 =	vadd.f32 v60, v16;
	v60 =	vld [tilespmem:s8+$0xCB40];
	v55 =	vmul.f32 v55, v40;
	v57 =	vadd.f32 v57, v38  }
0x1b7: {  	v8 =	vmul.f32 v63, v18;
	v52 =	vmul.f32 v52, v30;
	v63 =	vld [tilespmem:s8+$0xB50];
	v1 =	vadd.f32 v6, v1  }
0x1b8: {  	v3 =	vmul.f32 v56, v3;
	v4 =	vadd.f32 v4, v53;
	v6 =	vmul.f32 v51, v31;
	v51 =	vld [tilespmem:s8+$0xCB60]  }
0x1b9: {  	v50 =	vmul.f32 v57, v7;
	v2 =	vadd.f32 v8, v21;
	v52 =	vadd.f32 v52, v17;
	v57 =	vld [tilespmem:s8+$0xB60]  }
0x1ba: {  	v55 =	vadd.f32 v55, v41;
	v8 =	vmul.f32 v59, v22;
	v7 =	vld [tilespmem:s8+$0xCB80];
	v45 =	vmul.f32 v45, v37  }
0x1bb: {  	v59 =	vld [tilespmem:s8+$0xCB70];
	v6 =	vadd.f32 v6, v20;
	v4 =	vadd.f32 v4, v39;
	v2 =	vmul.f32 v52, v2  }
0x1bc: {  	v52 =	vadd.f32 v61, v11;
	v61 =	vmul.f32 v54, v33;
	v54 =	vld [tilespmem:s8+$0xB70];
	v58 =	vmul.f32 v58, v24  }
0x1bd: {  	v56 =	vadd.f32 v8, v12;
	v60 =	vmul.f32 v60, v36;
	v8 =	vld [tilespmem:s8+$0xCB90];
	v3 =	vadd.f32 v50, v3  }
0x1be: {  	v45 =	vadd.f32 v45, v32;
	v53 =	vadd.f32 v61, v23;
	v61 =	vmul.f32 v62, v34;
	v62 =	vld [tilespmem:s8+$0xB80]  }
0x1bf: {  	v63 =	vmul.f32 v63, v25;
	v58 =	vadd.f32 v58, v13;
	v7 =	vmul.f32 v7, v30;
	v30 =	vld [tilespmem:s8+$0xCBE0]  }
0x1c0: {  	v6 =	vmul.f32 v6, v52;
	v60 =	vadd.f32 v60, v29;
	v52 =	vadd.f32 v61, v26;
	v61 =	vld [tilespmem:s8+$0xB90]  }
0x1c1: {  	v51 =	vmul.f32 v51, v10;
	v63 =	vadd.f32 v63, v14;
	v50 =	vmul.f32 v55, v53;
	v53 =	vld [tilespmem:s8+$0xBA0]  }
0x1c2: {  	v1 =	vadd.f32 v3, v1;
	v55 =	vmul.f32 v60, v58;
	v58 =	vld [tilespmem:s8+$0xCBA0];
	v60 =	vmul.f32 v57, v27  }
0x1c3: {  	v57 =	vld [tilespmem:s8+$0xBB0];
	v51 =	vadd.f32 v51, v35;
	v2 =	vadd.f32 v6, v2;
	v3 =	vmul.f32 v45, v63  }
0x1c4: {  	v1 =	vadd.f32 v1, v4;
	v63 =	vmul.f32 v54, v28;
	v54 =	vld [tilespmem:s8+$0xCBB0];
	v8 =	vmul.f32 v8, v31  }
0x1c5: {  	v52 =	vmul.f32 v52, v56;
	v39 =	vadd.f32 v60, v15;
	v56 =	vmul.f32 v59, v9;
	v59 =	vld [tilespmem:s8+$0xBC0]  }
0x1c6: {  	v7 =	vadd.f32 v7, v17;
	v60 =	vld [tilespmem:s8+$0xCBD0];
	v45 =	vadd.f32 v63, v16;
	v18 =	vmul.f32 v62, v18  }
0x1c7: {  	v62 =	vld [tilespmem:s8+$0xCBC0];
	v56 =	vadd.f32 v56, v38;
	v39 =	vmul.f32 v51, v39;
	v51 =	vmul.f32 v30, v10  }
0x1c8: {  	v63 =	vld [tilespmem:s8+$0xBD0];
	v61 =	vmul.f32 v61, v19;
	v18 =	vadd.f32 v18, v21;
	v21 =	vmul.f32 v53, v33  }
0x1c9: {  	v8 =	vadd.f32 v8, v20;
	v20 =	vld [tilespmem:s8+$0xBE0];
	v31 =	vmul.f32 v58, v40;
	v40 =	vmul.f32 v57, v22  }
0x1ca: {  	v50 =	vadd.f32 v52, v50;
	v33 =	vld [tilespmem:s8+$0xBF0];
	v45 =	vmul.f32 v56, v45;
	v54 =	vmul.f32 v54, v34  }
0x1cb: {  	v51 =	vadd.f32 v51, v35;
	v19 =	vadd.f32 v61, v11;
	v6 =	vmul.f32 v7, v18;
	v11 =	vld [tilespmem:s8+$0xCBF0]  }
0x1cc: {  	v7 =	vadd.f32 v21, v23;
	v52 =	vadd.f32 v31, v41;
	v17 =	vmul.f32 v59, v24  }
0x1cd: {  	v56 =	vadd.f32 v40, v12;
	v60 =	vmul.f32 v60, v37;
	v18 =	vmul.f32 v62, v36  }
0x1ce: {  	v54 =	vadd.f32 v54, v26;
	v61 =	vmul.f32 v20, v27;
	v8 =	vmul.f32 v8, v19  }
0x1cf: {  	v19 =	vmul.f32 v63, v25;
	v58 =	vadd.f32 v17, v13;
	v60 =	vadd.f32 v60, v32  }
0x1d0: {  	v59 =	vadd.f32 v18, v29;
	v53 =	vmul.f32 v33, v28;
	v57 =	vmul.f32 v11, v9  }
0x1d1: {  	v7 =	vmul.f32 v52, v7;
	v20 =	vadd.f32 v61, v15;
	v62 =	vadd.f32 v19, v14  }
0x1d2: {  	v54 =	vmul.f32 v54, v56;
	v53 =	vadd.f32 v53, v16;
	v21 =	vadd.f32 v57, v38  }
0x1d3: {  	v3 =	vadd.f32 v3, v55;
	v22 =	vmul.f32 v59, v58;
	v24 =	vmul.f32 v51, v20  }
0x1d4: {  	v39 =	vadd.f32 v45, v39;
	v23 =	vmul.f32 v60, v62;
	v25 =	vmul.f32 v21, v53  }
0x1d5: {  	v37 =	vld [tilespmem:$0x1FD50];
	v6 =	vadd.f32 v8, v6;
	v7 =	vadd.f32 v54, v7  }
0x1d6: {  	v28 =	vld [tilespmem:$0x1FF90];
	v26 =	vadd.f32 v23, v22;
	v45 =	vadd.f32 v25, v24  }
0x1d7: {  	v30 =	vperm.xlane v48, v42;
	v2 =	vadd.f32 v50, v2;
	v3 =	vadd.f32 v39, v3  }
0x1d8: {  	v6 =	vadd.f32 v7, v6;
	v27 =	vadd.f32 v45, v26  }
0x1d9: {  	v0 =	vadd.f32 v0, v49;
	v4 =	vadd.f32 v48, v30  }
0x1da: {  	v34 =	vperm.xlane v1, v42;
	v40 =	vld [tilespmem:$0x1FFC0];
	v2 =	vadd.f32 v3, v2;
	v31 =	vadd.f32 v27, v6  }
0x1db: {  	v38 =	vsel vm0, v37, v43;
	v43 =	vld [tilespmem:$0x1FFB0];
	v29 =	vperm.xlane v47, v28;
	v33 =	vperm.xlane v0, v28  }
0x1dc: {  	v1 =	vadd.f32 v1, v34;
	v35 =	vperm.xlane v2, v28;
	v36 =	vperm.xlane v31, v42  }
0x1dd: {  	v52 =	vld [tilespmem:$0x1FD70];
	v32 =	vadd.f32 v29, v47;
	v0 =	vadd.f32 v33, v0  }
0x1de: {  	v5 =	vsel vm0, v5, v46;
	v51 =	vld [tilespmem:$0x1FD60];
	v2 =	vadd.f32 v35, v2;
	v3 =	vadd.f32 v31, v36  }
0x1df: {  	v41 =	vperm.xlane v38, v40;
	v53 =	vld [tilespmem:$0x1FFD0];
	v4 =	vsel vm0, v32, v4;
	v0 =	vsel vm0, v0, v1  }
0x1e0: {  	v55 =	vld [tilespmem:$0x1FFE0];
	v45 =	vperm.xlane v5, v43;
	v46 =	vperm.xlane v4, v40;
	v47 =	vsel vm0, v2, v3  }
0x1e1: {  	v48 =	vadd.f32 v38, v41;
	v49 =	vperm.xlane v0, v43;
	v50 =	vperm.xlane v47, v40  }
0x1e2: {  	v5 =	vadd.f32 v45, v5;
	v4 =	vadd.f32 v4, v46  }
0x1e3: {  	v6 =	vsel vm1, v51, v52;
	v0 =	vadd.f32 v49, v0;
	v1 =	vadd.f32 v47, v50  }
0x1e4: {  	v54 =	vperm.xlane v6, v53;
	v2 =	vsel vm1, v44, v48  }
0x1e5: {  	v4 =	vsel vm1, v5, v4;
	v56 =	vperm.xlane v2, v55;
	v0 =	vsel vm1, v0, v1  }
0x1e6: {  	v59 =	vld [tilespmem:$0x1FFF0];
	v57 =	vperm.xlane v4, v53;
	v58 =	vperm.xlane v0, v55  }
0x1e7: {  	v3 =	vadd.f32 v54, v6;
	v2 =	vadd.f32 v2, v56  }
0x1e8: {  	v1 =	vadd.f32 v57, v4;
	v0 =	vadd.f32 v0, v58;
	_ =	sdelay $0x1  }
0x1e9: {  	s8 =	sshra.s32 s31, $0x2;
	v2 =	vsel vm2, v3, v2;
	v0 =	vsel vm2, v1, v0  }
0x1ea: {  	v61 =	vld [tilespmem:s8+$0x18600];
	v60 =	vperm.xlane v2, v59;
	v3 =	vperm.xlane v0, v59;
	_ =	sdelay $0x1  }
0x1eb: {  	v62 =	vld [tilespmem:s8+$0x18800];
	v1 =	vadd.f32 v60, v2;
	v0 =	vadd.f32 v0, v3;
	_ =	sdelay $0x1  }
0x1ec: {  	v63 =	vld [tilespmem:$0x1FF80];
	v0 =	vsel vm3, v1, v0  }
0x1ed: {  	v0 =	vadd.f32 v0, v61;
	_ =	sdelay $0x1  }
0x1ee: {  	v0 =	vadd.f32 v0, v62;
	_ =	sdelay $0x1  }
0x1ef: {  	v0 =	vadd.f32 v0, v63  }
0x1f0: {  	p0 =	sne.s32 s31, $0x1C0  }
0x1f1: {  	s2 =	simm.s32 @!p0 $0x80;
	s3 =	simm.s32 @!p0 $0x400;
	[tilespmem:s8+$0x18400] =	vst v0;
	s8 =	simm.s32 @!p0 $0x180  }
0x1f2: {  	[tilespmem:s3], [sflag:$0x1] =	stream.indirect.gather @!p0 [hbm4b:s0+s2], $0x80, s8, s2, $0xb8;
	[tilespmem:$0x18C80] =	vst v63  }
0x1f3: {  	s31 =	sadd.s32 $0x40, s31;
	s3 =	simm.s32 @!p0 $0x380;
	s8 =	simm.s32 @!p0 $0xC400  }
0x1f4: {  	[tilespmem:s8], [sflag:$0x4] =	stream.indirect.gather @!p0 [hbm4b:s1+s2], $0x80, s3, s2, $0xb8;
	[tilespmem:$0x18C80] =	vst v63  }
0x1f5: {  	p0 =	sne.s32 s31, $0x800  }
.Ltmp3:
0x1f6: {  	_ = 	snop;
	(pc) =	sbr.rel @!p0 .LBB2_11-.Ltmp3, $2  }
0x1f7: {  	_ =	sdelay $0x2  }
0x1f8: {  	s6 =	sadd.s32 $0x1, s6;
	s29 =	sadd.s32 $0x800, s29  }
.LBB2_2:
0x1f9: {  	p0 =	sgt.s32 s6, $0xF  }
.Ltmp4:
0x1fa: {  	_ = 	snop;
	(pc) =	sbr.rel @p0 .LBB2_6-.Ltmp4, $2  }
0x1fb: {  	_ =	sdelay $0x2  }
0x1fc: {  	s8 =	simm.s32 $0x4;
	s2 =	simm.s32 $0x1  }
0x1fd: {  	p0 =	seq.s32 s6, $0x0  }
.Ltmp5:
0x1fe: {  	_ = 	snop;
	(pc) =	sbr.rel @p0 .LBB2_9-.Ltmp5, $1  }
0x1ff: {  	_ =	sdelay $0x3  }
0x200: {  	p0 =	seq.s32 s6, $0x8  }
.Ltmp6:
0x201: {  	_ = 	snop;
	(pc) =	sbr.rel @!p0 .LBB2_10-.Ltmp6, $1  }
0x202: {  	_ =	sdelay $0x3  }
.Ltmp7:
0x203: {  	(pc) =	sbr.rel .LBB2_9-.Ltmp7, $2  }
0x204: {  	_ =	sdelay $0x2  }
0x205: {  	s8 =	simm.s32 $0x5;
	s2 =	simm.s32 $0x2  }
.LBB2_6:
0x206: {  	p0 =	seq.s32 s6, $0x10  }
.Ltmp8:
0x207: {  	_ = 	snop;
	(pc) =	sbr.rel @p0 .LBB2_8-.Ltmp8, $1  }
0x208: {  	_ =	sdelay $0x3  }
0x209: {  	p0 =	seq.s32 s6, $0x18  }
.Ltmp9:
0x20a: {  	_ = 	snop;
	(pc) =	sbr.rel @p0 .LBB2_9-.Ltmp9, $4  }
.Ltmp10:
0x20b: {  	_ = 	snop;
	(pc) =	sbr.rel @!p0 .LBB2_10-.Ltmp10, $4  }
0x20c: {  	_ = 	snop  }
0x20d: {  	_ = 	snop  }
0x20e: {  	_ = 	snop  }
0x20f: {  	_ = 	snop  }
.LBB2_12:
0x210: {  	_ =	sfence.sel $0x180000  }
0x211: {  	[bflag:$0x0] =	sbarrier.arrive $0xFFFF  }
0x212: {  	_ =	strace $0x90000047  }
0x213: {  	s0 =	stileid.u32;
	[bflag:$0x2] =	sbarrier.arrive $0xFFFF  }
0x214: {  	p0 =	sne.s32 s0, $0x0;
	s0 =	rddreg [dreg:$0xc]  }
0x215: {  	s0 =	sadd.s32 @!p0 $0x100000, s0  }
0x216: {  	[sflag:s0] =	ssyncadd.tile.s32 @!p0 $0x1;
	_ =	shalt  }
.Lfunc_end2:
_tile_overlayer_lowered:
.L_overlay_start_2:
0x217: {  	(tag) =	ssettag $0x2  }
0x218: {  	s0 =	rddreg [dreg:$0x0];
	s2 =	stileid.u32  }
0x219: {  	s1 =	rddreg [dreg:$0x1];
	p0 =	sne.s32 s2, $0x0  }
0x21a: {  	s3 =	rddreg [dreg:$0x2];
	[bflag:$0x3] =	sbarrier.arrive $0xFFFF;
	s2 =	simm.s32 @!p0 $0x1C08  }
0x21b: {  	[timem:s3], [sflag:s2] =	dma.local @!p0 [hbm:s0], s1  }
0x21c: {  	s0 =	simm.s32 @!p0 $0x8  }
0x21d: {  	_ =	swait.ge @!p0 [sflag:s0], s1  }
0x21e: {  	s1 =	ssub.s32 @!p0 $0x0, s1;
	[sflag:s0] =	ssyncset.done @!p0 $0x0  }
0x21f: {  	[sflag:s0] =	ssyncadd.s32 @!p0 s1  }
0x220: {  	[bflag:$0x3] =	sbarrier.arrive $0xFFFF  }
0x221: {  	_ =	shalt  }

</sc_bundles>
